<compile_context>
chip_gen: v7x
topology: tpu7x:2x2x1
jax: 0.10.2.dev20260603
libtpu: 0.0.44.dev20260713+nightly
codegen_flags: <defaults>
</compile_context>

<pallas_src>
import jax
import jax.numpy as jnp
from jax import lax
from jax.experimental import pallas as pl
from jax.experimental.pallas import tpu as pltpu
from jax.experimental.pallas import tpu_sc as plsc

B = 16384
L = 200
T = 100000
NC, NS = 2, 16
NW = NC * NS
ROWS_L = B // (NW // 2)
ROWS_R = B // NW
PC = 8
NCH = L // PC

_GDN = lax.GatherDimensionNumbers(offset_dims=(), collapsed_slice_dims=(0,),
                                  start_index_map=(0,))


def _reg_gather(table_vec, idx):
    return lax.gather(table_vec, idx[:, None], _GDN, (1,),
                      mode=lax.GatherScatterMode.PROMISE_IN_BOUNDS)


def _sc_body(sll_t, ill_t, sid, iid, cid, bid,
             w_big, w_shop, w_item, w_cat, w_brand,
             out_shop, out_item,
             tbl, lb0, lb1, lacc, racc, sidx, svals, sidx2, svals2,
             sem_t, sem_a, sem_b, sem_g, sem_g2):
    c = lax.axis_index("c")
    s = lax.axis_index("s")
    wid = s * NC + c
    is_a = wid < (NW // 2)
    not_a = jnp.logical_not(is_a)
    wl = jnp.where(is_a, wid, wid - NW // 2)
    lbase = wl * ROWS_L
    rloc = jnp.where(is_a, 0, ROWS_R)
    rbase = lbase + rloc

    widx = jnp.where(is_a, 0, 1)
    pltpu.async_copy(w_big.at[widx], tbl, sem_t)

    def _prime(src_t, bbase, width, b0, b1, s0, s1):
        bb = pl.multiple_of(bbase, 128)
        pltpu.async_copy(src_t.at[pl.ds(0, PC), pl.ds(bb, width)], b0, s0)
        pltpu.async_copy(src_t.at[pl.ds(PC, PC), pl.ds(bb, width)], b1, s1)

    @pl.when(is_a)
    def _():
        _prime(sll_t, lbase, ROWS_L, lb0, lb1, sem_a, sem_b)

    @pl.when(not_a)
    def _():
        _prime(ill_t, lbase, ROWS_L, lb0, lb1, sem_a, sem_b)

    cols = ((sid, w_shop), (iid, w_item), (cid, w_cat), (bid, w_brand))
    bufs = ((sidx, svals, sem_g), (sidx2, svals2, sem_g2))

    def fire(w_hbm, ib, vb, sem):
        for j in range(ROWS_R // 128):
            pltpu.async_copy(w_hbm.at[0].at[ib.at[pl.ds(j * 128, 128)]],
                             vb.at[pl.ds(j * 128, 128)], sem)

    def drain_g(w_hbm, ib, vb, sem):
        for j in range(ROWS_R // 128):
            pltpu.make_async_copy(w_hbm.at[0].at[ib.at[pl.ds(j * 128, 128)]],
                                  vb.at[pl.ds(j * 128, 128)], sem).wait()

    pltpu.sync_copy(cols[0][0].at[pl.ds(rbase, ROWS_R)], sidx)
    fire(cols[0][1], sidx, svals, sem_g)
    for col in range(4):
        ib, vb, sem = bufs[col % 2]
        if col + 1 < 4:
            nib, nvb, nsem = bufs[(col + 1) % 2]
            pltpu.sync_copy(cols[col + 1][0].at[pl.ds(rbase, ROWS_R)], nib)
            fire(cols[col + 1][1], nib, nvb, nsem)
        drain_g(cols[col][1], ib, vb, sem)
        first = col == 0

        def s_body(k, carry, ib=ib, vb=vb, first=first):
            iv = ib[pl.ds(k * 16, 16)]
            vv = vb[pl.ds(k * 16, 16)]
            contrib = jnp.where(iv != 0, vv, 0.0)
            if first:
                racc[pl.ds(k * 16, 16)] = contrib
            else:
                racc[pl.ds(k * 16, 16)] = (racc[pl.ds(k * 16, 16)]
                                           + contrib)
            return carry

        lax.fori_loop(0, ROWS_R // 16, s_body, 0)

    def pooled(bbase, width, acc_ref, b0, b1, s0, s1, table_ref):
        def dma(ci, buf, sem):
            p0 = pl.multiple_of(ci * PC, PC)
            bb = pl.multiple_of(bbase, 128)

            @pl.when(is_a)
            def _():
                pltpu.async_copy(sll_t.at[pl.ds(p0, PC), pl.ds(bb, width)],
                                 buf, sem)

            @pl.when(not_a)
            def _():
                pltpu.async_copy(ill_t.at[pl.ds(p0, PC), pl.ds(bb, width)],
                                 buf, sem)

        def drain(buf, sem):
            bb = pl.multiple_of(bbase, 128)
            pltpu.make_async_copy(sll_t.at[pl.ds(0, PC), pl.ds(bb, width)],
                                  buf, sem).wait()

        def process(buf):
            def g_body(g, carry):
                o = g * 32
                accs = [acc_ref[pl.ds(o + 16 * u, 16)] for u in range(2)]
                for l in range(PC):
                    ivs = [buf[l, pl.ds(o + 16 * u, 16)] for u in range(2)]
                    gvs = [plsc.load_gather(table_ref, [iv])
                           for iv in ivs]
                    accs = [a + jnp.where(iv != 0, gv, 0.0)
                            for a, iv, gv in zip(accs, ivs, gvs)]
                for u in range(2):
                    acc_ref[pl.ds(o + 16 * u, 16)] = accs[u]
                return carry

            lax.fori_loop(0, width // 32, g_body, 0)

        def pair_body(p, carry):
            ci0 = 2 * p
            drain(b0, s0)
            process(b0)

            @pl.when(ci0 + 2 < NCH)
            def _():
                dma(ci0 + 2, b0, s0)

            drain(b1, s1)
            process(b1)

            @pl.when(ci0 + 3 < NCH)
            def _():
                dma(ci0 + 3, b1, s1)

            return carry

        lax.fori_loop(0, NCH // 2, pair_body, 0)
        drain(b0, s0)
        process(b0)

    zv = jnp.zeros((16,), jnp.float32)

    def z_body(g, carry):
        lacc[pl.ds(g * 16, 16)] = zv
        return carry

    lax.fori_loop(0, ROWS_L // 16, z_body, 0)
    pltpu.make_async_copy(w_big.at[0], tbl, sem_t).wait()

    pooled(lbase, ROWS_L, lacc, lb0, lb1, sem_a, sem_b, tbl)

    def f_body(k, carry):
        o = k * 16
        lacc[pl.ds(rloc + o, 16)] = (lacc[pl.ds(rloc + o, 16)]
                                     + racc[pl.ds(o, 16)])
        return carry

    lax.fori_loop(0, ROWS_R // 16, f_body, 0)

    @pl.when(is_a)
    def _():
        pltpu.sync_copy(lacc, out_shop.at[pl.ds(lbase, ROWS_L)])

    @pl.when(not_a)
    def _():
        pltpu.sync_copy(lacc, out_item.at[pl.ds(lbase, ROWS_L)])


_sc_call = pl.kernel(
    _sc_body,
    out_type=(jax.ShapeDtypeStruct((B,), jnp.float32),
              jax.ShapeDtypeStruct((B,), jnp.float32)),
    mesh=plsc.VectorSubcoreMesh(core_axis_name="c", subcore_axis_name="s"),
    compiler_params=pltpu.CompilerParams(needs_layout_passes=False),
    scratch_types=[
        pltpu.VMEM((T,), jnp.float32),
        pltpu.VMEM((PC, ROWS_L), jnp.int32),
        pltpu.VMEM((PC, ROWS_L), jnp.int32),
        pltpu.VMEM((ROWS_L,), jnp.float32),
        pltpu.VMEM((ROWS_R,), jnp.float32),
        pltpu.VMEM((ROWS_R,), jnp.int32),
        pltpu.VMEM((ROWS_R,), jnp.float32),
        pltpu.VMEM((ROWS_R,), jnp.int32),
        pltpu.VMEM((ROWS_R,), jnp.float32),
        pltpu.SemaphoreType.DMA,
        pltpu.SemaphoreType.DMA,
        pltpu.SemaphoreType.DMA,
        pltpu.SemaphoreType.DMA,
        pltpu.SemaphoreType.DMA,
    ],
)

BLKB = 2048


def _tc_body(price_t, hlist_t, ttl_t, tid, wtt, wttl, r7, r30, r90, hr,
             out_ref):
    ttl = ttl_t[...]
    emb = jnp.zeros(ttl.shape, jnp.float32)
    tv = tid[...]
    tsum = jnp.zeros(tv.shape, jnp.float32)
    for k in range(1, 6):
        emb = emb + jnp.where(ttl == k, wttl[0, k], 0.0)
        tsum = tsum + jnp.where(tv == k, wtt[0, k], 0.0)
    srow = (jnp.sum(price_t[...], axis=0) + jnp.sum(hlist_t[...], axis=0)
            + jnp.sum(emb, axis=0))
    out_ref[...] = srow + tsum + r7[...] + r30[...] + r90[...] + hr[...]


def _tc_call(price_t, hours_t, ttl_t, tid, wtt, wttl,
             rank_7, rank_30, rank_90, hours):
    vec = pl.BlockSpec((BLKB,), lambda i: (i,))
    mat = pl.BlockSpec((L, BLKB), lambda i: (0, i))
    sml = pl.BlockSpec((1, 8), lambda i: (0, 0))
    return pl.pallas_call(
        _tc_body,
        grid=(B // BLKB,),
        in_specs=[mat, mat, mat, vec, sml, sml, vec, vec, vec, vec],
        out_specs=vec,
        out_shape=jax.ShapeDtypeStruct((B,), jnp.float32),
    )(price_t, hours_t, ttl_t, tid, wtt, wttl,
      rank_7, rank_30, rank_90, hours)


def _add_body(a, b_, c_, out_ref):
    out_ref[...] = a[...] + b_[...] + c_[...]


def _add_call(a, b_, c_):
    vec = pl.BlockSpec((B,), lambda: (0,))
    return pl.pallas_call(
        _add_body,
        in_specs=[vec, vec, vec],
        out_specs=vec,
        out_shape=jax.ShapeDtypeStruct((B,), jnp.float32),
    )(a, b_, c_)


def kernel(shop_id, item_id, category_1_id, brand_id, time_type,
           shop_id_list, item_id_list, time_type_list,
           rank_7, rank_30, rank_90, hours, price_list, hours_list,
           W_shop_id, W_item_id, W_category_1_id, W_brand_id, W_time_type,
           W_shop_id_list, W_item_id_list, W_time_type_list):
    p_shop, p_item = _sc_call(
        shop_id_list.T, item_id_list.T,
        shop_id.astype(jnp.int32), item_id.astype(jnp.int32),
        category_1_id.astype(jnp.int32), brand_id.astype(jnp.int32),
        jnp.concatenate([W_shop_id_list.T, W_item_id_list.T], axis=0),
        W_shop_id.T, W_item_id.T, W_category_1_id.T, W_brand_id.T)
    wtt = jnp.pad(W_time_type.T, ((0, 0), (0, 8 - W_time_type.shape[0])))
    wttl = jnp.pad(W_time_type_list.T,
                   ((0, 0), (0, 8 - W_time_type_list.shape[0])))
    dense = _tc_call(price_list.T, hours_list.T, time_type_list.T,
                     time_type.astype(jnp.int32), wtt, wttl,
                     rank_7.reshape(-1), rank_30.reshape(-1),
                     rank_90.reshape(-1), hours.reshape(-1))
    out = _add_call(dense, p_shop, p_item)
    return out.reshape(B, 1)

# --- scband reference (transcript-rebuilt; emitter-appended) ---
"""Pipeline reference for scband-sparse-linear-38646115729862 (READ-ONLY COPY).

The authoritative reference and input builder live on the scoring server;
editing this copy changes nothing except your own understanding.
"""

import jax, jax.numpy as jnp
import numpy as np

CONTINUOUS_COLUMNS = ['rank_7', 'rank_30', 'rank_90', 'hours']
CONTINUOUS_HISTORY_COLUMNS = ['price_list', 'hours_list']
HASH_BUCKET_SIZES = 100000
HISTORY_COLUMN = ['shop_id_list', 'item_id_list', 'category_1_id_list', 'merge_standard_food_id_list', 'brand_id_list', 'price_list', 'shop_aoi_id_list', 'shop_geohash6_list', 'timediff_list', 'hours_list', 'time_type_list', 'weekdays_list']
TYPE_COLS = ['time_type', 'time_type_list']
TYPE_LIST = ['lunch', 'night', 'dinner', 'tea', 'breakfast']
WIDE_COLUMNS = ['shop_id', 'item_id', 'category_1_id', 'brand_id', 'time_type', 'shop_id_list', 'item_id_list', 'time_type_list', 'rank_7', 'rank_30', 'rank_90', 'hours', 'price_list', 'hours_list']
EMB_COLS = [n for n in WIDE_COLUMNS if n not in CONTINUOUS_COLUMNS + CONTINUOUS_HISTORY_COLUMNS]
B = 16384
L = 200


def setup_inputs(seed: int = 0):
    key = jax.random.key(seed)
    ks = jax.random.split(key, 32)
    inp = {}
    i = 0
    for name in ['shop_id', 'item_id', 'category_1_id', 'brand_id']:
        inp[name] = jax.random.randint(ks[i], (B,), 0, HASH_BUCKET_SIZES, dtype=jnp.int32).astype(jnp.int64 if jax.config.jax_enable_x64 else jnp.int32)
        i += 1
    inp['time_type'] = jax.random.randint(ks[i], (B,), 0, len(TYPE_LIST) + 1, dtype=jnp.int32); i += 1
    for name in ['shop_id_list', 'item_id_list']:
        inp[name] = jax.random.randint(ks[i], (B, L), 0, HASH_BUCKET_SIZES, dtype=jnp.int32); i += 1
    inp['time_type_list'] = jax.random.randint(ks[i], (B, L), 0, len(TYPE_LIST) + 1, dtype=jnp.int32); i += 1
    for name in CONTINUOUS_COLUMNS:
        inp[name] = jax.random.normal(ks[i], (B, 1), dtype=jnp.float32); i += 1
    for name in CONTINUOUS_HISTORY_COLUMNS:
        inp[name] = jax.random.normal(ks[i], (B, L), dtype=jnp.float32); i += 1
    for name in EMB_COLS:
        rows = (len(TYPE_LIST) + 1) if name in TYPE_COLS else HASH_BUCKET_SIZES
        inp['W_' + name] = jax.random.normal(ks[i], (rows, 1), dtype=jnp.float32); i += 1
    return inp


def reference(shop_id, item_id, category_1_id, brand_id, time_type,
              shop_id_list, item_id_list, time_type_list,
              rank_7, rank_30, rank_90, hours, price_list, hours_list,
              W_shop_id, W_item_id, W_category_1_id, W_brand_id, W_time_type,
              W_shop_id_list, W_item_id_list, W_time_type_list):
    inp = {
        'shop_id': shop_id, 'item_id': item_id, 'category_1_id': category_1_id,
        'brand_id': brand_id, 'time_type': time_type,
        'shop_id_list': shop_id_list, 'item_id_list': item_id_list,
        'time_type_list': time_type_list,
        'rank_7': rank_7, 'rank_30': rank_30, 'rank_90': rank_90, 'hours': hours,
        'price_list': price_list, 'hours_list': hours_list,
        'W_shop_id': W_shop_id, 'W_item_id': W_item_id,
        'W_category_1_id': W_category_1_id, 'W_brand_id': W_brand_id,
        'W_time_type': W_time_type, 'W_shop_id_list': W_shop_id_list,
        'W_item_id_list': W_item_id_list, 'W_time_type_list': W_time_type_list,
    }
    linear_inputs = []
    for name in WIDE_COLUMNS:
        if name in EMB_COLS:
            # padding_idx=0: row 0 contributes zero
            W = inp['W_' + name].at[0].set(0.0)
            emb = jnp.take(W, inp[name], axis=0)
            if name in HISTORY_COLUMN:
                emb = jnp.sum(emb, axis=1)
            linear_inputs.append(emb)
        else:
            x = inp[name]
            linear_inputs.append(x.reshape(x.shape[0], -1))
    linear_input = jnp.sum(jnp.concatenate(linear_inputs, axis=1), axis=1, keepdims=True)
    linear_logit = jnp.sum(linear_input, axis=1, keepdims=True)
    return linear_logit

if __name__ == "__main__":
    import jax
    _d = setup_inputs()
    print(jax.jit(kernel)(*tuple(_d.values())))

</pallas_src>

<mosaic_0001>
#map = affine_map<(d0, d1) -> (0, 0)>
#map1 = affine_map<(d0, d1) -> (0)>
module attributes {stable_mosaic.version = 14 : i64} {
  func.func @_sc_body(%arg0: i32, %arg1: i32, %arg2: memref<200x16384xi32, #tpu.memory_space<hbm>>, %arg3: memref<200x16384xi32, #tpu.memory_space<hbm>>, %arg4: memref<16384xi32, #tpu.memory_space<hbm>>, %arg5: memref<16384xi32, #tpu.memory_space<hbm>>, %arg6: memref<16384xi32, #tpu.memory_space<hbm>>, %arg7: memref<16384xi32, #tpu.memory_space<hbm>>, %arg8: memref<2x100000xf32, #tpu.memory_space<hbm>>, %arg9: memref<1x100000xf32, #tpu.memory_space<hbm>>, %arg10: memref<1x100000xf32, #tpu.memory_space<hbm>>, %arg11: memref<1x100000xf32, #tpu.memory_space<hbm>>, %arg12: memref<1x100000xf32, #tpu.memory_space<hbm>>, %arg13: memref<16384xf32, #tpu.memory_space<hbm>>, %arg14: memref<16384xf32, #tpu.memory_space<hbm>>, %arg15: memref<100000xf32, #tpu.memory_space<vmem>>, %arg16: memref<8x1024xi32, #tpu.memory_space<vmem>>, %arg17: memref<8x1024xi32, #tpu.memory_space<vmem>>, %arg18: memref<1024xf32, #tpu.memory_space<vmem>>, %arg19: memref<512xf32, #tpu.memory_space<vmem>>, %arg20: memref<512xi32, #tpu.memory_space<vmem>>, %arg21: memref<512xf32, #tpu.memory_space<vmem>>, %arg22: memref<512xi32, #tpu.memory_space<vmem>>, %arg23: memref<512xf32, #tpu.memory_space<vmem>>, %arg24: memref<!tpu.dma_semaphore, #tpu.memory_space<semaphore_mem>>, %arg25: memref<!tpu.dma_semaphore, #tpu.memory_space<semaphore_mem>>, %arg26: memref<!tpu.dma_semaphore, #tpu.memory_space<semaphore_mem>>, %arg27: memref<!tpu.dma_semaphore, #tpu.memory_space<semaphore_mem>>, %arg28: memref<!tpu.dma_semaphore, #tpu.memory_space<semaphore_mem>>) attributes {dimension_semantics = [#tpu.dimension_semantics<core_parallel>, #tpu.dimension_semantics<subcore_parallel>], iteration_bounds = array<i64: 2, 16>, scalar_prefetch = 0 : i64, scratch_operands = 14 : i64, tpu.core_type = #tpu.core_type<sc_vector_subcore>, window_params = [{transform_indices = #map}, {transform_indices = #map}, {transform_indices = #map1}, {transform_indices = #map1}, {transform_indices = #map1}, {transform_indices = #map1}, {transform_indices = #map}, {transform_indices = #map}, {transform_indices = #map}, {transform_indices = #map}, {transform_indices = #map}, {transform_indices = #map1}, {transform_indices = #map1}]} {
    %mul3A = arith.constant 2 : i32
    %mul3A_0 = arith.muli %arg1, %mul3A : i32
    %add3A = arith.addi %mul3A_0, %arg0 : i32
    %lt3A = arith.constant 16 : i32
    %lt3A_1 = arith.cmpi slt, %add3A, %lt3A : i32
    %not3A = arith.constant true
    %not3A_2 = arith.xori %lt3A_1, %not3A : i1
    %sub3A = arith.constant 16 : i32
    %sub3A_3 = arith.subi %add3A, %sub3A : i32
    %select_n3A = arith.select %lt3A_1, %add3A, %sub3A_3 : i32
    %mul3A_4 = arith.constant 1024 : i32
    %mul3A_5 = arith.muli %select_n3A, %mul3A_4 : i32
    %jit3A = arith.constant 0 : i32
    %jit3A_6 = arith.constant 512 : i32
    %select_n3A_7 = arith.select %lt3A_1, %jit3A, %jit3A_6 : i32
    %add3A_8 = arith.addi %mul3A_5, %select_n3A_7 : i32
    %jit3A_9 = arith.constant 0 : i32
    %jit3A_10 = arith.constant 1 : i32
    %select_n3A_11 = arith.select %lt3A_1, %jit3A_9, %jit3A_10 : i32
    %dma_start3A = arith.constant 0 : i32
    %dma_start3A_12 = tpu.memref_slice %arg8[%select_n3A_11, %dma_start3A] : memref<2x100000xf32, #tpu.memory_space<hbm>> -> memref<1x100000xf32, #tpu.memory_space<hbm>>
    %dma_start3A_13 = tpu.memref_squeeze %dma_start3A_12 : memref<1x100000xf32, #tpu.memory_space<hbm>> -> memref<100000xf32, #tpu.memory_space<hbm>>
    %dma_start3A_14 = arith.constant 0 : i32
    %dma_start3A_15 = tpu.memref_slice %arg8[%select_n3A_11, %dma_start3A_14] : memref<2x100000xf32, #tpu.memory_space<hbm>> -> memref<1x100000xf32, #tpu.memory_space<hbm>>
    %dma_start3A_16 = tpu.memref_squeeze %dma_start3A_15 : memref<1x100000xf32, #tpu.memory_space<hbm>> -> memref<100000xf32, #tpu.memory_space<hbm>>
    tpu.enqueue_dma source(%dma_start3A_16 : memref<100000xf32, #tpu.memory_space<hbm>>) target(%arg15 : memref<100000xf32, #tpu.memory_space<vmem>>) target_semaphore(%arg24 : memref<!tpu.dma_semaphore, #tpu.memory_space<semaphore_mem>>)
    %convert_element_type3A = arith.extui %lt3A_1 : i1 to i32
    %cond3A = arith.constant 0 : i32
    %cond3A_17 = arith.cmpi ne, %convert_element_type3A, %cond3A : i32
    scf.if %cond3A_17 {
      %multiple_of3A_405 = tpu.assume_multiple %mul3A_5, 128 : i32
      %dma_start3A_406 = arith.constant 0 : i32
      %dma_start3A_407 = tpu.memref_slice %arg2[%dma_start3A_406, %multiple_of3A_405] : memref<200x16384xi32, #tpu.memory_space<hbm>> -> memref<8x1024xi32, #tpu.memory_space<hbm>>
      %dma_start3A_408 = arith.constant 0 : i32
      %dma_start3A_409 = tpu.memref_slice %arg2[%dma_start3A_408, %multiple_of3A_405] : memref<200x16384xi32, #tpu.memory_space<hbm>> -> memref<8x1024xi32, #tpu.memory_space<hbm>>
      tpu.enqueue_dma source(%dma_start3A_409 : memref<8x1024xi32, #tpu.memory_space<hbm>>) target(%arg16 : memref<8x1024xi32, #tpu.memory_space<vmem>>) target_semaphore(%arg25 : memref<!tpu.dma_semaphore, #tpu.memory_space<semaphore_mem>>)
      %dma_start3A_410 = arith.constant 8 : i32
      %dma_start3A_411 = tpu.memref_slice %arg2[%dma_start3A_410, %multiple_of3A_405] : memref<200x16384xi32, #tpu.memory_space<hbm>> -> memref<8x1024xi32, #tpu.memory_space<hbm>>
      %dma_start3A_412 = arith.constant 8 : i32
      %dma_start3A_413 = tpu.memref_slice %arg2[%dma_start3A_412, %multiple_of3A_405] : memref<200x16384xi32, #tpu.memory_space<hbm>> -> memref<8x1024xi32, #tpu.memory_space<hbm>>
      tpu.enqueue_dma source(%dma_start3A_413 : memref<8x1024xi32, #tpu.memory_space<hbm>>) target(%arg17 : memref<8x1024xi32, #tpu.memory_space<vmem>>) target_semaphore(%arg26 : memref<!tpu.dma_semaphore, #tpu.memory_space<semaphore_mem>>)
    } else {
    }
    %convert_element_type3A_18 = arith.extui %not3A_2 : i1 to i32
    %cond3A_19 = arith.constant 0 : i32
    %cond3A_20 = arith.cmpi ne, %convert_element_type3A_18, %cond3A_19 : i32
    scf.if %cond3A_20 {
      %multiple_of3A_405 = tpu.assume_multiple %mul3A_5, 128 : i32
      %dma_start3A_406 = arith.constant 0 : i32
      %dma_start3A_407 = tpu.memref_slice %arg3[%dma_start3A_406, %multiple_of3A_405] : memref<200x16384xi32, #tpu.memory_space<hbm>> -> memref<8x1024xi32, #tpu.memory_space<hbm>>
      %dma_start3A_408 = arith.constant 0 : i32
      %dma_start3A_409 = tpu.memref_slice %arg3[%dma_start3A_408, %multiple_of3A_405] : memref<200x16384xi32, #tpu.memory_space<hbm>> -> memref<8x1024xi32, #tpu.memory_space<hbm>>
      tpu.enqueue_dma source(%dma_start3A_409 : memref<8x1024xi32, #tpu.memory_space<hbm>>) target(%arg16 : memref<8x1024xi32, #tpu.memory_space<vmem>>) target_semaphore(%arg25 : memref<!tpu.dma_semaphore, #tpu.memory_space<semaphore_mem>>)
      %dma_start3A_410 = arith.constant 8 : i32
      %dma_start3A_411 = tpu.memref_slice %arg3[%dma_start3A_410, %multiple_of3A_405] : memref<200x16384xi32, #tpu.memory_space<hbm>> -> memref<8x1024xi32, #tpu.memory_space<hbm>>
      %dma_start3A_412 = arith.constant 8 : i32
      %dma_start3A_413 = tpu.memref_slice %arg3[%dma_start3A_412, %multiple_of3A_405] : memref<200x16384xi32, #tpu.memory_space<hbm>> -> memref<8x1024xi32, #tpu.memory_space<hbm>>
      tpu.enqueue_dma source(%dma_start3A_413 : memref<8x1024xi32, #tpu.memory_space<hbm>>) target(%arg17 : memref<8x1024xi32, #tpu.memory_space<vmem>>) target_semaphore(%arg26 : memref<!tpu.dma_semaphore, #tpu.memory_space<semaphore_mem>>)
    } else {
    }
    "tpu.region"() ({
      %run_scoped3A = tpu.sem_alloc : memref<!tpu.dma_semaphore, #tpu.memory_space<semaphore_mem>>
      %dma_start3A_405 = tpu.memref_slice %arg4[%add3A_8] : memref<16384xi32, #tpu.memory_space<hbm>> -> memref<512xi32, #tpu.memory_space<hbm>>
      %dma_start3A_406 = tpu.memref_slice %arg4[%add3A_8] : memref<16384xi32, #tpu.memory_space<hbm>> -> memref<512xi32, #tpu.memory_space<hbm>>
      tpu.enqueue_dma source(%dma_start3A_406 : memref<512xi32, #tpu.memory_space<hbm>>) target(%arg20 : memref<512xi32, #tpu.memory_space<vmem>>) target_semaphore(%run_scoped3A : memref<!tpu.dma_semaphore, #tpu.memory_space<semaphore_mem>>)
      %dma_wait3A_407 = tpu.memref_slice %arg4[%add3A_8] : memref<16384xi32, #tpu.memory_space<hbm>> -> memref<512xi32, #tpu.memory_space<hbm>>
      %dma_wait3A_408 = tpu.memref_slice %arg4[%add3A_8] : memref<16384xi32, #tpu.memory_space<hbm>> -> memref<512xi32, #tpu.memory_space<hbm>>
      tpu.wait_dma2 semaphore(%run_scoped3A : memref<!tpu.dma_semaphore, #tpu.memory_space<semaphore_mem>>) src(%dma_wait3A_408 : memref<512xi32, #tpu.memory_space<hbm>>) dst(%arg20 : memref<512xi32, #tpu.memory_space<vmem>>)
      tpu.yield
    }) : () -> ()
    %dma_start3A_21 = arith.constant 0 : i32
    %dma_start3A_22 = arith.constant 0 : i32
    %dma_start3A_23 = tpu.memref_slice %arg21[%dma_start3A_22] : memref<512xf32, #tpu.memory_space<vmem>> -> memref<128xf32, #tpu.memory_space<vmem>>
    %dma_start3A_24 = arith.constant 0 : i32
    %dma_start3A_25 = tpu.memref_slice %arg20[%dma_start3A_24] : memref<512xi32, #tpu.memory_space<vmem>> -> memref<128xi32, #tpu.memory_space<vmem>>
    %dma_start3A_26 = arith.constant 0 : i32
    %dma_start3A_27 = tpu.memref_slice %arg9[%dma_start3A_21, %dma_start3A_26] : memref<1x100000xf32, #tpu.memory_space<hbm>> -> memref<1x100000xf32, #tpu.memory_space<hbm>>
    %dma_start3A_28 = tpu.memref_squeeze %dma_start3A_27 : memref<1x100000xf32, #tpu.memory_space<hbm>> -> memref<100000xf32, #tpu.memory_space<hbm>>
    %dma_start3A_29 = arith.constant 0 : i32
    %dma_start3A_30 = tpu.memref_slice %dma_start3A_28[%dma_start3A_29] : memref<100000xf32, #tpu.memory_space<hbm>> -> memref<100000xf32, #tpu.memory_space<hbm>>
    tpu.enqueue_indirect_dma source(%dma_start3A_30 : memref<100000xf32, #tpu.memory_space<hbm>>) target(%dma_start3A_23 : memref<128xf32, #tpu.memory_space<vmem>>) offsets(%dma_start3A_25 : memref<128xi32, #tpu.memory_space<vmem>>) semaphore(%arg27 : memref<!tpu.dma_semaphore, #tpu.memory_space<semaphore_mem>>)
    %dma_start3A_31 = arith.constant 0 : i32
    %dma_start3A_32 = arith.constant 128 : i32
    %dma_start3A_33 = tpu.memref_slice %arg21[%dma_start3A_32] : memref<512xf32, #tpu.memory_space<vmem>> -> memref<128xf32, #tpu.memory_space<vmem>>
    %dma_start3A_34 = arith.constant 128 : i32
    %dma_start3A_35 = tpu.memref_slice %arg20[%dma_start3A_34] : memref<512xi32, #tpu.memory_space<vmem>> -> memref<128xi32, #tpu.memory_space<vmem>>
    %dma_start3A_36 = arith.constant 0 : i32
    %dma_start3A_37 = tpu.memref_slice %arg9[%dma_start3A_31, %dma_start3A_36] : memref<1x100000xf32, #tpu.memory_space<hbm>> -> memref<1x100000xf32, #tpu.memory_space<hbm>>
    %dma_start3A_38 = tpu.memref_squeeze %dma_start3A_37 : memref<1x100000xf32, #tpu.memory_space<hbm>> -> memref<100000xf32, #tpu.memory_space<hbm>>
    %dma_start3A_39 = arith.constant 0 : i32
    %dma_start3A_40 = tpu.memref_slice %dma_start3A_38[%dma_start3A_39] : memref<100000xf32, #tpu.memory_space<hbm>> -> memref<100000xf32, #tpu.memory_space<hbm>>
    tpu.enqueue_indirect_dma source(%dma_start3A_40 : memref<100000xf32, #tpu.memory_space<hbm>>) target(%dma_start3A_33 : memref<128xf32, #tpu.memory_space<vmem>>) offsets(%dma_start3A_35 : memref<128xi32, #tpu.memory_space<vmem>>) semaphore(%arg27 : memref<!tpu.dma_semaphore, #tpu.memory_space<semaphore_mem>>)
    %dma_start3A_41 = arith.constant 0 : i32
    %dma_start3A_42 = arith.constant 256 : i32
    %dma_start3A_43 = tpu.memref_slice %arg21[%dma_start3A_42] : memref<512xf32, #tpu.memory_space<vmem>> -> memref<128xf32, #tpu.memory_space<vmem>>
    %dma_start3A_44 = arith.constant 256 : i32
    %dma_start3A_45 = tpu.memref_slice %arg20[%dma_start3A_44] : memref<512xi32, #tpu.memory_space<vmem>> -> memref<128xi32, #tpu.memory_space<vmem>>
    %dma_start3A_46 = arith.constant 0 : i32
    %dma_start3A_47 = tpu.memref_slice %arg9[%dma_start3A_41, %dma_start3A_46] : memref<1x100000xf32, #tpu.memory_space<hbm>> -> memref<1x100000xf32, #tpu.memory_space<hbm>>
    %dma_start3A_48 = tpu.memref_squeeze %dma_start3A_47 : memref<1x100000xf32, #tpu.memory_space<hbm>> -> memref<100000xf32, #tpu.memory_space<hbm>>
    %dma_start3A_49 = arith.constant 0 : i32
    %dma_start3A_50 = tpu.memref_slice %dma_start3A_48[%dma_start3A_49] : memref<100000xf32, #tpu.memory_space<hbm>> -> memref<100000xf32, #tpu.memory_space<hbm>>
    tpu.enqueue_indirect_dma source(%dma_start3A_50 : memref<100000xf32, #tpu.memory_space<hbm>>) target(%dma_start3A_43 : memref<128xf32, #tpu.memory_space<vmem>>) offsets(%dma_start3A_45 : memref<128xi32, #tpu.memory_space<vmem>>) semaphore(%arg27 : memref<!tpu.dma_semaphore, #tpu.memory_space<semaphore_mem>>)
    %dma_start3A_51 = arith.constant 0 : i32
    %dma_start3A_52 = arith.constant 384 : i32
    %dma_start3A_53 = tpu.memref_slice %arg21[%dma_start3A_52] : memref<512xf32, #tpu.memory_space<vmem>> -> memref<128xf32, #tpu.memory_space<vmem>>
    %dma_start3A_54 = arith.constant 384 : i32
    %dma_start3A_55 = tpu.memref_slice %arg20[%dma_start3A_54] : memref<512xi32, #tpu.memory_space<vmem>> -> memref<128xi32, #tpu.memory_space<vmem>>
    %dma_start3A_56 = arith.constant 0 : i32
    %dma_start3A_57 = tpu.memref_slice %arg9[%dma_start3A_51, %dma_start3A_56] : memref<1x100000xf32, #tpu.memory_space<hbm>> -> memref<1x100000xf32, #tpu.memory_space<hbm>>
    %dma_start3A_58 = tpu.memref_squeeze %dma_start3A_57 : memref<1x100000xf32, #tpu.memory_space<hbm>> -> memref<100000xf32, #tpu.memory_space<hbm>>
    %dma_start3A_59 = arith.constant 0 : i32
    %dma_start3A_60 = tpu.memref_slice %dma_start3A_58[%dma_start3A_59] : memref<100000xf32, #tpu.memory_space<hbm>> -> memref<100000xf32, #tpu.memory_space<hbm>>
    tpu.enqueue_indirect_dma source(%dma_start3A_60 : memref<100000xf32, #tpu.memory_space<hbm>>) target(%dma_start3A_53 : memref<128xf32, #tpu.memory_space<vmem>>) offsets(%dma_start3A_55 : memref<128xi32, #tpu.memory_space<vmem>>) semaphore(%arg27 : memref<!tpu.dma_semaphore, #tpu.memory_space<semaphore_mem>>)
    "tpu.region"() ({
      %run_scoped3A = tpu.sem_alloc : memref<!tpu.dma_semaphore, #tpu.memory_space<semaphore_mem>>
      %dma_start3A_405 = tpu.memref_slice %arg5[%add3A_8] : memref<16384xi32, #tpu.memory_space<hbm>> -> memref<512xi32, #tpu.memory_space<hbm>>
      %dma_start3A_406 = tpu.memref_slice %arg5[%add3A_8] : memref<16384xi32, #tpu.memory_space<hbm>> -> memref<512xi32, #tpu.memory_space<hbm>>
      tpu.enqueue_dma source(%dma_start3A_406 : memref<512xi32, #tpu.memory_space<hbm>>) target(%arg22 : memref<512xi32, #tpu.memory_space<vmem>>) target_semaphore(%run_scoped3A : memref<!tpu.dma_semaphore, #tpu.memory_space<semaphore_mem>>)
      %dma_wait3A_407 = tpu.memref_slice %arg5[%add3A_8] : memref<16384xi32, #tpu.memory_space<hbm>> -> memref<512xi32, #tpu.memory_space<hbm>>
      %dma_wait3A_408 = tpu.memref_slice %arg5[%add3A_8] : memref<16384xi32, #tpu.memory_space<hbm>> -> memref<512xi32, #tpu.memory_space<hbm>>
      tpu.wait_dma2 semaphore(%run_scoped3A : memref<!tpu.dma_semaphore, #tpu.memory_space<semaphore_mem>>) src(%dma_wait3A_408 : memref<512xi32, #tpu.memory_space<hbm>>) dst(%arg22 : memref<512xi32, #tpu.memory_space<vmem>>)
      tpu.yield
    }) : () -> ()
    %dma_start3A_61 = arith.constant 0 : i32
    %dma_start3A_62 = arith.constant 0 : i32
    %dma_start3A_63 = tpu.memref_slice %arg23[%dma_start3A_62] : memref<512xf32, #tpu.memory_space<vmem>> -> memref<128xf32, #tpu.memory_space<vmem>>
    %dma_start3A_64 = arith.constant 0 : i32
    %dma_start3A_65 = tpu.memref_slice %arg22[%dma_start3A_64] : memref<512xi32, #tpu.memory_space<vmem>> -> memref<128xi32, #tpu.memory_space<vmem>>
    %dma_start3A_66 = arith.constant 0 : i32
    %dma_start3A_67 = tpu.memref_slice %arg10[%dma_start3A_61, %dma_start3A_66] : memref<1x100000xf32, #tpu.memory_space<hbm>> -> memref<1x100000xf32, #tpu.memory_space<hbm>>
    %dma_start3A_68 = tpu.memref_squeeze %dma_start3A_67 : memref<1x100000xf32, #tpu.memory_space<hbm>> -> memref<100000xf32, #tpu.memory_space<hbm>>
    %dma_start3A_69 = arith.constant 0 : i32
    %dma_start3A_70 = tpu.memref_slice %dma_start3A_68[%dma_start3A_69] : memref<100000xf32, #tpu.memory_space<hbm>> -> memref<100000xf32, #tpu.memory_space<hbm>>
    tpu.enqueue_indirect_dma source(%dma_start3A_70 : memref<100000xf32, #tpu.memory_space<hbm>>) target(%dma_start3A_63 : memref<128xf32, #tpu.memory_space<vmem>>) offsets(%dma_start3A_65 : memref<128xi32, #tpu.memory_space<vmem>>) semaphore(%arg28 : memref<!tpu.dma_semaphore, #tpu.memory_space<semaphore_mem>>)
    %dma_start3A_71 = arith.constant 0 : i32
    %dma_start3A_72 = arith.constant 128 : i32
    %dma_start3A_73 = tpu.memref_slice %arg23[%dma_start3A_72] : memref<512xf32, #tpu.memory_space<vmem>> -> memref<128xf32, #tpu.memory_space<vmem>>
    %dma_start3A_74 = arith.constant 128 : i32
    %dma_start3A_75 = tpu.memref_slice %arg22[%dma_start3A_74] : memref<512xi32, #tpu.memory_space<vmem>> -> memref<128xi32, #tpu.memory_space<vmem>>
    %dma_start3A_76 = arith.constant 0 : i32
    %dma_start3A_77 = tpu.memref_slice %arg10[%dma_start3A_71, %dma_start3A_76] : memref<1x100000xf32, #tpu.memory_space<hbm>> -> memref<1x100000xf32, #tpu.memory_space<hbm>>
    %dma_start3A_78 = tpu.memref_squeeze %dma_start3A_77 : memref<1x100000xf32, #tpu.memory_space<hbm>> -> memref<100000xf32, #tpu.memory_space<hbm>>
    %dma_start3A_79 = arith.constant 0 : i32
    %dma_start3A_80 = tpu.memref_slice %dma_start3A_78[%dma_start3A_79] : memref<100000xf32, #tpu.memory_space<hbm>> -> memref<100000xf32, #tpu.memory_space<hbm>>
    tpu.enqueue_indirect_dma source(%dma_start3A_80 : memref<100000xf32, #tpu.memory_space<hbm>>) target(%dma_start3A_73 : memref<128xf32, #tpu.memory_space<vmem>>) offsets(%dma_start3A_75 : memref<128xi32, #tpu.memory_space<vmem>>) semaphore(%arg28 : memref<!tpu.dma_semaphore, #tpu.memory_space<semaphore_mem>>)
    %dma_start3A_81 = arith.constant 0 : i32
    %dma_start3A_82 = arith.constant 256 : i32
    %dma_start3A_83 = tpu.memref_slice %arg23[%dma_start3A_82] : memref<512xf32, #tpu.memory_space<vmem>> -> memref<128xf32, #tpu.memory_space<vmem>>
    %dma_start3A_84 = arith.constant 256 : i32
    %dma_start3A_85 = tpu.memref_slice %arg22[%dma_start3A_84] : memref<512xi32, #tpu.memory_space<vmem>> -> memref<128xi32, #tpu.memory_space<vmem>>
    %dma_start3A_86 = arith.constant 0 : i32
    %dma_start3A_87 = tpu.memref_slice %arg10[%dma_start3A_81, %dma_start3A_86] : memref<1x100000xf32, #tpu.memory_space<hbm>> -> memref<1x100000xf32, #tpu.memory_space<hbm>>
    %dma_start3A_88 = tpu.memref_squeeze %dma_start3A_87 : memref<1x100000xf32, #tpu.memory_space<hbm>> -> memref<100000xf32, #tpu.memory_space<hbm>>
    %dma_start3A_89 = arith.constant 0 : i32
    %dma_start3A_90 = tpu.memref_slice %dma_start3A_88[%dma_start3A_89] : memref<100000xf32, #tpu.memory_space<hbm>> -> memref<100000xf32, #tpu.memory_space<hbm>>
    tpu.enqueue_indirect_dma source(%dma_start3A_90 : memref<100000xf32, #tpu.memory_space<hbm>>) target(%dma_start3A_83 : memref<128xf32, #tpu.memory_space<vmem>>) offsets(%dma_start3A_85 : memref<128xi32, #tpu.memory_space<vmem>>) semaphore(%arg28 : memref<!tpu.dma_semaphore, #tpu.memory_space<semaphore_mem>>)
    %dma_start3A_91 = arith.constant 0 : i32
    %dma_start3A_92 = arith.constant 384 : i32
    %dma_start3A_93 = tpu.memref_slice %arg23[%dma_start3A_92] : memref<512xf32, #tpu.memory_space<vmem>> -> memref<128xf32, #tpu.memory_space<vmem>>
    %dma_start3A_94 = arith.constant 384 : i32
    %dma_start3A_95 = tpu.memref_slice %arg22[%dma_start3A_94] : memref<512xi32, #tpu.memory_space<vmem>> -> memref<128xi32, #tpu.memory_space<vmem>>
    %dma_start3A_96 = arith.constant 0 : i32
    %dma_start3A_97 = tpu.memref_slice %arg10[%dma_start3A_91, %dma_start3A_96] : memref<1x100000xf32, #tpu.memory_space<hbm>> -> memref<1x100000xf32, #tpu.memory_space<hbm>>
    %dma_start3A_98 = tpu.memref_squeeze %dma_start3A_97 : memref<1x100000xf32, #tpu.memory_space<hbm>> -> memref<100000xf32, #tpu.memory_space<hbm>>
    %dma_start3A_99 = arith.constant 0 : i32
    %dma_start3A_100 = tpu.memref_slice %dma_start3A_98[%dma_start3A_99] : memref<100000xf32, #tpu.memory_space<hbm>> -> memref<100000xf32, #tpu.memory_space<hbm>>
    tpu.enqueue_indirect_dma source(%dma_start3A_100 : memref<100000xf32, #tpu.memory_space<hbm>>) target(%dma_start3A_93 : memref<128xf32, #tpu.memory_space<vmem>>) offsets(%dma_start3A_95 : memref<128xi32, #tpu.memory_space<vmem>>) semaphore(%arg28 : memref<!tpu.dma_semaphore, #tpu.memory_space<semaphore_mem>>)
    %dma_wait3A = arith.constant 0 : i32
    %dma_wait3A_101 = arith.constant 0 : i32
    %dma_wait3A_102 = tpu.memref_slice %arg21[%dma_wait3A_101] : memref<512xf32, #tpu.memory_space<vmem>> -> memref<128xf32, #tpu.memory_space<vmem>>
    %dma_wait3A_103 = arith.constant 0 : i32
    %dma_wait3A_104 = tpu.memref_slice %arg20[%dma_wait3A_103] : memref<512xi32, #tpu.memory_space<vmem>> -> memref<128xi32, #tpu.memory_space<vmem>>
    %dma_wait3A_105 = arith.constant 0 : i32
    %dma_wait3A_106 = tpu.memref_slice %arg9[%dma_wait3A, %dma_wait3A_105] : memref<1x100000xf32, #tpu.memory_space<hbm>> -> memref<1x100000xf32, #tpu.memory_space<hbm>>
    %dma_wait3A_107 = tpu.memref_squeeze %dma_wait3A_106 : memref<1x100000xf32, #tpu.memory_space<hbm>> -> memref<100000xf32, #tpu.memory_space<hbm>>
    %dma_wait3A_108 = arith.constant 0 : i32
    %dma_wait3A_109 = tpu.memref_slice %dma_wait3A_107[%dma_wait3A_108] : memref<100000xf32, #tpu.memory_space<hbm>> -> memref<100000xf32, #tpu.memory_space<hbm>>
    tpu.wait_indirect_dma semaphore(%arg27 : memref<!tpu.dma_semaphore, #tpu.memory_space<semaphore_mem>>) src(%dma_wait3A_109 : memref<100000xf32, #tpu.memory_space<hbm>>) dst(%dma_wait3A_102 : memref<128xf32, #tpu.memory_space<vmem>>)
    %dma_wait3A_110 = arith.constant 0 : i32
    %dma_wait3A_111 = arith.constant 128 : i32
    %dma_wait3A_112 = tpu.memref_slice %arg21[%dma_wait3A_111] : memref<512xf32, #tpu.memory_space<vmem>> -> memref<128xf32, #tpu.memory_space<vmem>>
    %dma_wait3A_113 = arith.constant 128 : i32
    %dma_wait3A_114 = tpu.memref_slice %arg20[%dma_wait3A_113] : memref<512xi32, #tpu.memory_space<vmem>> -> memref<128xi32, #tpu.memory_space<vmem>>
    %dma_wait3A_115 = arith.constant 0 : i32
    %dma_wait3A_116 = tpu.memref_slice %arg9[%dma_wait3A_110, %dma_wait3A_115] : memref<1x100000xf32, #tpu.memory_space<hbm>> -> memref<1x100000xf32, #tpu.memory_space<hbm>>
    %dma_wait3A_117 = tpu.memref_squeeze %dma_wait3A_116 : memref<1x100000xf32, #tpu.memory_space<hbm>> -> memref<100000xf32, #tpu.memory_space<hbm>>
    %dma_wait3A_118 = arith.constant 0 : i32
    %dma_wait3A_119 = tpu.memref_slice %dma_wait3A_117[%dma_wait3A_118] : memref<100000xf32, #tpu.memory_space<hbm>> -> memref<100000xf32, #tpu.memory_space<hbm>>
    tpu.wait_indirect_dma semaphore(%arg27 : memref<!tpu.dma_semaphore, #tpu.memory_space<semaphore_mem>>) src(%dma_wait3A_119 : memref<100000xf32, #tpu.memory_space<hbm>>) dst(%dma_wait3A_112 : memref<128xf32, #tpu.memory_space<vmem>>)
    %dma_wait3A_120 = arith.constant 0 : i32
    %dma_wait3A_121 = arith.constant 256 : i32
    %dma_wait3A_122 = tpu.memref_slice %arg21[%dma_wait3A_121] : memref<512xf32, #tpu.memory_space<vmem>> -> memref<128xf32, #tpu.memory_space<vmem>>
    %dma_wait3A_123 = arith.constant 256 : i32
    %dma_wait3A_124 = tpu.memref_slice %arg20[%dma_wait3A_123] : memref<512xi32, #tpu.memory_space<vmem>> -> memref<128xi32, #tpu.memory_space<vmem>>
    %dma_wait3A_125 = arith.constant 0 : i32
    %dma_wait3A_126 = tpu.memref_slice %arg9[%dma_wait3A_120, %dma_wait3A_125] : memref<1x100000xf32, #tpu.memory_space<hbm>> -> memref<1x100000xf32, #tpu.memory_space<hbm>>
    %dma_wait3A_127 = tpu.memref_squeeze %dma_wait3A_126 : memref<1x100000xf32, #tpu.memory_space<hbm>> -> memref<100000xf32, #tpu.memory_space<hbm>>
    %dma_wait3A_128 = arith.constant 0 : i32
    %dma_wait3A_129 = tpu.memref_slice %dma_wait3A_127[%dma_wait3A_128] : memref<100000xf32, #tpu.memory_space<hbm>> -> memref<100000xf32, #tpu.memory_space<hbm>>
    tpu.wait_indirect_dma semaphore(%arg27 : memref<!tpu.dma_semaphore, #tpu.memory_space<semaphore_mem>>) src(%dma_wait3A_129 : memref<100000xf32, #tpu.memory_space<hbm>>) dst(%dma_wait3A_122 : memref<128xf32, #tpu.memory_space<vmem>>)
    %dma_wait3A_130 = arith.constant 0 : i32
    %dma_wait3A_131 = arith.constant 384 : i32
    %dma_wait3A_132 = tpu.memref_slice %arg21[%dma_wait3A_131] : memref<512xf32, #tpu.memory_space<vmem>> -> memref<128xf32, #tpu.memory_space<vmem>>
    %dma_wait3A_133 = arith.constant 384 : i32
    %dma_wait3A_134 = tpu.memref_slice %arg20[%dma_wait3A_133] : memref<512xi32, #tpu.memory_space<vmem>> -> memref<128xi32, #tpu.memory_space<vmem>>
    %dma_wait3A_135 = arith.constant 0 : i32
    %dma_wait3A_136 = tpu.memref_slice %arg9[%dma_wait3A_130, %dma_wait3A_135] : memref<1x100000xf32, #tpu.memory_space<hbm>> -> memref<1x100000xf32, #tpu.memory_space<hbm>>
    %dma_wait3A_137 = tpu.memref_squeeze %dma_wait3A_136 : memref<1x100000xf32, #tpu.memory_space<hbm>> -> memref<100000xf32, #tpu.memory_space<hbm>>
    %dma_wait3A_138 = arith.constant 0 : i32
    %dma_wait3A_139 = tpu.memref_slice %dma_wait3A_137[%dma_wait3A_138] : memref<100000xf32, #tpu.memory_space<hbm>> -> memref<100000xf32, #tpu.memory_space<hbm>>
    tpu.wait_indirect_dma semaphore(%arg27 : memref<!tpu.dma_semaphore, #tpu.memory_space<semaphore_mem>>) src(%dma_wait3A_139 : memref<100000xf32, #tpu.memory_space<hbm>>) dst(%dma_wait3A_132 : memref<128xf32, #tpu.memory_space<vmem>>)
    %scan3A = arith.constant 0 : i32
    %scan3A_140 = arith.constant 0 : i32
    %scan3A_141 = arith.constant 32 : i32
    %scan3A_142 = arith.addi %scan3A_140, %scan3A_141 : i32
    %scan3A_143 = arith.constant 1 : i32
    scf.for %scan3A_405 = %scan3A_140 to %scan3A_142 step %scan3A_143  : i32 {
      %mul3A_406 = arith.constant 16 : i32
      %mul3A_407 = arith.muli %scan3A_405, %mul3A_406 : i32
      %get3A = arith.index_cast %mul3A_407 : i32 to index
      %get3A_408 = tpu.vector_load %arg20[%get3A] {strides = array<i32>} : memref<512xi32, #tpu.memory_space<vmem>>, vector<16xi32>,
      %mul3A_409 = arith.constant 16 : i32
      %mul3A_410 = arith.muli %scan3A_405, %mul3A_409 : i32
      %get3A_411 = arith.index_cast %mul3A_410 : i32 to index
      %get3A_412 = tpu.vector_load %arg21[%get3A_411] {strides = array<i32>} : memref<512xf32, #tpu.memory_space<vmem>>, vector<16xf32>,
      %ne3A = arith.constant 0 : i32
      %ne3A_413 = vector.broadcast %ne3A : i32 to vector<16xi32>
      %ne3A_414 = arith.cmpi ne, %get3A_408, %ne3A_413 : vector<16xi32>
      %jit3A_415 = arith.constant 0.000000e+00 : f32
      %broadcast_in_dim3A_416 = vector.broadcast %jit3A_415 : f32 to vector<16xf32>
      %select_n3A_417 = arith.select %ne3A_414, %get3A_412, %broadcast_in_dim3A_416 : vector<16xi1>, vector<16xf32>
      %mul3A_418 = arith.constant 16 : i32
      %mul3A_419 = arith.muli %scan3A_405, %mul3A_418 : i32
      %swap3A = arith.index_cast %mul3A_419 : i32 to index
      %swap3A_420 = tpu.vector_load %arg19[%swap3A] {strides = array<i32>} : memref<512xf32, #tpu.memory_space<vmem>>, vector<16xf32>,
      tpu.vector_store %arg19[%swap3A], %select_n3A_417 {strides = array<i32>} : memref<512xf32, #tpu.memory_space<vmem>>, vector<16xf32>,
    }
    %scan3A_144 = arith.constant 32 : i32
    "tpu.region"() ({
      %run_scoped3A = tpu.sem_alloc : memref<!tpu.dma_semaphore, #tpu.memory_space<semaphore_mem>>
      %dma_start3A_405 = tpu.memref_slice %arg6[%add3A_8] : memref<16384xi32, #tpu.memory_space<hbm>> -> memref<512xi32, #tpu.memory_space<hbm>>
      %dma_start3A_406 = tpu.memref_slice %arg6[%add3A_8] : memref<16384xi32, #tpu.memory_space<hbm>> -> memref<512xi32, #tpu.memory_space<hbm>>
      tpu.enqueue_dma source(%dma_start3A_406 : memref<512xi32, #tpu.memory_space<hbm>>) target(%arg20 : memref<512xi32, #tpu.memory_space<vmem>>) target_semaphore(%run_scoped3A : memref<!tpu.dma_semaphore, #tpu.memory_space<semaphore_mem>>)
      %dma_wait3A_407 = tpu.memref_slice %arg6[%add3A_8] : memref<16384xi32, #tpu.memory_space<hbm>> -> memref<512xi32, #tpu.memory_space<hbm>>
      %dma_wait3A_408 = tpu.memref_slice %arg6[%add3A_8] : memref<16384xi32, #tpu.memory_space<hbm>> -> memref<512xi32, #tpu.memory_space<hbm>>
      tpu.wait_dma2 semaphore(%run_scoped3A : memref<!tpu.dma_semaphore, #tpu.memory_space<semaphore_mem>>) src(%dma_wait3A_408 : memref<512xi32, #tpu.memory_space<hbm>>) dst(%arg20 : memref<512xi32, #tpu.memory_space<vmem>>)
      tpu.yield
    }) : () -> ()
    %dma_start3A_145 = arith.constant 0 : i32
    %dma_start3A_146 = arith.constant 0 : i32
    %dma_start3A_147 = tpu.memref_slice %arg21[%dma_start3A_146] : memref<512xf32, #tpu.memory_space<vmem>> -> memref<128xf32, #tpu.memory_space<vmem>>
    %dma_start3A_148 = arith.constant 0 : i32
    %dma_start3A_149 = tpu.memref_slice %arg20[%dma_start3A_148] : memref<512xi32, #tpu.memory_space<vmem>> -> memref<128xi32, #tpu.memory_space<vmem>>
    %dma_start3A_150 = arith.constant 0 : i32
    %dma_start3A_151 = tpu.memref_slice %arg11[%dma_start3A_145, %dma_start3A_150] : memref<1x100000xf32, #tpu.memory_space<hbm>> -> memref<1x100000xf32, #tpu.memory_space<hbm>>
    %dma_start3A_152 = tpu.memref_squeeze %dma_start3A_151 : memref<1x100000xf32, #tpu.memory_space<hbm>> -> memref<100000xf32, #tpu.memory_space<hbm>>
    %dma_start3A_153 = arith.constant 0 : i32
    %dma_start3A_154 = tpu.memref_slice %dma_start3A_152[%dma_start3A_153] : memref<100000xf32, #tpu.memory_space<hbm>> -> memref<100000xf32, #tpu.memory_space<hbm>>
    tpu.enqueue_indirect_dma source(%dma_start3A_154 : memref<100000xf32, #tpu.memory_space<hbm>>) target(%dma_start3A_147 : memref<128xf32, #tpu.memory_space<vmem>>) offsets(%dma_start3A_149 : memref<128xi32, #tpu.memory_space<vmem>>) semaphore(%arg27 : memref<!tpu.dma_semaphore, #tpu.memory_space<semaphore_mem>>)
    %dma_start3A_155 = arith.constant 0 : i32
    %dma_start3A_156 = arith.constant 128 : i32
    %dma_start3A_157 = tpu.memref_slice %arg21[%dma_start3A_156] : memref<512xf32, #tpu.memory_space<vmem>> -> memref<128xf32, #tpu.memory_space<vmem>>
    %dma_start3A_158 = arith.constant 128 : i32
    %dma_start3A_159 = tpu.memref_slice %arg20[%dma_start3A_158] : memref<512xi32, #tpu.memory_space<vmem>> -> memref<128xi32, #tpu.memory_space<vmem>>
    %dma_start3A_160 = arith.constant 0 : i32
    %dma_start3A_161 = tpu.memref_slice %arg11[%dma_start3A_155, %dma_start3A_160] : memref<1x100000xf32, #tpu.memory_space<hbm>> -> memref<1x100000xf32, #tpu.memory_space<hbm>>
    %dma_start3A_162 = tpu.memref_squeeze %dma_start3A_161 : memref<1x100000xf32, #tpu.memory_space<hbm>> -> memref<100000xf32, #tpu.memory_space<hbm>>
    %dma_start3A_163 = arith.constant 0 : i32
    %dma_start3A_164 = tpu.memref_slice %dma_start3A_162[%dma_start3A_163] : memref<100000xf32, #tpu.memory_space<hbm>> -> memref<100000xf32, #tpu.memory_space<hbm>>
    tpu.enqueue_indirect_dma source(%dma_start3A_164 : memref<100000xf32, #tpu.memory_space<hbm>>) target(%dma_start3A_157 : memref<128xf32, #tpu.memory_space<vmem>>) offsets(%dma_start3A_159 : memref<128xi32, #tpu.memory_space<vmem>>) semaphore(%arg27 : memref<!tpu.dma_semaphore, #tpu.memory_space<semaphore_mem>>)
    %dma_start3A_165 = arith.constant 0 : i32
    %dma_start3A_166 = arith.constant 256 : i32
    %dma_start3A_167 = tpu.memref_slice %arg21[%dma_start3A_166] : memref<512xf32, #tpu.memory_space<vmem>> -> memref<128xf32, #tpu.memory_space<vmem>>
    %dma_start3A_168 = arith.constant 256 : i32
    %dma_start3A_169 = tpu.memref_slice %arg20[%dma_start3A_168] : memref<512xi32, #tpu.memory_space<vmem>> -> memref<128xi32, #tpu.memory_space<vmem>>
    %dma_start3A_170 = arith.constant 0 : i32
    %dma_start3A_171 = tpu.memref_slice %arg11[%dma_start3A_165, %dma_start3A_170] : memref<1x100000xf32, #tpu.memory_space<hbm>> -> memref<1x100000xf32, #tpu.memory_space<hbm>>
    %dma_start3A_172 = tpu.memref_squeeze %dma_start3A_171 : memref<1x100000xf32, #tpu.memory_space<hbm>> -> memref<100000xf32, #tpu.memory_space<hbm>>
    %dma_start3A_173 = arith.constant 0 : i32
    %dma_start3A_174 = tpu.memref_slice %dma_start3A_172[%dma_start3A_173] : memref<100000xf32, #tpu.memory_space<hbm>> -> memref<100000xf32, #tpu.memory_space<hbm>>
    tpu.enqueue_indirect_dma source(%dma_start3A_174 : memref<100000xf32, #tpu.memory_space<hbm>>) target(%dma_start3A_167 : memref<128xf32, #tpu.memory_space<vmem>>) offsets(%dma_start3A_169 : memref<128xi32, #tpu.memory_space<vmem>>) semaphore(%arg27 : memref<!tpu.dma_semaphore, #tpu.memory_space<semaphore_mem>>)
    %dma_start3A_175 = arith.constant 0 : i32
    %dma_start3A_176 = arith.constant 384 : i32
    %dma_start3A_177 = tpu.memref_slice %arg21[%dma_start3A_176] : memref<512xf32, #tpu.memory_space<vmem>> -> memref<128xf32, #tpu.memory_space<vmem>>
    %dma_start3A_178 = arith.constant 384 : i32
    %dma_start3A_179 = tpu.memref_slice %arg20[%dma_start3A_178] : memref<512xi32, #tpu.memory_space<vmem>> -> memref<128xi32, #tpu.memory_space<vmem>>
    %dma_start3A_180 = arith.constant 0 : i32
    %dma_start3A_181 = tpu.memref_slice %arg11[%dma_start3A_175, %dma_start3A_180] : memref<1x100000xf32, #tpu.memory_space<hbm>> -> memref<1x100000xf32, #tpu.memory_space<hbm>>
    %dma_start3A_182 = tpu.memref_squeeze %dma_start3A_181 : memref<1x100000xf32, #tpu.memory_space<hbm>> -> memref<100000xf32, #tpu.memory_space<hbm>>
    %dma_start3A_183 = arith.constant 0 : i32
    %dma_start3A_184 = tpu.memref_slice %dma_start3A_182[%dma_start3A_183] : memref<100000xf32, #tpu.memory_space<hbm>> -> memref<100000xf32, #tpu.memory_space<hbm>>
    tpu.enqueue_indirect_dma source(%dma_start3A_184 : memref<100000xf32, #tpu.memory_space<hbm>>) target(%dma_start3A_177 : memref<128xf32, #tpu.memory_space<vmem>>) offsets(%dma_start3A_179 : memref<128xi32, #tpu.memory_space<vmem>>) semaphore(%arg27 : memref<!tpu.dma_semaphore, #tpu.memory_space<semaphore_mem>>)
    %dma_wait3A_185 = arith.constant 0 : i32
    %dma_wait3A_186 = arith.constant 0 : i32
    %dma_wait3A_187 = tpu.memref_slice %arg23[%dma_wait3A_186] : memref<512xf32, #tpu.memory_space<vmem>> -> memref<128xf32, #tpu.memory_space<vmem>>
    %dma_wait3A_188 = arith.constant 0 : i32
    %dma_wait3A_189 = tpu.memref_slice %arg22[%dma_wait3A_188] : memref<512xi32, #tpu.memory_space<vmem>> -> memref<128xi32, #tpu.memory_space<vmem>>
    %dma_wait3A_190 = arith.constant 0 : i32
    %dma_wait3A_191 = tpu.memref_slice %arg10[%dma_wait3A_185, %dma_wait3A_190] : memref<1x100000xf32, #tpu.memory_space<hbm>> -> memref<1x100000xf32, #tpu.memory_space<hbm>>
    %dma_wait3A_192 = tpu.memref_squeeze %dma_wait3A_191 : memref<1x100000xf32, #tpu.memory_space<hbm>> -> memref<100000xf32, #tpu.memory_space<hbm>>
    %dma_wait3A_193 = arith.constant 0 : i32
    %dma_wait3A_194 = tpu.memref_slice %dma_wait3A_192[%dma_wait3A_193] : memref<100000xf32, #tpu.memory_space<hbm>> -> memref<100000xf32, #tpu.memory_space<hbm>>
    tpu.wait_indirect_dma semaphore(%arg28 : memref<!tpu.dma_semaphore, #tpu.memory_space<semaphore_mem>>) src(%dma_wait3A_194 : memref<100000xf32, #tpu.memory_space<hbm>>) dst(%dma_wait3A_187 : memref<128xf32, #tpu.memory_space<vmem>>)
    %dma_wait3A_195 = arith.constant 0 : i32
    %dma_wait3A_196 = arith.constant 128 : i32
    %dma_wait3A_197 = tpu.memref_slice %arg23[%dma_wait3A_196] : memref<512xf32, #tpu.memory_space<vmem>> -> memref<128xf32, #tpu.memory_space<vmem>>
    %dma_wait3A_198 = arith.constant 128 : i32
    %dma_wait3A_199 = tpu.memref_slice %arg22[%dma_wait3A_198] : memref<512xi32, #tpu.memory_space<vmem>> -> memref<128xi32, #tpu.memory_space<vmem>>
    %dma_wait3A_200 = arith.constant 0 : i32
    %dma_wait3A_201 = tpu.memref_slice %arg10[%dma_wait3A_195, %dma_wait3A_200] : memref<1x100000xf32, #tpu.memory_space<hbm>> -> memref<1x100000xf32, #tpu.memory_space<hbm>>
    %dma_wait3A_202 = tpu.memref_squeeze %dma_wait3A_201 : memref<1x100000xf32, #tpu.memory_space<hbm>> -> memref<100000xf32, #tpu.memory_space<hbm>>
    %dma_wait3A_203 = arith.constant 0 : i32
    %dma_wait3A_204 = tpu.memref_slice %dma_wait3A_202[%dma_wait3A_203] : memref<100000xf32, #tpu.memory_space<hbm>> -> memref<100000xf32, #tpu.memory_space<hbm>>
    tpu.wait_indirect_dma semaphore(%arg28 : memref<!tpu.dma_semaphore, #tpu.memory_space<semaphore_mem>>) src(%dma_wait3A_204 : memref<100000xf32, #tpu.memory_space<hbm>>) dst(%dma_wait3A_197 : memref<128xf32, #tpu.memory_space<vmem>>)
    %dma_wait3A_205 = arith.constant 0 : i32
    %dma_wait3A_206 = arith.constant 256 : i32
    %dma_wait3A_207 = tpu.memref_slice %arg23[%dma_wait3A_206] : memref<512xf32, #tpu.memory_space<vmem>> -> memref<128xf32, #tpu.memory_space<vmem>>
    %dma_wait3A_208 = arith.constant 256 : i32
    %dma_wait3A_209 = tpu.memref_slice %arg22[%dma_wait3A_208] : memref<512xi32, #tpu.memory_space<vmem>> -> memref<128xi32, #tpu.memory_space<vmem>>
    %dma_wait3A_210 = arith.constant 0 : i32
    %dma_wait3A_211 = tpu.memref_slice %arg10[%dma_wait3A_205, %dma_wait3A_210] : memref<1x100000xf32, #tpu.memory_space<hbm>> -> memref<1x100000xf32, #tpu.memory_space<hbm>>
    %dma_wait3A_212 = tpu.memref_squeeze %dma_wait3A_211 : memref<1x100000xf32, #tpu.memory_space<hbm>> -> memref<100000xf32, #tpu.memory_space<hbm>>
    %dma_wait3A_213 = arith.constant 0 : i32
    %dma_wait3A_214 = tpu.memref_slice %dma_wait3A_212[%dma_wait3A_213] : memref<100000xf32, #tpu.memory_space<hbm>> -> memref<100000xf32, #tpu.memory_space<hbm>>
    tpu.wait_indirect_dma semaphore(%arg28 : memref<!tpu.dma_semaphore, #tpu.memory_space<semaphore_mem>>) src(%dma_wait3A_214 : memref<100000xf32, #tpu.memory_space<hbm>>) dst(%dma_wait3A_207 : memref<128xf32, #tpu.memory_space<vmem>>)
    %dma_wait3A_215 = arith.constant 0 : i32
    %dma_wait3A_216 = arith.constant 384 : i32
    %dma_wait3A_217 = tpu.memref_slice %arg23[%dma_wait3A_216] : memref<512xf32, #tpu.memory_space<vmem>> -> memref<128xf32, #tpu.memory_space<vmem>>
    %dma_wait3A_218 = arith.constant 384 : i32
    %dma_wait3A_219 = tpu.memref_slice %arg22[%dma_wait3A_218] : memref<512xi32, #tpu.memory_space<vmem>> -> memref<128xi32, #tpu.memory_space<vmem>>
    %dma_wait3A_220 = arith.constant 0 : i32
    %dma_wait3A_221 = tpu.memref_slice %arg10[%dma_wait3A_215, %dma_wait3A_220] : memref<1x100000xf32, #tpu.memory_space<hbm>> -> memref<1x100000xf32, #tpu.memory_space<hbm>>
    %dma_wait3A_222 = tpu.memref_squeeze %dma_wait3A_221 : memref<1x100000xf32, #tpu.memory_space<hbm>> -> memref<100000xf32, #tpu.memory_space<hbm>>
    %dma_wait3A_223 = arith.constant 0 : i32
    %dma_wait3A_224 = tpu.memref_slice %dma_wait3A_222[%dma_wait3A_223] : memref<100000xf32, #tpu.memory_space<hbm>> -> memref<100000xf32, #tpu.memory_space<hbm>>
    tpu.wait_indirect_dma semaphore(%arg28 : memref<!tpu.dma_semaphore, #tpu.memory_space<semaphore_mem>>) src(%dma_wait3A_224 : memref<100000xf32, #tpu.memory_space<hbm>>) dst(%dma_wait3A_217 : memref<128xf32, #tpu.memory_space<vmem>>)
    %scan3A_225 = arith.constant 0 : i32
    %scan3A_226 = arith.constant 0 : i32
    %scan3A_227 = arith.constant 32 : i32
    %scan3A_228 = arith.addi %scan3A_226, %scan3A_227 : i32
    %scan3A_229 = arith.constant 1 : i32
    scf.for %scan3A_405 = %scan3A_226 to %scan3A_228 step %scan3A_229  : i32 {
      %mul3A_406 = arith.constant 16 : i32
      %mul3A_407 = arith.muli %scan3A_405, %mul3A_406 : i32
      %get3A = arith.index_cast %mul3A_407 : i32 to index
      %get3A_408 = tpu.vector_load %arg22[%get3A] {strides = array<i32>} : memref<512xi32, #tpu.memory_space<vmem>>, vector<16xi32>,
      %mul3A_409 = arith.constant 16 : i32
      %mul3A_410 = arith.muli %scan3A_405, %mul3A_409 : i32
      %get3A_411 = arith.index_cast %mul3A_410 : i32 to index
      %get3A_412 = tpu.vector_load %arg23[%get3A_411] {strides = array<i32>} : memref<512xf32, #tpu.memory_space<vmem>>, vector<16xf32>,
      %ne3A = arith.constant 0 : i32
      %ne3A_413 = vector.broadcast %ne3A : i32 to vector<16xi32>
      %ne3A_414 = arith.cmpi ne, %get3A_408, %ne3A_413 : vector<16xi32>
      %jit3A_415 = arith.constant 0.000000e+00 : f32
      %broadcast_in_dim3A_416 = vector.broadcast %jit3A_415 : f32 to vector<16xf32>
      %select_n3A_417 = arith.select %ne3A_414, %get3A_412, %broadcast_in_dim3A_416 : vector<16xi1>, vector<16xf32>
      %mul3A_418 = arith.constant 16 : i32
      %mul3A_419 = arith.muli %scan3A_405, %mul3A_418 : i32
      %get3A_420 = arith.index_cast %mul3A_419 : i32 to index
      %get3A_421 = tpu.vector_load %arg19[%get3A_420] {strides = array<i32>} : memref<512xf32, #tpu.memory_space<vmem>>, vector<16xf32>,
      %add3A_422 = arith.addf %get3A_421, %select_n3A_417 : vector<16xf32>
      %mul3A_423 = arith.constant 16 : i32
      %mul3A_424 = arith.muli %scan3A_405, %mul3A_423 : i32
      %swap3A = arith.index_cast %mul3A_424 : i32 to index
      %swap3A_425 = tpu.vector_load %arg19[%swap3A] {strides = array<i32>} : memref<512xf32, #tpu.memory_space<vmem>>, vector<16xf32>,
      tpu.vector_store %arg19[%swap3A], %add3A_422 {strides = array<i32>} : memref<512xf32, #tpu.memory_space<vmem>>, vector<16xf32>,
    }
    %scan3A_230 = arith.constant 32 : i32
    "tpu.region"() ({
      %run_scoped3A = tpu.sem_alloc : memref<!tpu.dma_semaphore, #tpu.memory_space<semaphore_mem>>
      %dma_start3A_405 = tpu.memref_slice %arg7[%add3A_8] : memref<16384xi32, #tpu.memory_space<hbm>> -> memref<512xi32, #tpu.memory_space<hbm>>
      %dma_start3A_406 = tpu.memref_slice %arg7[%add3A_8] : memref<16384xi32, #tpu.memory_space<hbm>> -> memref<512xi32, #tpu.memory_space<hbm>>
      tpu.enqueue_dma source(%dma_start3A_406 : memref<512xi32, #tpu.memory_space<hbm>>) target(%arg22 : memref<512xi32, #tpu.memory_space<vmem>>) target_semaphore(%run_scoped3A : memref<!tpu.dma_semaphore, #tpu.memory_space<semaphore_mem>>)
      %dma_wait3A_407 = tpu.memref_slice %arg7[%add3A_8] : memref<16384xi32, #tpu.memory_space<hbm>> -> memref<512xi32, #tpu.memory_space<hbm>>
      %dma_wait3A_408 = tpu.memref_slice %arg7[%add3A_8] : memref<16384xi32, #tpu.memory_space<hbm>> -> memref<512xi32, #tpu.memory_space<hbm>>
      tpu.wait_dma2 semaphore(%run_scoped3A : memref<!tpu.dma_semaphore, #tpu.memory_space<semaphore_mem>>) src(%dma_wait3A_408 : memref<512xi32, #tpu.memory_space<hbm>>) dst(%arg22 : memref<512xi32, #tpu.memory_space<vmem>>)
      tpu.yield
    }) : () -> ()
    %dma_start3A_231 = arith.constant 0 : i32
    %dma_start3A_232 = arith.constant 0 : i32
    %dma_start3A_233 = tpu.memref_slice %arg23[%dma_start3A_232] : memref<512xf32, #tpu.memory_space<vmem>> -> memref<128xf32, #tpu.memory_space<vmem>>
    %dma_start3A_234 = arith.constant 0 : i32
    %dma_start3A_235 = tpu.memref_slice %arg22[%dma_start3A_234] : memref<512xi32, #tpu.memory_space<vmem>> -> memref<128xi32, #tpu.memory_space<vmem>>
    %dma_start3A_236 = arith.constant 0 : i32
    %dma_start3A_237 = tpu.memref_slice %arg12[%dma_start3A_231, %dma_start3A_236] : memref<1x100000xf32, #tpu.memory_space<hbm>> -> memref<1x100000xf32, #tpu.memory_space<hbm>>
    %dma_start3A_238 = tpu.memref_squeeze %dma_start3A_237 : memref<1x100000xf32, #tpu.memory_space<hbm>> -> memref<100000xf32, #tpu.memory_space<hbm>>
    %dma_start3A_239 = arith.constant 0 : i32
    %dma_start3A_240 = tpu.memref_slice %dma_start3A_238[%dma_start3A_239] : memref<100000xf32, #tpu.memory_space<hbm>> -> memref<100000xf32, #tpu.memory_space<hbm>>
    tpu.enqueue_indirect_dma source(%dma_start3A_240 : memref<100000xf32, #tpu.memory_space<hbm>>) target(%dma_start3A_233 : memref<128xf32, #tpu.memory_space<vmem>>) offsets(%dma_start3A_235 : memref<128xi32, #tpu.memory_space<vmem>>) semaphore(%arg28 : memref<!tpu.dma_semaphore, #tpu.memory_space<semaphore_mem>>)
    %dma_start3A_241 = arith.constant 0 : i32
    %dma_start3A_242 = arith.constant 128 : i32
    %dma_start3A_243 = tpu.memref_slice %arg23[%dma_start3A_242] : memref<512xf32, #tpu.memory_space<vmem>> -> memref<128xf32, #tpu.memory_space<vmem>>
    %dma_start3A_244 = arith.constant 128 : i32
    %dma_start3A_245 = tpu.memref_slice %arg22[%dma_start3A_244] : memref<512xi32, #tpu.memory_space<vmem>> -> memref<128xi32, #tpu.memory_space<vmem>>
    %dma_start3A_246 = arith.constant 0 : i32
    %dma_start3A_247 = tpu.memref_slice %arg12[%dma_start3A_241, %dma_start3A_246] : memref<1x100000xf32, #tpu.memory_space<hbm>> -> memref<1x100000xf32, #tpu.memory_space<hbm>>
    %dma_start3A_248 = tpu.memref_squeeze %dma_start3A_247 : memref<1x100000xf32, #tpu.memory_space<hbm>> -> memref<100000xf32, #tpu.memory_space<hbm>>
    %dma_start3A_249 = arith.constant 0 : i32
    %dma_start3A_250 = tpu.memref_slice %dma_start3A_248[%dma_start3A_249] : memref<100000xf32, #tpu.memory_space<hbm>> -> memref<100000xf32, #tpu.memory_space<hbm>>
    tpu.enqueue_indirect_dma source(%dma_start3A_250 : memref<100000xf32, #tpu.memory_space<hbm>>) target(%dma_start3A_243 : memref<128xf32, #tpu.memory_space<vmem>>) offsets(%dma_start3A_245 : memref<128xi32, #tpu.memory_space<vmem>>) semaphore(%arg28 : memref<!tpu.dma_semaphore, #tpu.memory_space<semaphore_mem>>)
    %dma_start3A_251 = arith.constant 0 : i32
    %dma_start3A_252 = arith.constant 256 : i32
    %dma_start3A_253 = tpu.memref_slice %arg23[%dma_start3A_252] : memref<512xf32, #tpu.memory_space<vmem>> -> memref<128xf32, #tpu.memory_space<vmem>>
    %dma_start3A_254 = arith.constant 256 : i32
    %dma_start3A_255 = tpu.memref_slice %arg22[%dma_start3A_254] : memref<512xi32, #tpu.memory_space<vmem>> -> memref<128xi32, #tpu.memory_space<vmem>>
    %dma_start3A_256 = arith.constant 0 : i32
    %dma_start3A_257 = tpu.memref_slice %arg12[%dma_start3A_251, %dma_start3A_256] : memref<1x100000xf32, #tpu.memory_space<hbm>> -> memref<1x100000xf32, #tpu.memory_space<hbm>>
    %dma_start3A_258 = tpu.memref_squeeze %dma_start3A_257 : memref<1x100000xf32, #tpu.memory_space<hbm>> -> memref<100000xf32, #tpu.memory_space<hbm>>
    %dma_start3A_259 = arith.constant 0 : i32
    %dma_start3A_260 = tpu.memref_slice %dma_start3A_258[%dma_start3A_259] : memref<100000xf32, #tpu.memory_space<hbm>> -> memref<100000xf32, #tpu.memory_space<hbm>>
    tpu.enqueue_indirect_dma source(%dma_start3A_260 : memref<100000xf32, #tpu.memory_space<hbm>>) target(%dma_start3A_253 : memref<128xf32, #tpu.memory_space<vmem>>) offsets(%dma_start3A_255 : memref<128xi32, #tpu.memory_space<vmem>>) semaphore(%arg28 : memref<!tpu.dma_semaphore, #tpu.memory_space<semaphore_mem>>)
    %dma_start3A_261 = arith.constant 0 : i32
    %dma_start3A_262 = arith.constant 384 : i32
    %dma_start3A_263 = tpu.memref_slice %arg23[%dma_start3A_262] : memref<512xf32, #tpu.memory_space<vmem>> -> memref<128xf32, #tpu.memory_space<vmem>>
    %dma_start3A_264 = arith.constant 384 : i32
    %dma_start3A_265 = tpu.memref_slice %arg22[%dma_start3A_264] : memref<512xi32, #tpu.memory_space<vmem>> -> memref<128xi32, #tpu.memory_space<vmem>>
    %dma_start3A_266 = arith.constant 0 : i32
    %dma_start3A_267 = tpu.memref_slice %arg12[%dma_start3A_261, %dma_start3A_266] : memref<1x100000xf32, #tpu.memory_space<hbm>> -> memref<1x100000xf32, #tpu.memory_space<hbm>>
    %dma_start3A_268 = tpu.memref_squeeze %dma_start3A_267 : memref<1x100000xf32, #tpu.memory_space<hbm>> -> memref<100000xf32, #tpu.memory_space<hbm>>
    %dma_start3A_269 = arith.constant 0 : i32
    %dma_start3A_270 = tpu.memref_slice %dma_start3A_268[%dma_start3A_269] : memref<100000xf32, #tpu.memory_space<hbm>> -> memref<100000xf32, #tpu.memory_space<hbm>>
    tpu.enqueue_indirect_dma source(%dma_start3A_270 : memref<100000xf32, #tpu.memory_space<hbm>>) target(%dma_start3A_263 : memref<128xf32, #tpu.memory_space<vmem>>) offsets(%dma_start3A_265 : memref<128xi32, #tpu.memory_space<vmem>>) semaphore(%arg28 : memref<!tpu.dma_semaphore, #tpu.memory_space<semaphore_mem>>)
    %dma_wait3A_271 = arith.constant 0 : i32
    %dma_wait3A_272 = arith.constant 0 : i32
    %dma_wait3A_273 = tpu.memref_slice %arg21[%dma_wait3A_272] : memref<512xf32, #tpu.memory_space<vmem>> -> memref<128xf32, #tpu.memory_space<vmem>>
    %dma_wait3A_274 = arith.constant 0 : i32
    %dma_wait3A_275 = tpu.memref_slice %arg20[%dma_wait3A_274] : memref<512xi32, #tpu.memory_space<vmem>> -> memref<128xi32, #tpu.memory_space<vmem>>
    %dma_wait3A_276 = arith.constant 0 : i32
    %dma_wait3A_277 = tpu.memref_slice %arg11[%dma_wait3A_271, %dma_wait3A_276] : memref<1x100000xf32, #tpu.memory_space<hbm>> -> memref<1x100000xf32, #tpu.memory_space<hbm>>
    %dma_wait3A_278 = tpu.memref_squeeze %dma_wait3A_277 : memref<1x100000xf32, #tpu.memory_space<hbm>> -> memref<100000xf32, #tpu.memory_space<hbm>>
    %dma_wait3A_279 = arith.constant 0 : i32
    %dma_wait3A_280 = tpu.memref_slice %dma_wait3A_278[%dma_wait3A_279] : memref<100000xf32, #tpu.memory_space<hbm>> -> memref<100000xf32, #tpu.memory_space<hbm>>
    tpu.wait_indirect_dma semaphore(%arg27 : memref<!tpu.dma_semaphore, #tpu.memory_space<semaphore_mem>>) src(%dma_wait3A_280 : memref<100000xf32, #tpu.memory_space<hbm>>) dst(%dma_wait3A_273 : memref<128xf32, #tpu.memory_space<vmem>>)
    %dma_wait3A_281 = arith.constant 0 : i32
    %dma_wait3A_282 = arith.constant 128 : i32
    %dma_wait3A_283 = tpu.memref_slice %arg21[%dma_wait3A_282] : memref<512xf32, #tpu.memory_space<vmem>> -> memref<128xf32, #tpu.memory_space<vmem>>
    %dma_wait3A_284 = arith.constant 128 : i32
    %dma_wait3A_285 = tpu.memref_slice %arg20[%dma_wait3A_284] : memref<512xi32, #tpu.memory_space<vmem>> -> memref<128xi32, #tpu.memory_space<vmem>>
    %dma_wait3A_286 = arith.constant 0 : i32
    %dma_wait3A_287 = tpu.memref_slice %arg11[%dma_wait3A_281, %dma_wait3A_286] : memref<1x100000xf32, #tpu.memory_space<hbm>> -> memref<1x100000xf32, #tpu.memory_space<hbm>>
    %dma_wait3A_288 = tpu.memref_squeeze %dma_wait3A_287 : memref<1x100000xf32, #tpu.memory_space<hbm>> -> memref<100000xf32, #tpu.memory_space<hbm>>
    %dma_wait3A_289 = arith.constant 0 : i32
    %dma_wait3A_290 = tpu.memref_slice %dma_wait3A_288[%dma_wait3A_289] : memref<100000xf32, #tpu.memory_space<hbm>> -> memref<100000xf32, #tpu.memory_space<hbm>>
    tpu.wait_indirect_dma semaphore(%arg27 : memref<!tpu.dma_semaphore, #tpu.memory_space<semaphore_mem>>) src(%dma_wait3A_290 : memref<100000xf32, #tpu.memory_space<hbm>>) dst(%dma_wait3A_283 : memref<128xf32, #tpu.memory_space<vmem>>)
    %dma_wait3A_291 = arith.constant 0 : i32
    %dma_wait3A_292 = arith.constant 256 : i32
    %dma_wait3A_293 = tpu.memref_slice %arg21[%dma_wait3A_292] : memref<512xf32, #tpu.memory_space<vmem>> -> memref<128xf32, #tpu.memory_space<vmem>>
    %dma_wait3A_294 = arith.constant 256 : i32
    %dma_wait3A_295 = tpu.memref_slice %arg20[%dma_wait3A_294] : memref<512xi32, #tpu.memory_space<vmem>> -> memref<128xi32, #tpu.memory_space<vmem>>
    %dma_wait3A_296 = arith.constant 0 : i32
    %dma_wait3A_297 = tpu.memref_slice %arg11[%dma_wait3A_291, %dma_wait3A_296] : memref<1x100000xf32, #tpu.memory_space<hbm>> -> memref<1x100000xf32, #tpu.memory_space<hbm>>
    %dma_wait3A_298 = tpu.memref_squeeze %dma_wait3A_297 : memref<1x100000xf32, #tpu.memory_space<hbm>> -> memref<100000xf32, #tpu.memory_space<hbm>>
    %dma_wait3A_299 = arith.constant 0 : i32
    %dma_wait3A_300 = tpu.memref_slice %dma_wait3A_298[%dma_wait3A_299] : memref<100000xf32, #tpu.memory_space<hbm>> -> memref<100000xf32, #tpu.memory_space<hbm>>
    tpu.wait_indirect_dma semaphore(%arg27 : memref<!tpu.dma_semaphore, #tpu.memory_space<semaphore_mem>>) src(%dma_wait3A_300 : memref<100000xf32, #tpu.memory_space<hbm>>) dst(%dma_wait3A_293 : memref<128xf32, #tpu.memory_space<vmem>>)
    %dma_wait3A_301 = arith.constant 0 : i32
    %dma_wait3A_302 = arith.constant 384 : i32
    %dma_wait3A_303 = tpu.memref_slice %arg21[%dma_wait3A_302] : memref<512xf32, #tpu.memory_space<vmem>> -> memref<128xf32, #tpu.memory_space<vmem>>
    %dma_wait3A_304 = arith.constant 384 : i32
    %dma_wait3A_305 = tpu.memref_slice %arg20[%dma_wait3A_304] : memref<512xi32, #tpu.memory_space<vmem>> -> memref<128xi32, #tpu.memory_space<vmem>>
    %dma_wait3A_306 = arith.constant 0 : i32
    %dma_wait3A_307 = tpu.memref_slice %arg11[%dma_wait3A_301, %dma_wait3A_306] : memref<1x100000xf32, #tpu.memory_space<hbm>> -> memref<1x100000xf32, #tpu.memory_space<hbm>>
    %dma_wait3A_308 = tpu.memref_squeeze %dma_wait3A_307 : memref<1x100000xf32, #tpu.memory_space<hbm>> -> memref<100000xf32, #tpu.memory_space<hbm>>
    %dma_wait3A_309 = arith.constant 0 : i32
    %dma_wait3A_310 = tpu.memref_slice %dma_wait3A_308[%dma_wait3A_309] : memref<100000xf32, #tpu.memory_space<hbm>> -> memref<100000xf32, #tpu.memory_space<hbm>>
    tpu.wait_indirect_dma semaphore(%arg27 : memref<!tpu.dma_semaphore, #tpu.memory_space<semaphore_mem>>) src(%dma_wait3A_310 : memref<100000xf32, #tpu.memory_space<hbm>>) dst(%dma_wait3A_303 : memref<128xf32, #tpu.memory_space<vmem>>)
    %scan3A_311 = arith.constant 0 : i32
    %scan3A_312 = arith.constant 0 : i32
    %scan3A_313 = arith.constant 32 : i32
    %scan3A_314 = arith.addi %scan3A_312, %scan3A_313 : i32
    %scan3A_315 = arith.constant 1 : i32
    scf.for %scan3A_405 = %scan3A_312 to %scan3A_314 step %scan3A_315  : i32 {
      %mul3A_406 = arith.constant 16 : i32
      %mul3A_407 = arith.muli %scan3A_405, %mul3A_406 : i32
      %get3A = arith.index_cast %mul3A_407 : i32 to index
      %get3A_408 = tpu.vector_load %arg20[%get3A] {strides = array<i32>} : memref<512xi32, #tpu.memory_space<vmem>>, vector<16xi32>,
      %mul3A_409 = arith.constant 16 : i32
      %mul3A_410 = arith.muli %scan3A_405, %mul3A_409 : i32
      %get3A_411 = arith.index_cast %mul3A_410 : i32 to index
      %get3A_412 = tpu.vector_load %arg21[%get3A_411] {strides = array<i32>} : memref<512xf32, #tpu.memory_space<vmem>>, vector<16xf32>,
      %ne3A = arith.constant 0 : i32
      %ne3A_413 = vector.broadcast %ne3A : i32 to vector<16xi32>
      %ne3A_414 = arith.cmpi ne, %get3A_408, %ne3A_413 : vector<16xi32>
      %jit3A_415 = arith.constant 0.000000e+00 : f32
      %broadcast_in_dim3A_416 = vector.broadcast %jit3A_415 : f32 to vector<16xf32>
      %select_n3A_417 = arith.select %ne3A_414, %get3A_412, %broadcast_in_dim3A_416 : vector<16xi1>, vector<16xf32>
      %mul3A_418 = arith.constant 16 : i32
      %mul3A_419 = arith.muli %scan3A_405, %mul3A_418 : i32
      %get3A_420 = arith.index_cast %mul3A_419 : i32 to index
      %get3A_421 = tpu.vector_load %arg19[%get3A_420] {strides = array<i32>} : memref<512xf32, #tpu.memory_space<vmem>>, vector<16xf32>,
      %add3A_422 = arith.addf %get3A_421, %select_n3A_417 : vector<16xf32>
      %mul3A_423 = arith.constant 16 : i32
      %mul3A_424 = arith.muli %scan3A_405, %mul3A_423 : i32
      %swap3A = arith.index_cast %mul3A_424 : i32 to index
      %swap3A_425 = tpu.vector_load %arg19[%swap3A] {strides = array<i32>} : memref<512xf32, #tpu.memory_space<vmem>>, vector<16xf32>,
      tpu.vector_store %arg19[%swap3A], %add3A_422 {strides = array<i32>} : memref<512xf32, #tpu.memory_space<vmem>>, vector<16xf32>,
    }
    %scan3A_316 = arith.constant 32 : i32
    %dma_wait3A_317 = arith.constant 0 : i32
    %dma_wait3A_318 = arith.constant 0 : i32
    %dma_wait3A_319 = tpu.memref_slice %arg23[%dma_wait3A_318] : memref<512xf32, #tpu.memory_space<vmem>> -> memref<128xf32, #tpu.memory_space<vmem>>
    %dma_wait3A_320 = arith.constant 0 : i32
    %dma_wait3A_321 = tpu.memref_slice %arg22[%dma_wait3A_320] : memref<512xi32, #tpu.memory_space<vmem>> -> memref<128xi32, #tpu.memory_space<vmem>>
    %dma_wait3A_322 = arith.constant 0 : i32
    %dma_wait3A_323 = tpu.memref_slice %arg12[%dma_wait3A_317, %dma_wait3A_322] : memref<1x100000xf32, #tpu.memory_space<hbm>> -> memref<1x100000xf32, #tpu.memory_space<hbm>>
    %dma_wait3A_324 = tpu.memref_squeeze %dma_wait3A_323 : memref<1x100000xf32, #tpu.memory_space<hbm>> -> memref<100000xf32, #tpu.memory_space<hbm>>
    %dma_wait3A_325 = arith.constant 0 : i32
    %dma_wait3A_326 = tpu.memref_slice %dma_wait3A_324[%dma_wait3A_325] : memref<100000xf32, #tpu.memory_space<hbm>> -> memref<100000xf32, #tpu.memory_space<hbm>>
    tpu.wait_indirect_dma semaphore(%arg28 : memref<!tpu.dma_semaphore, #tpu.memory_space<semaphore_mem>>) src(%dma_wait3A_326 : memref<100000xf32, #tpu.memory_space<hbm>>) dst(%dma_wait3A_319 : memref<128xf32, #tpu.memory_space<vmem>>)
    %dma_wait3A_327 = arith.constant 0 : i32
    %dma_wait3A_328 = arith.constant 128 : i32
    %dma_wait3A_329 = tpu.memref_slice %arg23[%dma_wait3A_328] : memref<512xf32, #tpu.memory_space<vmem>> -> memref<128xf32, #tpu.memory_space<vmem>>
    %dma_wait3A_330 = arith.constant 128 : i32
    %dma_wait3A_331 = tpu.memref_slice %arg22[%dma_wait3A_330] : memref<512xi32, #tpu.memory_space<vmem>> -> memref<128xi32, #tpu.memory_space<vmem>>
    %dma_wait3A_332 = arith.constant 0 : i32
    %dma_wait3A_333 = tpu.memref_slice %arg12[%dma_wait3A_327, %dma_wait3A_332] : memref<1x100000xf32, #tpu.memory_space<hbm>> -> memref<1x100000xf32, #tpu.memory_space<hbm>>
    %dma_wait3A_334 = tpu.memref_squeeze %dma_wait3A_333 : memref<1x100000xf32, #tpu.memory_space<hbm>> -> memref<100000xf32, #tpu.memory_space<hbm>>
    %dma_wait3A_335 = arith.constant 0 : i32
    %dma_wait3A_336 = tpu.memref_slice %dma_wait3A_334[%dma_wait3A_335] : memref<100000xf32, #tpu.memory_space<hbm>> -> memref<100000xf32, #tpu.memory_space<hbm>>
    tpu.wait_indirect_dma semaphore(%arg28 : memref<!tpu.dma_semaphore, #tpu.memory_space<semaphore_mem>>) src(%dma_wait3A_336 : memref<100000xf32, #tpu.memory_space<hbm>>) dst(%dma_wait3A_329 : memref<128xf32, #tpu.memory_space<vmem>>)
    %dma_wait3A_337 = arith.constant 0 : i32
    %dma_wait3A_338 = arith.constant 256 : i32
    %dma_wait3A_339 = tpu.memref_slice %arg23[%dma_wait3A_338] : memref<512xf32, #tpu.memory_space<vmem>> -> memref<128xf32, #tpu.memory_space<vmem>>
    %dma_wait3A_340 = arith.constant 256 : i32
    %dma_wait3A_341 = tpu.memref_slice %arg22[%dma_wait3A_340] : memref<512xi32, #tpu.memory_space<vmem>> -> memref<128xi32, #tpu.memory_space<vmem>>
    %dma_wait3A_342 = arith.constant 0 : i32
    %dma_wait3A_343 = tpu.memref_slice %arg12[%dma_wait3A_337, %dma_wait3A_342] : memref<1x100000xf32, #tpu.memory_space<hbm>> -> memref<1x100000xf32, #tpu.memory_space<hbm>>
    %dma_wait3A_344 = tpu.memref_squeeze %dma_wait3A_343 : memref<1x100000xf32, #tpu.memory_space<hbm>> -> memref<100000xf32, #tpu.memory_space<hbm>>
    %dma_wait3A_345 = arith.constant 0 : i32
    %dma_wait3A_346 = tpu.memref_slice %dma_wait3A_344[%dma_wait3A_345] : memref<100000xf32, #tpu.memory_space<hbm>> -> memref<100000xf32, #tpu.memory_space<hbm>>
    tpu.wait_indirect_dma semaphore(%arg28 : memref<!tpu.dma_semaphore, #tpu.memory_space<semaphore_mem>>) src(%dma_wait3A_346 : memref<100000xf32, #tpu.memory_space<hbm>>) dst(%dma_wait3A_339 : memref<128xf32, #tpu.memory_space<vmem>>)
    %dma_wait3A_347 = arith.constant 0 : i32
    %dma_wait3A_348 = arith.constant 384 : i32
    %dma_wait3A_349 = tpu.memref_slice %arg23[%dma_wait3A_348] : memref<512xf32, #tpu.memory_space<vmem>> -> memref<128xf32, #tpu.memory_space<vmem>>
    %dma_wait3A_350 = arith.constant 384 : i32
    %dma_wait3A_351 = tpu.memref_slice %arg22[%dma_wait3A_350] : memref<512xi32, #tpu.memory_space<vmem>> -> memref<128xi32, #tpu.memory_space<vmem>>
    %dma_wait3A_352 = arith.constant 0 : i32
    %dma_wait3A_353 = tpu.memref_slice %arg12[%dma_wait3A_347, %dma_wait3A_352] : memref<1x100000xf32, #tpu.memory_space<hbm>> -> memref<1x100000xf32, #tpu.memory_space<hbm>>
    %dma_wait3A_354 = tpu.memref_squeeze %dma_wait3A_353 : memref<1x100000xf32, #tpu.memory_space<hbm>> -> memref<100000xf32, #tpu.memory_space<hbm>>
    %dma_wait3A_355 = arith.constant 0 : i32
    %dma_wait3A_356 = tpu.memref_slice %dma_wait3A_354[%dma_wait3A_355] : memref<100000xf32, #tpu.memory_space<hbm>> -> memref<100000xf32, #tpu.memory_space<hbm>>
    tpu.wait_indirect_dma semaphore(%arg28 : memref<!tpu.dma_semaphore, #tpu.memory_space<semaphore_mem>>) src(%dma_wait3A_356 : memref<100000xf32, #tpu.memory_space<hbm>>) dst(%dma_wait3A_349 : memref<128xf32, #tpu.memory_space<vmem>>)
    %scan3A_357 = arith.constant 0 : i32
    %scan3A_358 = arith.constant 0 : i32
    %scan3A_359 = arith.constant 32 : i32
    %scan3A_360 = arith.addi %scan3A_358, %scan3A_359 : i32
    %scan3A_361 = arith.constant 1 : i32
    scf.for %scan3A_405 = %scan3A_358 to %scan3A_360 step %scan3A_361  : i32 {
      %mul3A_406 = arith.constant 16 : i32
      %mul3A_407 = arith.muli %scan3A_405, %mul3A_406 : i32
      %get3A = arith.index_cast %mul3A_407 : i32 to index
      %get3A_408 = tpu.vector_load %arg22[%get3A] {strides = array<i32>} : memref<512xi32, #tpu.memory_space<vmem>>, vector<16xi32>,
      %mul3A_409 = arith.constant 16 : i32
      %mul3A_410 = arith.muli %scan3A_405, %mul3A_409 : i32
      %get3A_411 = arith.index_cast %mul3A_410 : i32 to index
      %get3A_412 = tpu.vector_load %arg23[%get3A_411] {strides = array<i32>} : memref<512xf32, #tpu.memory_space<vmem>>, vector<16xf32>,
      %ne3A = arith.constant 0 : i32
      %ne3A_413 = vector.broadcast %ne3A : i32 to vector<16xi32>
      %ne3A_414 = arith.cmpi ne, %get3A_408, %ne3A_413 : vector<16xi32>
      %jit3A_415 = arith.constant 0.000000e+00 : f32
      %broadcast_in_dim3A_416 = vector.broadcast %jit3A_415 : f32 to vector<16xf32>
      %select_n3A_417 = arith.select %ne3A_414, %get3A_412, %broadcast_in_dim3A_416 : vector<16xi1>, vector<16xf32>
      %mul3A_418 = arith.constant 16 : i32
      %mul3A_419 = arith.muli %scan3A_405, %mul3A_418 : i32
      %get3A_420 = arith.index_cast %mul3A_419 : i32 to index
      %get3A_421 = tpu.vector_load %arg19[%get3A_420] {strides = array<i32>} : memref<512xf32, #tpu.memory_space<vmem>>, vector<16xf32>,
      %add3A_422 = arith.addf %get3A_421, %select_n3A_417 : vector<16xf32>
      %mul3A_423 = arith.constant 16 : i32
      %mul3A_424 = arith.muli %scan3A_405, %mul3A_423 : i32
      %swap3A = arith.index_cast %mul3A_424 : i32 to index
      %swap3A_425 = tpu.vector_load %arg19[%swap3A] {strides = array<i32>} : memref<512xf32, #tpu.memory_space<vmem>>, vector<16xf32>,
      tpu.vector_store %arg19[%swap3A], %add3A_422 {strides = array<i32>} : memref<512xf32, #tpu.memory_space<vmem>>, vector<16xf32>,
    }
    %scan3A_362 = arith.constant 32 : i32
    %broadcast_in_dim3A = arith.constant 0.000000e+00 : f32
    %broadcast_in_dim3A_363 = vector.broadcast %broadcast_in_dim3A : f32 to vector<16xf32>
    %scan3A_364 = arith.constant 0 : i32
    %scan3A_365 = arith.constant 0 : i32
    %scan3A_366 = arith.constant 64 : i32
    %scan3A_367 = arith.addi %scan3A_365, %scan3A_366 : i32
    %scan3A_368 = arith.constant 1 : i32
    scf.for %scan3A_405 = %scan3A_365 to %scan3A_367 step %scan3A_368  : i32 {
      %mul3A_406 = arith.constant 16 : i32
      %mul3A_407 = arith.muli %scan3A_405, %mul3A_406 : i32
      %swap3A = arith.index_cast %mul3A_407 : i32 to index
      %swap3A_408 = tpu.vector_load %arg18[%swap3A] {strides = array<i32>} : memref<1024xf32, #tpu.memory_space<vmem>>, vector<16xf32>,
      tpu.vector_store %arg18[%swap3A], %broadcast_in_dim3A_363 {strides = array<i32>} : memref<1024xf32, #tpu.memory_space<vmem>>, vector<16xf32>,
    }
    %scan3A_369 = arith.constant 64 : i32
    %dma_wait3A_370 = arith.constant 0 : i32
    %dma_wait3A_371 = arith.constant 0 : i32
    %dma_wait3A_372 = tpu.memref_slice %arg8[%dma_wait3A_370, %dma_wait3A_371] : memref<2x100000xf32, #tpu.memory_space<hbm>> -> memref<1x100000xf32, #tpu.memory_space<hbm>>
    %dma_wait3A_373 = tpu.memref_squeeze %dma_wait3A_372 : memref<1x100000xf32, #tpu.memory_space<hbm>> -> memref<100000xf32, #tpu.memory_space<hbm>>
    %dma_wait3A_374 = arith.constant 0 : i32
    %dma_wait3A_375 = tpu.memref_slice %arg8[%dma_wait3A_370, %dma_wait3A_374] : memref<2x100000xf32, #tpu.memory_space<hbm>> -> memref<1x100000xf32, #tpu.memory_space<hbm>>
    %dma_wait3A_376 = tpu.memref_squeeze %dma_wait3A_375 : memref<1x100000xf32, #tpu.memory_space<hbm>> -> memref<100000xf32, #tpu.memory_space<hbm>>
    tpu.wait_dma2 semaphore(%arg24 : memref<!tpu.dma_semaphore, #tpu.memory_space<semaphore_mem>>) src(%dma_wait3A_376 : memref<100000xf32, #tpu.memory_space<hbm>>) dst(%arg15 : memref<100000xf32, #tpu.memory_space<vmem>>)
    %scan3A_377 = arith.constant 0 : i32
    %scan3A_378 = arith.constant 0 : i32
    %scan3A_379 = arith.constant 12 : i32
    %scan3A_380 = arith.addi %scan3A_378, %scan3A_379 : i32
    %scan3A_381 = arith.constant 1 : i32
    scf.for %scan3A_405 = %scan3A_378 to %scan3A_380 step %scan3A_381  : i32 {
      %mul3A_406 = arith.constant 2 : i32
      %mul3A_407 = arith.muli %mul3A_406, %scan3A_405 : i32
      %multiple_of3A_408 = tpu.assume_multiple %mul3A_5, 128 : i32
      %dma_wait3A_409 = arith.constant 0 : i32
      %dma_wait3A_410 = tpu.memref_slice %arg2[%dma_wait3A_409, %multiple_of3A_408] : memref<200x16384xi32, #tpu.memory_space<hbm>> -> memref<8x1024xi32, #tpu.memory_space<hbm>>
      %dma_wait3A_411 = arith.constant 0 : i32
      %dma_wait3A_412 = tpu.memref_slice %arg2[%dma_wait3A_411, %multiple_of3A_408] : memref<200x16384xi32, #tpu.memory_space<hbm>> -> memref<8x1024xi32, #tpu.memory_space<hbm>>
      tpu.wait_dma2 semaphore(%arg25 : memref<!tpu.dma_semaphore, #tpu.memory_space<semaphore_mem>>) src(%dma_wait3A_412 : memref<8x1024xi32, #tpu.memory_space<hbm>>) dst(%arg16 : memref<8x1024xi32, #tpu.memory_space<vmem>>)
      %scan3A_413 = arith.constant 0 : i32
      %scan3A_414 = arith.constant 0 : i32
      %scan3A_415 = arith.constant 32 : i32
      %scan3A_416 = arith.addi %scan3A_414, %scan3A_415 : i32
      %scan3A_417 = arith.constant 1 : i32
      scf.for %scan3A_444 = %scan3A_414 to %scan3A_416 step %scan3A_417  : i32 {
        %mul3A_445 = arith.constant 32 : i32
        %mul3A_446 = arith.muli %scan3A_444, %mul3A_445 : i32
        %add3A_447 = arith.constant 0 : i32
        %add3A_448 = arith.addi %mul3A_446, %add3A_447 : i32
        %get3A = arith.index_cast %add3A_448 : i32 to index
        %get3A_449 = tpu.vector_load %arg18[%get3A] {strides = array<i32>} : memref<1024xf32, #tpu.memory_space<vmem>>, vector<16xf32>,
        %add3A_450 = arith.constant 16 : i32
        %add3A_451 = arith.addi %mul3A_446, %add3A_450 : i32
        %get3A_452 = arith.index_cast %add3A_451 : i32 to index
        %get3A_453 = tpu.vector_load %arg18[%get3A_452] {strides = array<i32>} : memref<1024xf32, #tpu.memory_space<vmem>>, vector<16xf32>,
        %add3A_454 = arith.constant 0 : i32
        %add3A_455 = arith.addi %mul3A_446, %add3A_454 : i32
        %get3A_456 = arith.constant 0 : i32
        %get3A_457 = arith.index_cast %get3A_456 : i32 to index
        %get3A_458 = arith.index_cast %add3A_455 : i32 to index
        %get3A_459 = tpu.vector_load %arg16[%get3A_457, %get3A_458] {strides = array<i32>} : memref<8x1024xi32, #tpu.memory_space<vmem>>, vector<16xi32>,
        %add3A_460 = arith.constant 16 : i32
        %add3A_461 = arith.addi %mul3A_446, %add3A_460 : i32
        %get3A_462 = arith.constant 0 : i32
        %get3A_463 = arith.index_cast %get3A_462 : i32 to index
        %get3A_464 = arith.index_cast %add3A_461 : i32 to index
        %get3A_465 = tpu.vector_load %arg16[%get3A_463, %get3A_464] {strides = array<i32>} : memref<8x1024xi32, #tpu.memory_space<vmem>>, vector<16xi32>,
        %gather3A = tpu.vector_load_idx %arg15[%get3A_459] : memref<100000xf32, #tpu.memory_space<vmem>>[vector<16xi32>], vector<16xf32>,
        %gather3A_466 = tpu.vector_load_idx %arg15[%get3A_465] : memref<100000xf32, #tpu.memory_space<vmem>>[vector<16xi32>], vector<16xf32>,
        %ne3A = arith.constant 0 : i32
        %ne3A_467 = vector.broadcast %ne3A : i32 to vector<16xi32>
        %ne3A_468 = arith.cmpi ne, %get3A_459, %ne3A_467 : vector<16xi32>
        %jit3A_469 = arith.constant 0.000000e+00 : f32
        %broadcast_in_dim3A_470 = vector.broadcast %jit3A_469 : f32 to vector<16xf32>
        %select_n3A_471 = arith.select %ne3A_468, %gather3A, %broadcast_in_dim3A_470 : vector<16xi1>, vector<16xf32>
        %add3A_472 = arith.addf %get3A_449, %select_n3A_471 : vector<16xf32>
        %ne3A_473 = arith.constant 0 : i32
        %ne3A_474 = vector.broadcast %ne3A_473 : i32 to vector<16xi32>
        %ne3A_475 = arith.cmpi ne, %get3A_465, %ne3A_474 : vector<16xi32>
        %jit3A_476 = arith.constant 0.000000e+00 : f32
        %broadcast_in_dim3A_477 = vector.broadcast %jit3A_476 : f32 to vector<16xf32>
        %select_n3A_478 = arith.select %ne3A_475, %gather3A_466, %broadcast_in_dim3A_477 : vector<16xi1>, vector<16xf32>
        %add3A_479 = arith.addf %get3A_453, %select_n3A_478 : vector<16xf32>
        %add3A_480 = arith.constant 0 : i32
        %add3A_481 = arith.addi %mul3A_446, %add3A_480 : i32
        %get3A_482 = arith.constant 1 : i32
        %get3A_483 = arith.index_cast %get3A_482 : i32 to index
        %get3A_484 = arith.index_cast %add3A_481 : i32 to index
        %get3A_485 = tpu.vector_load %arg16[%get3A_483, %get3A_484] {strides = array<i32>} : memref<8x1024xi32, #tpu.memory_space<vmem>>, vector<16xi32>,
        %add3A_486 = arith.constant 16 : i32
        %add3A_487 = arith.addi %mul3A_446, %add3A_486 : i32
        %get3A_488 = arith.constant 1 : i32
        %get3A_489 = arith.index_cast %get3A_488 : i32 to index
        %get3A_490 = arith.index_cast %add3A_487 : i32 to index
        %get3A_491 = tpu.vector_load %arg16[%get3A_489, %get3A_490] {strides = array<i32>} : memref<8x1024xi32, #tpu.memory_space<vmem>>, vector<16xi32>,
        %gather3A_492 = tpu.vector_load_idx %arg15[%get3A_485] : memref<100000xf32, #tpu.memory_space<vmem>>[vector<16xi32>], vector<16xf32>,
        %gather3A_493 = tpu.vector_load_idx %arg15[%get3A_491] : memref<100000xf32, #tpu.memory_space<vmem>>[vector<16xi32>], vector<16xf32>,
        %ne3A_494 = arith.constant 0 : i32
        %ne3A_495 = vector.broadcast %ne3A_494 : i32 to vector<16xi32>
        %ne3A_496 = arith.cmpi ne, %get3A_485, %ne3A_495 : vector<16xi32>
        %jit3A_497 = arith.constant 0.000000e+00 : f32
        %broadcast_in_dim3A_498 = vector.broadcast %jit3A_497 : f32 to vector<16xf32>
        %select_n3A_499 = arith.select %ne3A_496, %gather3A_492, %broadcast_in_dim3A_498 : vector<16xi1>, vector<16xf32>
        %add3A_500 = arith.addf %add3A_472, %select_n3A_499 : vector<16xf32>
        %ne3A_501 = arith.constant 0 : i32
        %ne3A_502 = vector.broadcast %ne3A_501 : i32 to vector<16xi32>
        %ne3A_503 = arith.cmpi ne, %get3A_491, %ne3A_502 : vector<16xi32>
        %jit3A_504 = arith.constant 0.000000e+00 : f32
        %broadcast_in_dim3A_505 = vector.broadcast %jit3A_504 : f32 to vector<16xf32>
        %select_n3A_506 = arith.select %ne3A_503, %gather3A_493, %broadcast_in_dim3A_505 : vector<16xi1>, vector<16xf32>
        %add3A_507 = arith.addf %add3A_479, %select_n3A_506 : vector<16xf32>
        %add3A_508 = arith.constant 0 : i32
        %add3A_509 = arith.addi %mul3A_446, %add3A_508 : i32
        %get3A_510 = arith.constant 2 : i32
        %get3A_511 = arith.index_cast %get3A_510 : i32 to index
        %get3A_512 = arith.index_cast %add3A_509 : i32 to index
        %get3A_513 = tpu.vector_load %arg16[%get3A_511, %get3A_512] {strides = array<i32>} : memref<8x1024xi32, #tpu.memory_space<vmem>>, vector<16xi32>,
        %add3A_514 = arith.constant 16 : i32
        %add3A_515 = arith.addi %mul3A_446, %add3A_514 : i32
        %get3A_516 = arith.constant 2 : i32
        %get3A_517 = arith.index_cast %get3A_516 : i32 to index
        %get3A_518 = arith.index_cast %add3A_515 : i32 to index
        %get3A_519 = tpu.vector_load %arg16[%get3A_517, %get3A_518] {strides = array<i32>} : memref<8x1024xi32, #tpu.memory_space<vmem>>, vector<16xi32>,
        %gather3A_520 = tpu.vector_load_idx %arg15[%get3A_513] : memref<100000xf32, #tpu.memory_space<vmem>>[vector<16xi32>], vector<16xf32>,
        %gather3A_521 = tpu.vector_load_idx %arg15[%get3A_519] : memref<100000xf32, #tpu.memory_space<vmem>>[vector<16xi32>], vector<16xf32>,
        %ne3A_522 = arith.constant 0 : i32
        %ne3A_523 = vector.broadcast %ne3A_522 : i32 to vector<16xi32>
        %ne3A_524 = arith.cmpi ne, %get3A_513, %ne3A_523 : vector<16xi32>
        %jit3A_525 = arith.constant 0.000000e+00 : f32
        %broadcast_in_dim3A_526 = vector.broadcast %jit3A_525 : f32 to vector<16xf32>
        %select_n3A_527 = arith.select %ne3A_524, %gather3A_520, %broadcast_in_dim3A_526 : vector<16xi1>, vector<16xf32>
        %add3A_528 = arith.addf %add3A_500, %select_n3A_527 : vector<16xf32>
        %ne3A_529 = arith.constant 0 : i32
        %ne3A_530 = vector.broadcast %ne3A_529 : i32 to vector<16xi32>
        %ne3A_531 = arith.cmpi ne, %get3A_519, %ne3A_530 : vector<16xi32>
        %jit3A_532 = arith.constant 0.000000e+00 : f32
        %broadcast_in_dim3A_533 = vector.broadcast %jit3A_532 : f32 to vector<16xf32>
        %select_n3A_534 = arith.select %ne3A_531, %gather3A_521, %broadcast_in_dim3A_533 : vector<16xi1>, vector<16xf32>
        %add3A_535 = arith.addf %add3A_507, %select_n3A_534 : vector<16xf32>
        %add3A_536 = arith.constant 0 : i32
        %add3A_537 = arith.addi %mul3A_446, %add3A_536 : i32
        %get3A_538 = arith.constant 3 : i32
        %get3A_539 = arith.index_cast %get3A_538 : i32 to index
        %get3A_540 = arith.index_cast %add3A_537 : i32 to index
        %get3A_541 = tpu.vector_load %arg16[%get3A_539, %get3A_540] {strides = array<i32>} : memref<8x1024xi32, #tpu.memory_space<vmem>>, vector<16xi32>,
        %add3A_542 = arith.constant 16 : i32
        %add3A_543 = arith.addi %mul3A_446, %add3A_542 : i32
        %get3A_544 = arith.constant 3 : i32
        %get3A_545 = arith.index_cast %get3A_544 : i32 to index
        %get3A_546 = arith.index_cast %add3A_543 : i32 to index
        %get3A_547 = tpu.vector_load %arg16[%get3A_545, %get3A_546] {strides = array<i32>} : memref<8x1024xi32, #tpu.memory_space<vmem>>, vector<16xi32>,
        %gather3A_548 = tpu.vector_load_idx %arg15[%get3A_541] : memref<100000xf32, #tpu.memory_space<vmem>>[vector<16xi32>], vector<16xf32>,
        %gather3A_549 = tpu.vector_load_idx %arg15[%get3A_547] : memref<100000xf32, #tpu.memory_space<vmem>>[vector<16xi32>], vector<16xf32>,
        %ne3A_550 = arith.constant 0 : i32
        %ne3A_551 = vector.broadcast %ne3A_550 : i32 to vector<16xi32>
        %ne3A_552 = arith.cmpi ne, %get3A_541, %ne3A_551 : vector<16xi32>
        %jit3A_553 = arith.constant 0.000000e+00 : f32
        %broadcast_in_dim3A_554 = vector.broadcast %jit3A_553 : f32 to vector<16xf32>
        %select_n3A_555 = arith.select %ne3A_552, %gather3A_548, %broadcast_in_dim3A_554 : vector<16xi1>, vector<16xf32>
        %add3A_556 = arith.addf %add3A_528, %select_n3A_555 : vector<16xf32>
        %ne3A_557 = arith.constant 0 : i32
        %ne3A_558 = vector.broadcast %ne3A_557 : i32 to vector<16xi32>
        %ne3A_559 = arith.cmpi ne, %get3A_547, %ne3A_558 : vector<16xi32>
        %jit3A_560 = arith.constant 0.000000e+00 : f32
        %broadcast_in_dim3A_561 = vector.broadcast %jit3A_560 : f32 to vector<16xf32>
        %select_n3A_562 = arith.select %ne3A_559, %gather3A_549, %broadcast_in_dim3A_561 : vector<16xi1>, vector<16xf32>
        %add3A_563 = arith.addf %add3A_535, %select_n3A_562 : vector<16xf32>
        %add3A_564 = arith.constant 0 : i32
        %add3A_565 = arith.addi %mul3A_446, %add3A_564 : i32
        %get3A_566 = arith.constant 4 : i32
        %get3A_567 = arith.index_cast %get3A_566 : i32 to index
        %get3A_568 = arith.index_cast %add3A_565 : i32 to index
        %get3A_569 = tpu.vector_load %arg16[%get3A_567, %get3A_568] {strides = array<i32>} : memref<8x1024xi32, #tpu.memory_space<vmem>>, vector<16xi32>,
        %add3A_570 = arith.constant 16 : i32
        %add3A_571 = arith.addi %mul3A_446, %add3A_570 : i32
        %get3A_572 = arith.constant 4 : i32
        %get3A_573 = arith.index_cast %get3A_572 : i32 to index
        %get3A_574 = arith.index_cast %add3A_571 : i32 to index
        %get3A_575 = tpu.vector_load %arg16[%get3A_573, %get3A_574] {strides = array<i32>} : memref<8x1024xi32, #tpu.memory_space<vmem>>, vector<16xi32>,
        %gather3A_576 = tpu.vector_load_idx %arg15[%get3A_569] : memref<100000xf32, #tpu.memory_space<vmem>>[vector<16xi32>], vector<16xf32>,
        %gather3A_577 = tpu.vector_load_idx %arg15[%get3A_575] : memref<100000xf32, #tpu.memory_space<vmem>>[vector<16xi32>], vector<16xf32>,
        %ne3A_578 = arith.constant 0 : i32
        %ne3A_579 = vector.broadcast %ne3A_578 : i32 to vector<16xi32>
        %ne3A_580 = arith.cmpi ne, %get3A_569, %ne3A_579 : vector<16xi32>
        %jit3A_581 = arith.constant 0.000000e+00 : f32
        %broadcast_in_dim3A_582 = vector.broadcast %jit3A_581 : f32 to vector<16xf32>
        %select_n3A_583 = arith.select %ne3A_580, %gather3A_576, %broadcast_in_dim3A_582 : vector<16xi1>, vector<16xf32>
        %add3A_584 = arith.addf %add3A_556, %select_n3A_583 : vector<16xf32>
        %ne3A_585 = arith.constant 0 : i32
        %ne3A_586 = vector.broadcast %ne3A_585 : i32 to vector<16xi32>
        %ne3A_587 = arith.cmpi ne, %get3A_575, %ne3A_586 : vector<16xi32>
        %jit3A_588 = arith.constant 0.000000e+00 : f32
        %broadcast_in_dim3A_589 = vector.broadcast %jit3A_588 : f32 to vector<16xf32>
        %select_n3A_590 = arith.select %ne3A_587, %gather3A_577, %broadcast_in_dim3A_589 : vector<16xi1>, vector<16xf32>
        %add3A_591 = arith.addf %add3A_563, %select_n3A_590 : vector<16xf32>
        %add3A_592 = arith.constant 0 : i32
        %add3A_593 = arith.addi %mul3A_446, %add3A_592 : i32
        %get3A_594 = arith.constant 5 : i32
        %get3A_595 = arith.index_cast %get3A_594 : i32 to index
        %get3A_596 = arith.index_cast %add3A_593 : i32 to index
        %get3A_597 = tpu.vector_load %arg16[%get3A_595, %get3A_596] {strides = array<i32>} : memref<8x1024xi32, #tpu.memory_space<vmem>>, vector<16xi32>,
        %add3A_598 = arith.constant 16 : i32
        %add3A_599 = arith.addi %mul3A_446, %add3A_598 : i32
        %get3A_600 = arith.constant 5 : i32
        %get3A_601 = arith.index_cast %get3A_600 : i32 to index
        %get3A_602 = arith.index_cast %add3A_599 : i32 to index
        %get3A_603 = tpu.vector_load %arg16[%get3A_601, %get3A_602] {strides = array<i32>} : memref<8x1024xi32, #tpu.memory_space<vmem>>, vector<16xi32>,
        %gather3A_604 = tpu.vector_load_idx %arg15[%get3A_597] : memref<100000xf32, #tpu.memory_space<vmem>>[vector<16xi32>], vector<16xf32>,
        %gather3A_605 = tpu.vector_load_idx %arg15[%get3A_603] : memref<100000xf32, #tpu.memory_space<vmem>>[vector<16xi32>], vector<16xf32>,
        %ne3A_606 = arith.constant 0 : i32
        %ne3A_607 = vector.broadcast %ne3A_606 : i32 to vector<16xi32>
        %ne3A_608 = arith.cmpi ne, %get3A_597, %ne3A_607 : vector<16xi32>
        %jit3A_609 = arith.constant 0.000000e+00 : f32
        %broadcast_in_dim3A_610 = vector.broadcast %jit3A_609 : f32 to vector<16xf32>
        %select_n3A_611 = arith.select %ne3A_608, %gather3A_604, %broadcast_in_dim3A_610 : vector<16xi1>, vector<16xf32>
        %add3A_612 = arith.addf %add3A_584, %select_n3A_611 : vector<16xf32>
        %ne3A_613 = arith.constant 0 : i32
        %ne3A_614 = vector.broadcast %ne3A_613 : i32 to vector<16xi32>
        %ne3A_615 = arith.cmpi ne, %get3A_603, %ne3A_614 : vector<16xi32>
        %jit3A_616 = arith.constant 0.000000e+00 : f32
        %broadcast_in_dim3A_617 = vector.broadcast %jit3A_616 : f32 to vector<16xf32>
        %select_n3A_618 = arith.select %ne3A_615, %gather3A_605, %broadcast_in_dim3A_617 : vector<16xi1>, vector<16xf32>
        %add3A_619 = arith.addf %add3A_591, %select_n3A_618 : vector<16xf32>
        %add3A_620 = arith.constant 0 : i32
        %add3A_621 = arith.addi %mul3A_446, %add3A_620 : i32
        %get3A_622 = arith.constant 6 : i32
        %get3A_623 = arith.index_cast %get3A_622 : i32 to index
        %get3A_624 = arith.index_cast %add3A_621 : i32 to index
        %get3A_625 = tpu.vector_load %arg16[%get3A_623, %get3A_624] {strides = array<i32>} : memref<8x1024xi32, #tpu.memory_space<vmem>>, vector<16xi32>,
        %add3A_626 = arith.constant 16 : i32
        %add3A_627 = arith.addi %mul3A_446, %add3A_626 : i32
        %get3A_628 = arith.constant 6 : i32
        %get3A_629 = arith.index_cast %get3A_628 : i32 to index
        %get3A_630 = arith.index_cast %add3A_627 : i32 to index
        %get3A_631 = tpu.vector_load %arg16[%get3A_629, %get3A_630] {strides = array<i32>} : memref<8x1024xi32, #tpu.memory_space<vmem>>, vector<16xi32>,
        %gather3A_632 = tpu.vector_load_idx %arg15[%get3A_625] : memref<100000xf32, #tpu.memory_space<vmem>>[vector<16xi32>], vector<16xf32>,
        %gather3A_633 = tpu.vector_load_idx %arg15[%get3A_631] : memref<100000xf32, #tpu.memory_space<vmem>>[vector<16xi32>], vector<16xf32>,
        %ne3A_634 = arith.constant 0 : i32
        %ne3A_635 = vector.broadcast %ne3A_634 : i32 to vector<16xi32>
        %ne3A_636 = arith.cmpi ne, %get3A_625, %ne3A_635 : vector<16xi32>
        %jit3A_637 = arith.constant 0.000000e+00 : f32
        %broadcast_in_dim3A_638 = vector.broadcast %jit3A_637 : f32 to vector<16xf32>
        %select_n3A_639 = arith.select %ne3A_636, %gather3A_632, %broadcast_in_dim3A_638 : vector<16xi1>, vector<16xf32>
        %add3A_640 = arith.addf %add3A_612, %select_n3A_639 : vector<16xf32>
        %ne3A_641 = arith.constant 0 : i32
        %ne3A_642 = vector.broadcast %ne3A_641 : i32 to vector<16xi32>
        %ne3A_643 = arith.cmpi ne, %get3A_631, %ne3A_642 : vector<16xi32>
        %jit3A_644 = arith.constant 0.000000e+00 : f32
        %broadcast_in_dim3A_645 = vector.broadcast %jit3A_644 : f32 to vector<16xf32>
        %select_n3A_646 = arith.select %ne3A_643, %gather3A_633, %broadcast_in_dim3A_645 : vector<16xi1>, vector<16xf32>
        %add3A_647 = arith.addf %add3A_619, %select_n3A_646 : vector<16xf32>
        %add3A_648 = arith.constant 0 : i32
        %add3A_649 = arith.addi %mul3A_446, %add3A_648 : i32
        %get3A_650 = arith.constant 7 : i32
        %get3A_651 = arith.index_cast %get3A_650 : i32 to index
        %get3A_652 = arith.index_cast %add3A_649 : i32 to index
        %get3A_653 = tpu.vector_load %arg16[%get3A_651, %get3A_652] {strides = array<i32>} : memref<8x1024xi32, #tpu.memory_space<vmem>>, vector<16xi32>,
        %add3A_654 = arith.constant 16 : i32
        %add3A_655 = arith.addi %mul3A_446, %add3A_654 : i32
        %get3A_656 = arith.constant 7 : i32
        %get3A_657 = arith.index_cast %get3A_656 : i32 to index
        %get3A_658 = arith.index_cast %add3A_655 : i32 to index
        %get3A_659 = tpu.vector_load %arg16[%get3A_657, %get3A_658] {strides = array<i32>} : memref<8x1024xi32, #tpu.memory_space<vmem>>, vector<16xi32>,
        %gather3A_660 = tpu.vector_load_idx %arg15[%get3A_653] : memref<100000xf32, #tpu.memory_space<vmem>>[vector<16xi32>], vector<16xf32>,
        %gather3A_661 = tpu.vector_load_idx %arg15[%get3A_659] : memref<100000xf32, #tpu.memory_space<vmem>>[vector<16xi32>], vector<16xf32>,
        %ne3A_662 = arith.constant 0 : i32
        %ne3A_663 = vector.broadcast %ne3A_662 : i32 to vector<16xi32>
        %ne3A_664 = arith.cmpi ne, %get3A_653, %ne3A_663 : vector<16xi32>
        %jit3A_665 = arith.constant 0.000000e+00 : f32
        %broadcast_in_dim3A_666 = vector.broadcast %jit3A_665 : f32 to vector<16xf32>
        %select_n3A_667 = arith.select %ne3A_664, %gather3A_660, %broadcast_in_dim3A_666 : vector<16xi1>, vector<16xf32>
        %add3A_668 = arith.addf %add3A_640, %select_n3A_667 : vector<16xf32>
        %ne3A_669 = arith.constant 0 : i32
        %ne3A_670 = vector.broadcast %ne3A_669 : i32 to vector<16xi32>
        %ne3A_671 = arith.cmpi ne, %get3A_659, %ne3A_670 : vector<16xi32>
        %jit3A_672 = arith.constant 0.000000e+00 : f32
        %broadcast_in_dim3A_673 = vector.broadcast %jit3A_672 : f32 to vector<16xf32>
        %select_n3A_674 = arith.select %ne3A_671, %gather3A_661, %broadcast_in_dim3A_673 : vector<16xi1>, vector<16xf32>
        %add3A_675 = arith.addf %add3A_647, %select_n3A_674 : vector<16xf32>
        %add3A_676 = arith.constant 0 : i32
        %add3A_677 = arith.addi %mul3A_446, %add3A_676 : i32
        %swap3A = arith.index_cast %add3A_677 : i32 to index
        %swap3A_678 = tpu.vector_load %arg18[%swap3A] {strides = array<i32>} : memref<1024xf32, #tpu.memory_space<vmem>>, vector<16xf32>,
        tpu.vector_store %arg18[%swap3A], %add3A_668 {strides = array<i32>} : memref<1024xf32, #tpu.memory_space<vmem>>, vector<16xf32>,
        %add3A_679 = arith.constant 16 : i32
        %add3A_680 = arith.addi %mul3A_446, %add3A_679 : i32
        %swap3A_681 = arith.index_cast %add3A_680 : i32 to index
        %swap3A_682 = tpu.vector_load %arg18[%swap3A_681] {strides = array<i32>} : memref<1024xf32, #tpu.memory_space<vmem>>, vector<16xf32>,
        tpu.vector_store %arg18[%swap3A_681], %add3A_675 {strides = array<i32>} : memref<1024xf32, #tpu.memory_space<vmem>>, vector<16xf32>,
      }
      %scan3A_418 = arith.constant 32 : i32
      %add3A_419 = arith.constant 2 : i32
      %add3A_420 = arith.addi %mul3A_407, %add3A_419 : i32
      %lt3A_421 = arith.constant 25 : i32
      %lt3A_422 = arith.cmpi slt, %add3A_420, %lt3A_421 : i32
      %convert_element_type3A_423 = arith.extui %lt3A_422 : i1 to i32
      %cond3A_424 = arith.constant 0 : i32
      %cond3A_425 = arith.cmpi ne, %convert_element_type3A_423, %cond3A_424 : i32
      scf.if %cond3A_425 {
        %add3A_444 = arith.constant 2 : i32
        %add3A_445 = arith.addi %mul3A_407, %add3A_444 : i32
        %mul3A_446 = arith.constant 8 : i32
        %mul3A_447 = arith.muli %add3A_445, %mul3A_446 : i32
        %multiple_of3A_448 = tpu.assume_multiple %mul3A_447, 8 : i32
        %multiple_of3A_449 = tpu.assume_multiple %mul3A_5, 128 : i32
        %convert_element_type3A_450 = arith.extui %lt3A_1 : i1 to i32
        %cond3A_451 = arith.constant 0 : i32
        %cond3A_452 = arith.cmpi ne, %convert_element_type3A_450, %cond3A_451 : i32
        scf.if %cond3A_452 {
          %dma_start3A_456 = tpu.memref_slice %arg2[%multiple_of3A_448, %multiple_of3A_449] : memref<200x16384xi32, #tpu.memory_space<hbm>> -> memref<8x1024xi32, #tpu.memory_space<hbm>>
          %dma_start3A_457 = tpu.memref_slice %arg2[%multiple_of3A_448, %multiple_of3A_449] : memref<200x16384xi32, #tpu.memory_space<hbm>> -> memref<8x1024xi32, #tpu.memory_space<hbm>>
          tpu.enqueue_dma source(%dma_start3A_457 : memref<8x1024xi32, #tpu.memory_space<hbm>>) target(%arg16 : memref<8x1024xi32, #tpu.memory_space<vmem>>) target_semaphore(%arg25 : memref<!tpu.dma_semaphore, #tpu.memory_space<semaphore_mem>>)
        } else {
        }
        %convert_element_type3A_453 = arith.extui %not3A_2 : i1 to i32
        %cond3A_454 = arith.constant 0 : i32
        %cond3A_455 = arith.cmpi ne, %convert_element_type3A_453, %cond3A_454 : i32
        scf.if %cond3A_455 {
          %dma_start3A_456 = tpu.memref_slice %arg3[%multiple_of3A_448, %multiple_of3A_449] : memref<200x16384xi32, #tpu.memory_space<hbm>> -> memref<8x1024xi32, #tpu.memory_space<hbm>>
          %dma_start3A_457 = tpu.memref_slice %arg3[%multiple_of3A_448, %multiple_of3A_449] : memref<200x16384xi32, #tpu.memory_space<hbm>> -> memref<8x1024xi32, #tpu.memory_space<hbm>>
          tpu.enqueue_dma source(%dma_start3A_457 : memref<8x1024xi32, #tpu.memory_space<hbm>>) target(%arg16 : memref<8x1024xi32, #tpu.memory_space<vmem>>) target_semaphore(%arg25 : memref<!tpu.dma_semaphore, #tpu.memory_space<semaphore_mem>>)
        } else {
        }
      } else {
      }
      %multiple_of3A_426 = tpu.assume_multiple %mul3A_5, 128 : i32
      %dma_wait3A_427 = arith.constant 0 : i32
      %dma_wait3A_428 = tpu.memref_slice %arg2[%dma_wait3A_427, %multiple_of3A_426] : memref<200x16384xi32, #tpu.memory_space<hbm>> -> memref<8x1024xi32, #tpu.memory_space<hbm>>
      %dma_wait3A_429 = arith.constant 0 : i32
      %dma_wait3A_430 = tpu.memref_slice %arg2[%dma_wait3A_429, %multiple_of3A_426] : memref<200x16384xi32, #tpu.memory_space<hbm>> -> memref<8x1024xi32, #tpu.memory_space<hbm>>
      tpu.wait_dma2 semaphore(%arg26 : memref<!tpu.dma_semaphore, #tpu.memory_space<semaphore_mem>>) src(%dma_wait3A_430 : memref<8x1024xi32, #tpu.memory_space<hbm>>) dst(%arg17 : memref<8x1024xi32, #tpu.memory_space<vmem>>)
      %scan3A_431 = arith.constant 0 : i32
      %scan3A_432 = arith.constant 0 : i32
      %scan3A_433 = arith.constant 32 : i32
      %scan3A_434 = arith.addi %scan3A_432, %scan3A_433 : i32
      %scan3A_435 = arith.constant 1 : i32
      scf.for %scan3A_444 = %scan3A_432 to %scan3A_434 step %scan3A_435  : i32 {
        %mul3A_445 = arith.constant 32 : i32
        %mul3A_446 = arith.muli %scan3A_444, %mul3A_445 : i32
        %add3A_447 = arith.constant 0 : i32
        %add3A_448 = arith.addi %mul3A_446, %add3A_447 : i32
        %get3A = arith.index_cast %add3A_448 : i32 to index
        %get3A_449 = tpu.vector_load %arg18[%get3A] {strides = array<i32>} : memref<1024xf32, #tpu.memory_space<vmem>>, vector<16xf32>,
        %add3A_450 = arith.constant 16 : i32
        %add3A_451 = arith.addi %mul3A_446, %add3A_450 : i32
        %get3A_452 = arith.index_cast %add3A_451 : i32 to index
        %get3A_453 = tpu.vector_load %arg18[%get3A_452] {strides = array<i32>} : memref<1024xf32, #tpu.memory_space<vmem>>, vector<16xf32>,
        %add3A_454 = arith.constant 0 : i32
        %add3A_455 = arith.addi %mul3A_446, %add3A_454 : i32
        %get3A_456 = arith.constant 0 : i32
        %get3A_457 = arith.index_cast %get3A_456 : i32 to index
        %get3A_458 = arith.index_cast %add3A_455 : i32 to index
        %get3A_459 = tpu.vector_load %arg17[%get3A_457, %get3A_458] {strides = array<i32>} : memref<8x1024xi32, #tpu.memory_space<vmem>>, vector<16xi32>,
        %add3A_460 = arith.constant 16 : i32
        %add3A_461 = arith.addi %mul3A_446, %add3A_460 : i32
        %get3A_462 = arith.constant 0 : i32
        %get3A_463 = arith.index_cast %get3A_462 : i32 to index
        %get3A_464 = arith.index_cast %add3A_461 : i32 to index
        %get3A_465 = tpu.vector_load %arg17[%get3A_463, %get3A_464] {strides = array<i32>} : memref<8x1024xi32, #tpu.memory_space<vmem>>, vector<16xi32>,
        %gather3A = tpu.vector_load_idx %arg15[%get3A_459] : memref<100000xf32, #tpu.memory_space<vmem>>[vector<16xi32>], vector<16xf32>,
        %gather3A_466 = tpu.vector_load_idx %arg15[%get3A_465] : memref<100000xf32, #tpu.memory_space<vmem>>[vector<16xi32>], vector<16xf32>,
        %ne3A = arith.constant 0 : i32
        %ne3A_467 = vector.broadcast %ne3A : i32 to vector<16xi32>
        %ne3A_468 = arith.cmpi ne, %get3A_459, %ne3A_467 : vector<16xi32>
        %jit3A_469 = arith.constant 0.000000e+00 : f32
        %broadcast_in_dim3A_470 = vector.broadcast %jit3A_469 : f32 to vector<16xf32>
        %select_n3A_471 = arith.select %ne3A_468, %gather3A, %broadcast_in_dim3A_470 : vector<16xi1>, vector<16xf32>
        %add3A_472 = arith.addf %get3A_449, %select_n3A_471 : vector<16xf32>
        %ne3A_473 = arith.constant 0 : i32
        %ne3A_474 = vector.broadcast %ne3A_473 : i32 to vector<16xi32>
        %ne3A_475 = arith.cmpi ne, %get3A_465, %ne3A_474 : vector<16xi32>
        %jit3A_476 = arith.constant 0.000000e+00 : f32
        %broadcast_in_dim3A_477 = vector.broadcast %jit3A_476 : f32 to vector<16xf32>
        %select_n3A_478 = arith.select %ne3A_475, %gather3A_466, %broadcast_in_dim3A_477 : vector<16xi1>, vector<16xf32>
        %add3A_479 = arith.addf %get3A_453, %select_n3A_478 : vector<16xf32>
        %add3A_480 = arith.constant 0 : i32
        %add3A_481 = arith.addi %mul3A_446, %add3A_480 : i32
        %get3A_482 = arith.constant 1 : i32
        %get3A_483 = arith.index_cast %get3A_482 : i32 to index
        %get3A_484 = arith.index_cast %add3A_481 : i32 to index
        %get3A_485 = tpu.vector_load %arg17[%get3A_483, %get3A_484] {strides = array<i32>} : memref<8x1024xi32, #tpu.memory_space<vmem>>, vector<16xi32>,
        %add3A_486 = arith.constant 16 : i32
        %add3A_487 = arith.addi %mul3A_446, %add3A_486 : i32
        %get3A_488 = arith.constant 1 : i32
        %get3A_489 = arith.index_cast %get3A_488 : i32 to index
        %get3A_490 = arith.index_cast %add3A_487 : i32 to index
        %get3A_491 = tpu.vector_load %arg17[%get3A_489, %get3A_490] {strides = array<i32>} : memref<8x1024xi32, #tpu.memory_space<vmem>>, vector<16xi32>,
        %gather3A_492 = tpu.vector_load_idx %arg15[%get3A_485] : memref<100000xf32, #tpu.memory_space<vmem>>[vector<16xi32>], vector<16xf32>,
        %gather3A_493 = tpu.vector_load_idx %arg15[%get3A_491] : memref<100000xf32, #tpu.memory_space<vmem>>[vector<16xi32>], vector<16xf32>,
        %ne3A_494 = arith.constant 0 : i32
        %ne3A_495 = vector.broadcast %ne3A_494 : i32 to vector<16xi32>
        %ne3A_496 = arith.cmpi ne, %get3A_485, %ne3A_495 : vector<16xi32>
        %jit3A_497 = arith.constant 0.000000e+00 : f32
        %broadcast_in_dim3A_498 = vector.broadcast %jit3A_497 : f32 to vector<16xf32>
        %select_n3A_499 = arith.select %ne3A_496, %gather3A_492, %broadcast_in_dim3A_498 : vector<16xi1>, vector<16xf32>
        %add3A_500 = arith.addf %add3A_472, %select_n3A_499 : vector<16xf32>
        %ne3A_501 = arith.constant 0 : i32
        %ne3A_502 = vector.broadcast %ne3A_501 : i32 to vector<16xi32>
        %ne3A_503 = arith.cmpi ne, %get3A_491, %ne3A_502 : vector<16xi32>
        %jit3A_504 = arith.constant 0.000000e+00 : f32
        %broadcast_in_dim3A_505 = vector.broadcast %jit3A_504 : f32 to vector<16xf32>
        %select_n3A_506 = arith.select %ne3A_503, %gather3A_493, %broadcast_in_dim3A_505 : vector<16xi1>, vector<16xf32>
        %add3A_507 = arith.addf %add3A_479, %select_n3A_506 : vector<16xf32>
        %add3A_508 = arith.constant 0 : i32
        %add3A_509 = arith.addi %mul3A_446, %add3A_508 : i32
        %get3A_510 = arith.constant 2 : i32
        %get3A_511 = arith.index_cast %get3A_510 : i32 to index
        %get3A_512 = arith.index_cast %add3A_509 : i32 to index
        %get3A_513 = tpu.vector_load %arg17[%get3A_511, %get3A_512] {strides = array<i32>} : memref<8x1024xi32, #tpu.memory_space<vmem>>, vector<16xi32>,
        %add3A_514 = arith.constant 16 : i32
        %add3A_515 = arith.addi %mul3A_446, %add3A_514 : i32
        %get3A_516 = arith.constant 2 : i32
        %get3A_517 = arith.index_cast %get3A_516 : i32 to index
        %get3A_518 = arith.index_cast %add3A_515 : i32 to index
        %get3A_519 = tpu.vector_load %arg17[%get3A_517, %get3A_518] {strides = array<i32>} : memref<8x1024xi32, #tpu.memory_space<vmem>>, vector<16xi32>,
        %gather3A_520 = tpu.vector_load_idx %arg15[%get3A_513] : memref<100000xf32, #tpu.memory_space<vmem>>[vector<16xi32>], vector<16xf32>,
        %gather3A_521 = tpu.vector_load_idx %arg15[%get3A_519] : memref<100000xf32, #tpu.memory_space<vmem>>[vector<16xi32>], vector<16xf32>,
        %ne3A_522 = arith.constant 0 : i32
        %ne3A_523 = vector.broadcast %ne3A_522 : i32 to vector<16xi32>
        %ne3A_524 = arith.cmpi ne, %get3A_513, %ne3A_523 : vector<16xi32>
        %jit3A_525 = arith.constant 0.000000e+00 : f32
        %broadcast_in_dim3A_526 = vector.broadcast %jit3A_525 : f32 to vector<16xf32>
        %select_n3A_527 = arith.select %ne3A_524, %gather3A_520, %broadcast_in_dim3A_526 : vector<16xi1>, vector<16xf32>
        %add3A_528 = arith.addf %add3A_500, %select_n3A_527 : vector<16xf32>
        %ne3A_529 = arith.constant 0 : i32
        %ne3A_530 = vector.broadcast %ne3A_529 : i32 to vector<16xi32>
        %ne3A_531 = arith.cmpi ne, %get3A_519, %ne3A_530 : vector<16xi32>
        %jit3A_532 = arith.constant 0.000000e+00 : f32
        %broadcast_in_dim3A_533 = vector.broadcast %jit3A_532 : f32 to vector<16xf32>
        %select_n3A_534 = arith.select %ne3A_531, %gather3A_521, %broadcast_in_dim3A_533 : vector<16xi1>, vector<16xf32>
        %add3A_535 = arith.addf %add3A_507, %select_n3A_534 : vector<16xf32>
        %add3A_536 = arith.constant 0 : i32
        %add3A_537 = arith.addi %mul3A_446, %add3A_536 : i32
        %get3A_538 = arith.constant 3 : i32
        %get3A_539 = arith.index_cast %get3A_538 : i32 to index
        %get3A_540 = arith.index_cast %add3A_537 : i32 to index
        %get3A_541 = tpu.vector_load %arg17[%get3A_539, %get3A_540] {strides = array<i32>} : memref<8x1024xi32, #tpu.memory_space<vmem>>, vector<16xi32>,
        %add3A_542 = arith.constant 16 : i32
        %add3A_543 = arith.addi %mul3A_446, %add3A_542 : i32
        %get3A_544 = arith.constant 3 : i32
        %get3A_545 = arith.index_cast %get3A_544 : i32 to index
        %get3A_546 = arith.index_cast %add3A_543 : i32 to index
        %get3A_547 = tpu.vector_load %arg17[%get3A_545, %get3A_546] {strides = array<i32>} : memref<8x1024xi32, #tpu.memory_space<vmem>>, vector<16xi32>,
        %gather3A_548 = tpu.vector_load_idx %arg15[%get3A_541] : memref<100000xf32, #tpu.memory_space<vmem>>[vector<16xi32>], vector<16xf32>,
        %gather3A_549 = tpu.vector_load_idx %arg15[%get3A_547] : memref<100000xf32, #tpu.memory_space<vmem>>[vector<16xi32>], vector<16xf32>,
        %ne3A_550 = arith.constant 0 : i32
        %ne3A_551 = vector.broadcast %ne3A_550 : i32 to vector<16xi32>
        %ne3A_552 = arith.cmpi ne, %get3A_541, %ne3A_551 : vector<16xi32>
        %jit3A_553 = arith.constant 0.000000e+00 : f32
        %broadcast_in_dim3A_554 = vector.broadcast %jit3A_553 : f32 to vector<16xf32>
        %select_n3A_555 = arith.select %ne3A_552, %gather3A_548, %broadcast_in_dim3A_554 : vector<16xi1>, vector<16xf32>
        %add3A_556 = arith.addf %add3A_528, %select_n3A_555 : vector<16xf32>
        %ne3A_557 = arith.constant 0 : i32
        %ne3A_558 = vector.broadcast %ne3A_557 : i32 to vector<16xi32>
        %ne3A_559 = arith.cmpi ne, %get3A_547, %ne3A_558 : vector<16xi32>
        %jit3A_560 = arith.constant 0.000000e+00 : f32
        %broadcast_in_dim3A_561 = vector.broadcast %jit3A_560 : f32 to vector<16xf32>
        %select_n3A_562 = arith.select %ne3A_559, %gather3A_549, %broadcast_in_dim3A_561 : vector<16xi1>, vector<16xf32>
        %add3A_563 = arith.addf %add3A_535, %select_n3A_562 : vector<16xf32>
        %add3A_564 = arith.constant 0 : i32
        %add3A_565 = arith.addi %mul3A_446, %add3A_564 : i32
        %get3A_566 = arith.constant 4 : i32
        %get3A_567 = arith.index_cast %get3A_566 : i32 to index
        %get3A_568 = arith.index_cast %add3A_565 : i32 to index
        %get3A_569 = tpu.vector_load %arg17[%get3A_567, %get3A_568] {strides = array<i32>} : memref<8x1024xi32, #tpu.memory_space<vmem>>, vector<16xi32>,
        %add3A_570 = arith.constant 16 : i32
        %add3A_571 = arith.addi %mul3A_446, %add3A_570 : i32
        %get3A_572 = arith.constant 4 : i32
        %get3A_573 = arith.index_cast %get3A_572 : i32 to index
        %get3A_574 = arith.index_cast %add3A_571 : i32 to index
        %get3A_575 = tpu.vector_load %arg17[%get3A_573, %get3A_574] {strides = array<i32>} : memref<8x1024xi32, #tpu.memory_space<vmem>>, vector<16xi32>,
        %gather3A_576 = tpu.vector_load_idx %arg15[%get3A_569] : memref<100000xf32, #tpu.memory_space<vmem>>[vector<16xi32>], vector<16xf32>,
        %gather3A_577 = tpu.vector_load_idx %arg15[%get3A_575] : memref<100000xf32, #tpu.memory_space<vmem>>[vector<16xi32>], vector<16xf32>,
        %ne3A_578 = arith.constant 0 : i32
        %ne3A_579 = vector.broadcast %ne3A_578 : i32 to vector<16xi32>
        %ne3A_580 = arith.cmpi ne, %get3A_569, %ne3A_579 : vector<16xi32>
        %jit3A_581 = arith.constant 0.000000e+00 : f32
        %broadcast_in_dim3A_582 = vector.broadcast %jit3A_581 : f32 to vector<16xf32>
        %select_n3A_583 = arith.select %ne3A_580, %gather3A_576, %broadcast_in_dim3A_582 : vector<16xi1>, vector<16xf32>
        %add3A_584 = arith.addf %add3A_556, %select_n3A_583 : vector<16xf32>
        %ne3A_585 = arith.constant 0 : i32
        %ne3A_586 = vector.broadcast %ne3A_585 : i32 to vector<16xi32>
        %ne3A_587 = arith.cmpi ne, %get3A_575, %ne3A_586 : vector<16xi32>
        %jit3A_588 = arith.constant 0.000000e+00 : f32
        %broadcast_in_dim3A_589 = vector.broadcast %jit3A_588 : f32 to vector<16xf32>
        %select_n3A_590 = arith.select %ne3A_587, %gather3A_577, %broadcast_in_dim3A_589 : vector<16xi1>, vector<16xf32>
        %add3A_591 = arith.addf %add3A_563, %select_n3A_590 : vector<16xf32>
        %add3A_592 = arith.constant 0 : i32
        %add3A_593 = arith.addi %mul3A_446, %add3A_592 : i32
        %get3A_594 = arith.constant 5 : i32
        %get3A_595 = arith.index_cast %get3A_594 : i32 to index
        %get3A_596 = arith.index_cast %add3A_593 : i32 to index
        %get3A_597 = tpu.vector_load %arg17[%get3A_595, %get3A_596] {strides = array<i32>} : memref<8x1024xi32, #tpu.memory_space<vmem>>, vector<16xi32>,
        %add3A_598 = arith.constant 16 : i32
        %add3A_599 = arith.addi %mul3A_446, %add3A_598 : i32
        %get3A_600 = arith.constant 5 : i32
        %get3A_601 = arith.index_cast %get3A_600 : i32 to index
        %get3A_602 = arith.index_cast %add3A_599 : i32 to index
        %get3A_603 = tpu.vector_load %arg17[%get3A_601, %get3A_602] {strides = array<i32>} : memref<8x1024xi32, #tpu.memory_space<vmem>>, vector<16xi32>,
        %gather3A_604 = tpu.vector_load_idx %arg15[%get3A_597] : memref<100000xf32, #tpu.memory_space<vmem>>[vector<16xi32>], vector<16xf32>,
        %gather3A_605 = tpu.vector_load_idx %arg15[%get3A_603] : memref<100000xf32, #tpu.memory_space<vmem>>[vector<16xi32>], vector<16xf32>,
        %ne3A_606 = arith.constant 0 : i32
        %ne3A_607 = vector.broadcast %ne3A_606 : i32 to vector<16xi32>
        %ne3A_608 = arith.cmpi ne, %get3A_597, %ne3A_607 : vector<16xi32>
        %jit3A_609 = arith.constant 0.000000e+00 : f32
        %broadcast_in_dim3A_610 = vector.broadcast %jit3A_609 : f32 to vector<16xf32>
        %select_n3A_611 = arith.select %ne3A_608, %gather3A_604, %broadcast_in_dim3A_610 : vector<16xi1>, vector<16xf32>
        %add3A_612 = arith.addf %add3A_584, %select_n3A_611 : vector<16xf32>
        %ne3A_613 = arith.constant 0 : i32
        %ne3A_614 = vector.broadcast %ne3A_613 : i32 to vector<16xi32>
        %ne3A_615 = arith.cmpi ne, %get3A_603, %ne3A_614 : vector<16xi32>
        %jit3A_616 = arith.constant 0.000000e+00 : f32
        %broadcast_in_dim3A_617 = vector.broadcast %jit3A_616 : f32 to vector<16xf32>
        %select_n3A_618 = arith.select %ne3A_615, %gather3A_605, %broadcast_in_dim3A_617 : vector<16xi1>, vector<16xf32>
        %add3A_619 = arith.addf %add3A_591, %select_n3A_618 : vector<16xf32>
        %add3A_620 = arith.constant 0 : i32
        %add3A_621 = arith.addi %mul3A_446, %add3A_620 : i32
        %get3A_622 = arith.constant 6 : i32
        %get3A_623 = arith.index_cast %get3A_622 : i32 to index
        %get3A_624 = arith.index_cast %add3A_621 : i32 to index
        %get3A_625 = tpu.vector_load %arg17[%get3A_623, %get3A_624] {strides = array<i32>} : memref<8x1024xi32, #tpu.memory_space<vmem>>, vector<16xi32>,
        %add3A_626 = arith.constant 16 : i32
        %add3A_627 = arith.addi %mul3A_446, %add3A_626 : i32
        %get3A_628 = arith.constant 6 : i32
        %get3A_629 = arith.index_cast %get3A_628 : i32 to index
        %get3A_630 = arith.index_cast %add3A_627 : i32 to index
        %get3A_631 = tpu.vector_load %arg17[%get3A_629, %get3A_630] {strides = array<i32>} : memref<8x1024xi32, #tpu.memory_space<vmem>>, vector<16xi32>,
        %gather3A_632 = tpu.vector_load_idx %arg15[%get3A_625] : memref<100000xf32, #tpu.memory_space<vmem>>[vector<16xi32>], vector<16xf32>,
        %gather3A_633 = tpu.vector_load_idx %arg15[%get3A_631] : memref<100000xf32, #tpu.memory_space<vmem>>[vector<16xi32>], vector<16xf32>,
        %ne3A_634 = arith.constant 0 : i32
        %ne3A_635 = vector.broadcast %ne3A_634 : i32 to vector<16xi32>
        %ne3A_636 = arith.cmpi ne, %get3A_625, %ne3A_635 : vector<16xi32>
        %jit3A_637 = arith.constant 0.000000e+00 : f32
        %broadcast_in_dim3A_638 = vector.broadcast %jit3A_637 : f32 to vector<16xf32>
        %select_n3A_639 = arith.select %ne3A_636, %gather3A_632, %broadcast_in_dim3A_638 : vector<16xi1>, vector<16xf32>
        %add3A_640 = arith.addf %add3A_612, %select_n3A_639 : vector<16xf32>
        %ne3A_641 = arith.constant 0 : i32
        %ne3A_642 = vector.broadcast %ne3A_641 : i32 to vector<16xi32>
        %ne3A_643 = arith.cmpi ne, %get3A_631, %ne3A_642 : vector<16xi32>
        %jit3A_644 = arith.constant 0.000000e+00 : f32
        %broadcast_in_dim3A_645 = vector.broadcast %jit3A_644 : f32 to vector<16xf32>
        %select_n3A_646 = arith.select %ne3A_643, %gather3A_633, %broadcast_in_dim3A_645 : vector<16xi1>, vector<16xf32>
        %add3A_647 = arith.addf %add3A_619, %select_n3A_646 : vector<16xf32>
        %add3A_648 = arith.constant 0 : i32
        %add3A_649 = arith.addi %mul3A_446, %add3A_648 : i32
        %get3A_650 = arith.constant 7 : i32
        %get3A_651 = arith.index_cast %get3A_650 : i32 to index
        %get3A_652 = arith.index_cast %add3A_649 : i32 to index
        %get3A_653 = tpu.vector_load %arg17[%get3A_651, %get3A_652] {strides = array<i32>} : memref<8x1024xi32, #tpu.memory_space<vmem>>, vector<16xi32>,
        %add3A_654 = arith.constant 16 : i32
        %add3A_655 = arith.addi %mul3A_446, %add3A_654 : i32
        %get3A_656 = arith.constant 7 : i32
        %get3A_657 = arith.index_cast %get3A_656 : i32 to index
        %get3A_658 = arith.index_cast %add3A_655 : i32 to index
        %get3A_659 = tpu.vector_load %arg17[%get3A_657, %get3A_658] {strides = array<i32>} : memref<8x1024xi32, #tpu.memory_space<vmem>>, vector<16xi32>,
        %gather3A_660 = tpu.vector_load_idx %arg15[%get3A_653] : memref<100000xf32, #tpu.memory_space<vmem>>[vector<16xi32>], vector<16xf32>,
        %gather3A_661 = tpu.vector_load_idx %arg15[%get3A_659] : memref<100000xf32, #tpu.memory_space<vmem>>[vector<16xi32>], vector<16xf32>,
        %ne3A_662 = arith.constant 0 : i32
        %ne3A_663 = vector.broadcast %ne3A_662 : i32 to vector<16xi32>
        %ne3A_664 = arith.cmpi ne, %get3A_653, %ne3A_663 : vector<16xi32>
        %jit3A_665 = arith.constant 0.000000e+00 : f32
        %broadcast_in_dim3A_666 = vector.broadcast %jit3A_665 : f32 to vector<16xf32>
        %select_n3A_667 = arith.select %ne3A_664, %gather3A_660, %broadcast_in_dim3A_666 : vector<16xi1>, vector<16xf32>
        %add3A_668 = arith.addf %add3A_640, %select_n3A_667 : vector<16xf32>
        %ne3A_669 = arith.constant 0 : i32
        %ne3A_670 = vector.broadcast %ne3A_669 : i32 to vector<16xi32>
        %ne3A_671 = arith.cmpi ne, %get3A_659, %ne3A_670 : vector<16xi32>
        %jit3A_672 = arith.constant 0.000000e+00 : f32
        %broadcast_in_dim3A_673 = vector.broadcast %jit3A_672 : f32 to vector<16xf32>
        %select_n3A_674 = arith.select %ne3A_671, %gather3A_661, %broadcast_in_dim3A_673 : vector<16xi1>, vector<16xf32>
        %add3A_675 = arith.addf %add3A_647, %select_n3A_674 : vector<16xf32>
        %add3A_676 = arith.constant 0 : i32
        %add3A_677 = arith.addi %mul3A_446, %add3A_676 : i32
        %swap3A = arith.index_cast %add3A_677 : i32 to index
        %swap3A_678 = tpu.vector_load %arg18[%swap3A] {strides = array<i32>} : memref<1024xf32, #tpu.memory_space<vmem>>, vector<16xf32>,
        tpu.vector_store %arg18[%swap3A], %add3A_668 {strides = array<i32>} : memref<1024xf32, #tpu.memory_space<vmem>>, vector<16xf32>,
        %add3A_679 = arith.constant 16 : i32
        %add3A_680 = arith.addi %mul3A_446, %add3A_679 : i32
        %swap3A_681 = arith.index_cast %add3A_680 : i32 to index
        %swap3A_682 = tpu.vector_load %arg18[%swap3A_681] {strides = array<i32>} : memref<1024xf32, #tpu.memory_space<vmem>>, vector<16xf32>,
        tpu.vector_store %arg18[%swap3A_681], %add3A_675 {strides = array<i32>} : memref<1024xf32, #tpu.memory_space<vmem>>, vector<16xf32>,
      }
      %scan3A_436 = arith.constant 32 : i32
      %add3A_437 = arith.constant 3 : i32
      %add3A_438 = arith.addi %mul3A_407, %add3A_437 : i32
      %lt3A_439 = arith.constant 25 : i32
      %lt3A_440 = arith.cmpi slt, %add3A_438, %lt3A_439 : i32
      %convert_element_type3A_441 = arith.extui %lt3A_440 : i1 to i32
      %cond3A_442 = arith.constant 0 : i32
      %cond3A_443 = arith.cmpi ne, %convert_element_type3A_441, %cond3A_442 : i32
      scf.if %cond3A_443 {
        %add3A_444 = arith.constant 3 : i32
        %add3A_445 = arith.addi %mul3A_407, %add3A_444 : i32
        %mul3A_446 = arith.constant 8 : i32
        %mul3A_447 = arith.muli %add3A_445, %mul3A_446 : i32
        %multiple_of3A_448 = tpu.assume_multiple %mul3A_447, 8 : i32
        %multiple_of3A_449 = tpu.assume_multiple %mul3A_5, 128 : i32
        %convert_element_type3A_450 = arith.extui %lt3A_1 : i1 to i32
        %cond3A_451 = arith.constant 0 : i32
        %cond3A_452 = arith.cmpi ne, %convert_element_type3A_450, %cond3A_451 : i32
        scf.if %cond3A_452 {
          %dma_start3A_456 = tpu.memref_slice %arg2[%multiple_of3A_448, %multiple_of3A_449] : memref<200x16384xi32, #tpu.memory_space<hbm>> -> memref<8x1024xi32, #tpu.memory_space<hbm>>
          %dma_start3A_457 = tpu.memref_slice %arg2[%multiple_of3A_448, %multiple_of3A_449] : memref<200x16384xi32, #tpu.memory_space<hbm>> -> memref<8x1024xi32, #tpu.memory_space<hbm>>
          tpu.enqueue_dma source(%dma_start3A_457 : memref<8x1024xi32, #tpu.memory_space<hbm>>) target(%arg17 : memref<8x1024xi32, #tpu.memory_space<vmem>>) target_semaphore(%arg26 : memref<!tpu.dma_semaphore, #tpu.memory_space<semaphore_mem>>)
        } else {
        }
        %convert_element_type3A_453 = arith.extui %not3A_2 : i1 to i32
        %cond3A_454 = arith.constant 0 : i32
        %cond3A_455 = arith.cmpi ne, %convert_element_type3A_453, %cond3A_454 : i32
        scf.if %cond3A_455 {
          %dma_start3A_456 = tpu.memref_slice %arg3[%multiple_of3A_448, %multiple_of3A_449] : memref<200x16384xi32, #tpu.memory_space<hbm>> -> memref<8x1024xi32, #tpu.memory_space<hbm>>
          %dma_start3A_457 = tpu.memref_slice %arg3[%multiple_of3A_448, %multiple_of3A_449] : memref<200x16384xi32, #tpu.memory_space<hbm>> -> memref<8x1024xi32, #tpu.memory_space<hbm>>
          tpu.enqueue_dma source(%dma_start3A_457 : memref<8x1024xi32, #tpu.memory_space<hbm>>) target(%arg17 : memref<8x1024xi32, #tpu.memory_space<vmem>>) target_semaphore(%arg26 : memref<!tpu.dma_semaphore, #tpu.memory_space<semaphore_mem>>)
        } else {
        }
      } else {
      }
    }
    %scan3A_382 = arith.constant 12 : i32
    %multiple_of3A = tpu.assume_multiple %mul3A_5, 128 : i32
    %dma_wait3A_383 = arith.constant 0 : i32
    %dma_wait3A_384 = tpu.memref_slice %arg2[%dma_wait3A_383, %multiple_of3A] : memref<200x16384xi32, #tpu.memory_space<hbm>> -> memref<8x1024xi32, #tpu.memory_space<hbm>>
    %dma_wait3A_385 = arith.constant 0 : i32
    %dma_wait3A_386 = tpu.memref_slice %arg2[%dma_wait3A_385, %multiple_of3A] : memref<200x16384xi32, #tpu.memory_space<hbm>> -> memref<8x1024xi32, #tpu.memory_space<hbm>>
    tpu.wait_dma2 semaphore(%arg25 : memref<!tpu.dma_semaphore, #tpu.memory_space<semaphore_mem>>) src(%dma_wait3A_386 : memref<8x1024xi32, #tpu.memory_space<hbm>>) dst(%arg16 : memref<8x1024xi32, #tpu.memory_space<vmem>>)
    %scan3A_387 = arith.constant 0 : i32
    %scan3A_388 = arith.constant 0 : i32
    %scan3A_389 = arith.constant 32 : i32
    %scan3A_390 = arith.addi %scan3A_388, %scan3A_389 : i32
    %scan3A_391 = arith.constant 1 : i32
    scf.for %scan3A_405 = %scan3A_388 to %scan3A_390 step %scan3A_391  : i32 {
      %mul3A_406 = arith.constant 32 : i32
      %mul3A_407 = arith.muli %scan3A_405, %mul3A_406 : i32
      %add3A_408 = arith.constant 0 : i32
      %add3A_409 = arith.addi %mul3A_407, %add3A_408 : i32
      %get3A = arith.index_cast %add3A_409 : i32 to index
      %get3A_410 = tpu.vector_load %arg18[%get3A] {strides = array<i32>} : memref<1024xf32, #tpu.memory_space<vmem>>, vector<16xf32>,
      %add3A_411 = arith.constant 16 : i32
      %add3A_412 = arith.addi %mul3A_407, %add3A_411 : i32
      %get3A_413 = arith.index_cast %add3A_412 : i32 to index
      %get3A_414 = tpu.vector_load %arg18[%get3A_413] {strides = array<i32>} : memref<1024xf32, #tpu.memory_space<vmem>>, vector<16xf32>,
      %add3A_415 = arith.constant 0 : i32
      %add3A_416 = arith.addi %mul3A_407, %add3A_415 : i32
      %get3A_417 = arith.constant 0 : i32
      %get3A_418 = arith.index_cast %get3A_417 : i32 to index
      %get3A_419 = arith.index_cast %add3A_416 : i32 to index
      %get3A_420 = tpu.vector_load %arg16[%get3A_418, %get3A_419] {strides = array<i32>} : memref<8x1024xi32, #tpu.memory_space<vmem>>, vector<16xi32>,
      %add3A_421 = arith.constant 16 : i32
      %add3A_422 = arith.addi %mul3A_407, %add3A_421 : i32
      %get3A_423 = arith.constant 0 : i32
      %get3A_424 = arith.index_cast %get3A_423 : i32 to index
      %get3A_425 = arith.index_cast %add3A_422 : i32 to index
      %get3A_426 = tpu.vector_load %arg16[%get3A_424, %get3A_425] {strides = array<i32>} : memref<8x1024xi32, #tpu.memory_space<vmem>>, vector<16xi32>,
      %gather3A = tpu.vector_load_idx %arg15[%get3A_420] : memref<100000xf32, #tpu.memory_space<vmem>>[vector<16xi32>], vector<16xf32>,
      %gather3A_427 = tpu.vector_load_idx %arg15[%get3A_426] : memref<100000xf32, #tpu.memory_space<vmem>>[vector<16xi32>], vector<16xf32>,
      %ne3A = arith.constant 0 : i32
      %ne3A_428 = vector.broadcast %ne3A : i32 to vector<16xi32>
      %ne3A_429 = arith.cmpi ne, %get3A_420, %ne3A_428 : vector<16xi32>
      %jit3A_430 = arith.constant 0.000000e+00 : f32
      %broadcast_in_dim3A_431 = vector.broadcast %jit3A_430 : f32 to vector<16xf32>
      %select_n3A_432 = arith.select %ne3A_429, %gather3A, %broadcast_in_dim3A_431 : vector<16xi1>, vector<16xf32>
      %add3A_433 = arith.addf %get3A_410, %select_n3A_432 : vector<16xf32>
      %ne3A_434 = arith.constant 0 : i32
      %ne3A_435 = vector.broadcast %ne3A_434 : i32 to vector<16xi32>
      %ne3A_436 = arith.cmpi ne, %get3A_426, %ne3A_435 : vector<16xi32>
      %jit3A_437 = arith.constant 0.000000e+00 : f32
      %broadcast_in_dim3A_438 = vector.broadcast %jit3A_437 : f32 to vector<16xf32>
      %select_n3A_439 = arith.select %ne3A_436, %gather3A_427, %broadcast_in_dim3A_438 : vector<16xi1>, vector<16xf32>
      %add3A_440 = arith.addf %get3A_414, %select_n3A_439 : vector<16xf32>
      %add3A_441 = arith.constant 0 : i32
      %add3A_442 = arith.addi %mul3A_407, %add3A_441 : i32
      %get3A_443 = arith.constant 1 : i32
      %get3A_444 = arith.index_cast %get3A_443 : i32 to index
      %get3A_445 = arith.index_cast %add3A_442 : i32 to index
      %get3A_446 = tpu.vector_load %arg16[%get3A_444, %get3A_445] {strides = array<i32>} : memref<8x1024xi32, #tpu.memory_space<vmem>>, vector<16xi32>,
      %add3A_447 = arith.constant 16 : i32
      %add3A_448 = arith.addi %mul3A_407, %add3A_447 : i32
      %get3A_449 = arith.constant 1 : i32
      %get3A_450 = arith.index_cast %get3A_449 : i32 to index
      %get3A_451 = arith.index_cast %add3A_448 : i32 to index
      %get3A_452 = tpu.vector_load %arg16[%get3A_450, %get3A_451] {strides = array<i32>} : memref<8x1024xi32, #tpu.memory_space<vmem>>, vector<16xi32>,
      %gather3A_453 = tpu.vector_load_idx %arg15[%get3A_446] : memref<100000xf32, #tpu.memory_space<vmem>>[vector<16xi32>], vector<16xf32>,
      %gather3A_454 = tpu.vector_load_idx %arg15[%get3A_452] : memref<100000xf32, #tpu.memory_space<vmem>>[vector<16xi32>], vector<16xf32>,
      %ne3A_455 = arith.constant 0 : i32
      %ne3A_456 = vector.broadcast %ne3A_455 : i32 to vector<16xi32>
      %ne3A_457 = arith.cmpi ne, %get3A_446, %ne3A_456 : vector<16xi32>
      %jit3A_458 = arith.constant 0.000000e+00 : f32
      %broadcast_in_dim3A_459 = vector.broadcast %jit3A_458 : f32 to vector<16xf32>
      %select_n3A_460 = arith.select %ne3A_457, %gather3A_453, %broadcast_in_dim3A_459 : vector<16xi1>, vector<16xf32>
      %add3A_461 = arith.addf %add3A_433, %select_n3A_460 : vector<16xf32>
      %ne3A_462 = arith.constant 0 : i32
      %ne3A_463 = vector.broadcast %ne3A_462 : i32 to vector<16xi32>
      %ne3A_464 = arith.cmpi ne, %get3A_452, %ne3A_463 : vector<16xi32>
      %jit3A_465 = arith.constant 0.000000e+00 : f32
      %broadcast_in_dim3A_466 = vector.broadcast %jit3A_465 : f32 to vector<16xf32>
      %select_n3A_467 = arith.select %ne3A_464, %gather3A_454, %broadcast_in_dim3A_466 : vector<16xi1>, vector<16xf32>
      %add3A_468 = arith.addf %add3A_440, %select_n3A_467 : vector<16xf32>
      %add3A_469 = arith.constant 0 : i32
      %add3A_470 = arith.addi %mul3A_407, %add3A_469 : i32
      %get3A_471 = arith.constant 2 : i32
      %get3A_472 = arith.index_cast %get3A_471 : i32 to index
      %get3A_473 = arith.index_cast %add3A_470 : i32 to index
      %get3A_474 = tpu.vector_load %arg16[%get3A_472, %get3A_473] {strides = array<i32>} : memref<8x1024xi32, #tpu.memory_space<vmem>>, vector<16xi32>,
      %add3A_475 = arith.constant 16 : i32
      %add3A_476 = arith.addi %mul3A_407, %add3A_475 : i32
      %get3A_477 = arith.constant 2 : i32
      %get3A_478 = arith.index_cast %get3A_477 : i32 to index
      %get3A_479 = arith.index_cast %add3A_476 : i32 to index
      %get3A_480 = tpu.vector_load %arg16[%get3A_478, %get3A_479] {strides = array<i32>} : memref<8x1024xi32, #tpu.memory_space<vmem>>, vector<16xi32>,
      %gather3A_481 = tpu.vector_load_idx %arg15[%get3A_474] : memref<100000xf32, #tpu.memory_space<vmem>>[vector<16xi32>], vector<16xf32>,
      %gather3A_482 = tpu.vector_load_idx %arg15[%get3A_480] : memref<100000xf32, #tpu.memory_space<vmem>>[vector<16xi32>], vector<16xf32>,
      %ne3A_483 = arith.constant 0 : i32
      %ne3A_484 = vector.broadcast %ne3A_483 : i32 to vector<16xi32>
      %ne3A_485 = arith.cmpi ne, %get3A_474, %ne3A_484 : vector<16xi32>
      %jit3A_486 = arith.constant 0.000000e+00 : f32
      %broadcast_in_dim3A_487 = vector.broadcast %jit3A_486 : f32 to vector<16xf32>
      %select_n3A_488 = arith.select %ne3A_485, %gather3A_481, %broadcast_in_dim3A_487 : vector<16xi1>, vector<16xf32>
      %add3A_489 = arith.addf %add3A_461, %select_n3A_488 : vector<16xf32>
      %ne3A_490 = arith.constant 0 : i32
      %ne3A_491 = vector.broadcast %ne3A_490 : i32 to vector<16xi32>
      %ne3A_492 = arith.cmpi ne, %get3A_480, %ne3A_491 : vector<16xi32>
      %jit3A_493 = arith.constant 0.000000e+00 : f32
      %broadcast_in_dim3A_494 = vector.broadcast %jit3A_493 : f32 to vector<16xf32>
      %select_n3A_495 = arith.select %ne3A_492, %gather3A_482, %broadcast_in_dim3A_494 : vector<16xi1>, vector<16xf32>
      %add3A_496 = arith.addf %add3A_468, %select_n3A_495 : vector<16xf32>
      %add3A_497 = arith.constant 0 : i32
      %add3A_498 = arith.addi %mul3A_407, %add3A_497 : i32
      %get3A_499 = arith.constant 3 : i32
      %get3A_500 = arith.index_cast %get3A_499 : i32 to index
      %get3A_501 = arith.index_cast %add3A_498 : i32 to index
      %get3A_502 = tpu.vector_load %arg16[%get3A_500, %get3A_501] {strides = array<i32>} : memref<8x1024xi32, #tpu.memory_space<vmem>>, vector<16xi32>,
      %add3A_503 = arith.constant 16 : i32
      %add3A_504 = arith.addi %mul3A_407, %add3A_503 : i32
      %get3A_505 = arith.constant 3 : i32
      %get3A_506 = arith.index_cast %get3A_505 : i32 to index
      %get3A_507 = arith.index_cast %add3A_504 : i32 to index
      %get3A_508 = tpu.vector_load %arg16[%get3A_506, %get3A_507] {strides = array<i32>} : memref<8x1024xi32, #tpu.memory_space<vmem>>, vector<16xi32>,
      %gather3A_509 = tpu.vector_load_idx %arg15[%get3A_502] : memref<100000xf32, #tpu.memory_space<vmem>>[vector<16xi32>], vector<16xf32>,
      %gather3A_510 = tpu.vector_load_idx %arg15[%get3A_508] : memref<100000xf32, #tpu.memory_space<vmem>>[vector<16xi32>], vector<16xf32>,
      %ne3A_511 = arith.constant 0 : i32
      %ne3A_512 = vector.broadcast %ne3A_511 : i32 to vector<16xi32>
      %ne3A_513 = arith.cmpi ne, %get3A_502, %ne3A_512 : vector<16xi32>
      %jit3A_514 = arith.constant 0.000000e+00 : f32
      %broadcast_in_dim3A_515 = vector.broadcast %jit3A_514 : f32 to vector<16xf32>
      %select_n3A_516 = arith.select %ne3A_513, %gather3A_509, %broadcast_in_dim3A_515 : vector<16xi1>, vector<16xf32>
      %add3A_517 = arith.addf %add3A_489, %select_n3A_516 : vector<16xf32>
      %ne3A_518 = arith.constant 0 : i32
      %ne3A_519 = vector.broadcast %ne3A_518 : i32 to vector<16xi32>
      %ne3A_520 = arith.cmpi ne, %get3A_508, %ne3A_519 : vector<16xi32>
      %jit3A_521 = arith.constant 0.000000e+00 : f32
      %broadcast_in_dim3A_522 = vector.broadcast %jit3A_521 : f32 to vector<16xf32>
      %select_n3A_523 = arith.select %ne3A_520, %gather3A_510, %broadcast_in_dim3A_522 : vector<16xi1>, vector<16xf32>
      %add3A_524 = arith.addf %add3A_496, %select_n3A_523 : vector<16xf32>
      %add3A_525 = arith.constant 0 : i32
      %add3A_526 = arith.addi %mul3A_407, %add3A_525 : i32
      %get3A_527 = arith.constant 4 : i32
      %get3A_528 = arith.index_cast %get3A_527 : i32 to index
      %get3A_529 = arith.index_cast %add3A_526 : i32 to index
      %get3A_530 = tpu.vector_load %arg16[%get3A_528, %get3A_529] {strides = array<i32>} : memref<8x1024xi32, #tpu.memory_space<vmem>>, vector<16xi32>,
      %add3A_531 = arith.constant 16 : i32
      %add3A_532 = arith.addi %mul3A_407, %add3A_531 : i32
      %get3A_533 = arith.constant 4 : i32
      %get3A_534 = arith.index_cast %get3A_533 : i32 to index
      %get3A_535 = arith.index_cast %add3A_532 : i32 to index
      %get3A_536 = tpu.vector_load %arg16[%get3A_534, %get3A_535] {strides = array<i32>} : memref<8x1024xi32, #tpu.memory_space<vmem>>, vector<16xi32>,
      %gather3A_537 = tpu.vector_load_idx %arg15[%get3A_530] : memref<100000xf32, #tpu.memory_space<vmem>>[vector<16xi32>], vector<16xf32>,
      %gather3A_538 = tpu.vector_load_idx %arg15[%get3A_536] : memref<100000xf32, #tpu.memory_space<vmem>>[vector<16xi32>], vector<16xf32>,
      %ne3A_539 = arith.constant 0 : i32
      %ne3A_540 = vector.broadcast %ne3A_539 : i32 to vector<16xi32>
      %ne3A_541 = arith.cmpi ne, %get3A_530, %ne3A_540 : vector<16xi32>
      %jit3A_542 = arith.constant 0.000000e+00 : f32
      %broadcast_in_dim3A_543 = vector.broadcast %jit3A_542 : f32 to vector<16xf32>
      %select_n3A_544 = arith.select %ne3A_541, %gather3A_537, %broadcast_in_dim3A_543 : vector<16xi1>, vector<16xf32>
      %add3A_545 = arith.addf %add3A_517, %select_n3A_544 : vector<16xf32>
      %ne3A_546 = arith.constant 0 : i32
      %ne3A_547 = vector.broadcast %ne3A_546 : i32 to vector<16xi32>
      %ne3A_548 = arith.cmpi ne, %get3A_536, %ne3A_547 : vector<16xi32>
      %jit3A_549 = arith.constant 0.000000e+00 : f32
      %broadcast_in_dim3A_550 = vector.broadcast %jit3A_549 : f32 to vector<16xf32>
      %select_n3A_551 = arith.select %ne3A_548, %gather3A_538, %broadcast_in_dim3A_550 : vector<16xi1>, vector<16xf32>
      %add3A_552 = arith.addf %add3A_524, %select_n3A_551 : vector<16xf32>
      %add3A_553 = arith.constant 0 : i32
      %add3A_554 = arith.addi %mul3A_407, %add3A_553 : i32
      %get3A_555 = arith.constant 5 : i32
      %get3A_556 = arith.index_cast %get3A_555 : i32 to index
      %get3A_557 = arith.index_cast %add3A_554 : i32 to index
      %get3A_558 = tpu.vector_load %arg16[%get3A_556, %get3A_557] {strides = array<i32>} : memref<8x1024xi32, #tpu.memory_space<vmem>>, vector<16xi32>,
      %add3A_559 = arith.constant 16 : i32
      %add3A_560 = arith.addi %mul3A_407, %add3A_559 : i32
      %get3A_561 = arith.constant 5 : i32
      %get3A_562 = arith.index_cast %get3A_561 : i32 to index
      %get3A_563 = arith.index_cast %add3A_560 : i32 to index
      %get3A_564 = tpu.vector_load %arg16[%get3A_562, %get3A_563] {strides = array<i32>} : memref<8x1024xi32, #tpu.memory_space<vmem>>, vector<16xi32>,
      %gather3A_565 = tpu.vector_load_idx %arg15[%get3A_558] : memref<100000xf32, #tpu.memory_space<vmem>>[vector<16xi32>], vector<16xf32>,
      %gather3A_566 = tpu.vector_load_idx %arg15[%get3A_564] : memref<100000xf32, #tpu.memory_space<vmem>>[vector<16xi32>], vector<16xf32>,
      %ne3A_567 = arith.constant 0 : i32
      %ne3A_568 = vector.broadcast %ne3A_567 : i32 to vector<16xi32>
      %ne3A_569 = arith.cmpi ne, %get3A_558, %ne3A_568 : vector<16xi32>
      %jit3A_570 = arith.constant 0.000000e+00 : f32
      %broadcast_in_dim3A_571 = vector.broadcast %jit3A_570 : f32 to vector<16xf32>
      %select_n3A_572 = arith.select %ne3A_569, %gather3A_565, %broadcast_in_dim3A_571 : vector<16xi1>, vector<16xf32>
      %add3A_573 = arith.addf %add3A_545, %select_n3A_572 : vector<16xf32>
      %ne3A_574 = arith.constant 0 : i32
      %ne3A_575 = vector.broadcast %ne3A_574 : i32 to vector<16xi32>
      %ne3A_576 = arith.cmpi ne, %get3A_564, %ne3A_575 : vector<16xi32>
      %jit3A_577 = arith.constant 0.000000e+00 : f32
      %broadcast_in_dim3A_578 = vector.broadcast %jit3A_577 : f32 to vector<16xf32>
      %select_n3A_579 = arith.select %ne3A_576, %gather3A_566, %broadcast_in_dim3A_578 : vector<16xi1>, vector<16xf32>
      %add3A_580 = arith.addf %add3A_552, %select_n3A_579 : vector<16xf32>
      %add3A_581 = arith.constant 0 : i32
      %add3A_582 = arith.addi %mul3A_407, %add3A_581 : i32
      %get3A_583 = arith.constant 6 : i32
      %get3A_584 = arith.index_cast %get3A_583 : i32 to index
      %get3A_585 = arith.index_cast %add3A_582 : i32 to index
      %get3A_586 = tpu.vector_load %arg16[%get3A_584, %get3A_585] {strides = array<i32>} : memref<8x1024xi32, #tpu.memory_space<vmem>>, vector<16xi32>,
      %add3A_587 = arith.constant 16 : i32
      %add3A_588 = arith.addi %mul3A_407, %add3A_587 : i32
      %get3A_589 = arith.constant 6 : i32
      %get3A_590 = arith.index_cast %get3A_589 : i32 to index
      %get3A_591 = arith.index_cast %add3A_588 : i32 to index
      %get3A_592 = tpu.vector_load %arg16[%get3A_590, %get3A_591] {strides = array<i32>} : memref<8x1024xi32, #tpu.memory_space<vmem>>, vector<16xi32>,
      %gather3A_593 = tpu.vector_load_idx %arg15[%get3A_586] : memref<100000xf32, #tpu.memory_space<vmem>>[vector<16xi32>], vector<16xf32>,
      %gather3A_594 = tpu.vector_load_idx %arg15[%get3A_592] : memref<100000xf32, #tpu.memory_space<vmem>>[vector<16xi32>], vector<16xf32>,
      %ne3A_595 = arith.constant 0 : i32
      %ne3A_596 = vector.broadcast %ne3A_595 : i32 to vector<16xi32>
      %ne3A_597 = arith.cmpi ne, %get3A_586, %ne3A_596 : vector<16xi32>
      %jit3A_598 = arith.constant 0.000000e+00 : f32
      %broadcast_in_dim3A_599 = vector.broadcast %jit3A_598 : f32 to vector<16xf32>
      %select_n3A_600 = arith.select %ne3A_597, %gather3A_593, %broadcast_in_dim3A_599 : vector<16xi1>, vector<16xf32>
      %add3A_601 = arith.addf %add3A_573, %select_n3A_600 : vector<16xf32>
      %ne3A_602 = arith.constant 0 : i32
      %ne3A_603 = vector.broadcast %ne3A_602 : i32 to vector<16xi32>
      %ne3A_604 = arith.cmpi ne, %get3A_592, %ne3A_603 : vector<16xi32>
      %jit3A_605 = arith.constant 0.000000e+00 : f32
      %broadcast_in_dim3A_606 = vector.broadcast %jit3A_605 : f32 to vector<16xf32>
      %select_n3A_607 = arith.select %ne3A_604, %gather3A_594, %broadcast_in_dim3A_606 : vector<16xi1>, vector<16xf32>
      %add3A_608 = arith.addf %add3A_580, %select_n3A_607 : vector<16xf32>
      %add3A_609 = arith.constant 0 : i32
      %add3A_610 = arith.addi %mul3A_407, %add3A_609 : i32
      %get3A_611 = arith.constant 7 : i32
      %get3A_612 = arith.index_cast %get3A_611 : i32 to index
      %get3A_613 = arith.index_cast %add3A_610 : i32 to index
      %get3A_614 = tpu.vector_load %arg16[%get3A_612, %get3A_613] {strides = array<i32>} : memref<8x1024xi32, #tpu.memory_space<vmem>>, vector<16xi32>,
      %add3A_615 = arith.constant 16 : i32
      %add3A_616 = arith.addi %mul3A_407, %add3A_615 : i32
      %get3A_617 = arith.constant 7 : i32
      %get3A_618 = arith.index_cast %get3A_617 : i32 to index
      %get3A_619 = arith.index_cast %add3A_616 : i32 to index
      %get3A_620 = tpu.vector_load %arg16[%get3A_618, %get3A_619] {strides = array<i32>} : memref<8x1024xi32, #tpu.memory_space<vmem>>, vector<16xi32>,
      %gather3A_621 = tpu.vector_load_idx %arg15[%get3A_614] : memref<100000xf32, #tpu.memory_space<vmem>>[vector<16xi32>], vector<16xf32>,
      %gather3A_622 = tpu.vector_load_idx %arg15[%get3A_620] : memref<100000xf32, #tpu.memory_space<vmem>>[vector<16xi32>], vector<16xf32>,
      %ne3A_623 = arith.constant 0 : i32
      %ne3A_624 = vector.broadcast %ne3A_623 : i32 to vector<16xi32>
      %ne3A_625 = arith.cmpi ne, %get3A_614, %ne3A_624 : vector<16xi32>
      %jit3A_626 = arith.constant 0.000000e+00 : f32
      %broadcast_in_dim3A_627 = vector.broadcast %jit3A_626 : f32 to vector<16xf32>
      %select_n3A_628 = arith.select %ne3A_625, %gather3A_621, %broadcast_in_dim3A_627 : vector<16xi1>, vector<16xf32>
      %add3A_629 = arith.addf %add3A_601, %select_n3A_628 : vector<16xf32>
      %ne3A_630 = arith.constant 0 : i32
      %ne3A_631 = vector.broadcast %ne3A_630 : i32 to vector<16xi32>
      %ne3A_632 = arith.cmpi ne, %get3A_620, %ne3A_631 : vector<16xi32>
      %jit3A_633 = arith.constant 0.000000e+00 : f32
      %broadcast_in_dim3A_634 = vector.broadcast %jit3A_633 : f32 to vector<16xf32>
      %select_n3A_635 = arith.select %ne3A_632, %gather3A_622, %broadcast_in_dim3A_634 : vector<16xi1>, vector<16xf32>
      %add3A_636 = arith.addf %add3A_608, %select_n3A_635 : vector<16xf32>
      %add3A_637 = arith.constant 0 : i32
      %add3A_638 = arith.addi %mul3A_407, %add3A_637 : i32
      %swap3A = arith.index_cast %add3A_638 : i32 to index
      %swap3A_639 = tpu.vector_load %arg18[%swap3A] {strides = array<i32>} : memref<1024xf32, #tpu.memory_space<vmem>>, vector<16xf32>,
      tpu.vector_store %arg18[%swap3A], %add3A_629 {strides = array<i32>} : memref<1024xf32, #tpu.memory_space<vmem>>, vector<16xf32>,
      %add3A_640 = arith.constant 16 : i32
      %add3A_641 = arith.addi %mul3A_407, %add3A_640 : i32
      %swap3A_642 = arith.index_cast %add3A_641 : i32 to index
      %swap3A_643 = tpu.vector_load %arg18[%swap3A_642] {strides = array<i32>} : memref<1024xf32, #tpu.memory_space<vmem>>, vector<16xf32>,
      tpu.vector_store %arg18[%swap3A_642], %add3A_636 {strides = array<i32>} : memref<1024xf32, #tpu.memory_space<vmem>>, vector<16xf32>,
    }
    %scan3A_392 = arith.constant 32 : i32
    %scan3A_393 = arith.constant 0 : i32
    %scan3A_394 = arith.constant 0 : i32
    %scan3A_395 = arith.constant 32 : i32
    %scan3A_396 = arith.addi %scan3A_394, %scan3A_395 : i32
    %scan3A_397 = arith.constant 1 : i32
    scf.for %scan3A_405 = %scan3A_394 to %scan3A_396 step %scan3A_397  : i32 {
      %mul3A_406 = arith.constant 16 : i32
      %mul3A_407 = arith.muli %scan3A_405, %mul3A_406 : i32
      %add3A_408 = arith.addi %select_n3A_7, %mul3A_407 : i32
      %get3A = arith.index_cast %add3A_408 : i32 to index
      %get3A_409 = tpu.vector_load %arg18[%get3A] {strides = array<i32>} : memref<1024xf32, #tpu.memory_space<vmem>>, vector<16xf32>,
      %get3A_410 = arith.index_cast %mul3A_407 : i32 to index
      %get3A_411 = tpu.vector_load %arg19[%get3A_410] {strides = array<i32>} : memref<512xf32, #tpu.memory_space<vmem>>, vector<16xf32>,
      %add3A_412 = arith.addf %get3A_409, %get3A_411 : vector<16xf32>
      %add3A_413 = arith.addi %select_n3A_7, %mul3A_407 : i32
      %swap3A = arith.index_cast %add3A_413 : i32 to index
      %swap3A_414 = tpu.vector_load %arg18[%swap3A] {strides = array<i32>} : memref<1024xf32, #tpu.memory_space<vmem>>, vector<16xf32>,
      tpu.vector_store %arg18[%swap3A], %add3A_412 {strides = array<i32>} : memref<1024xf32, #tpu.memory_space<vmem>>, vector<16xf32>,
    }
    %scan3A_398 = arith.constant 32 : i32
    %convert_element_type3A_399 = arith.extui %lt3A_1 : i1 to i32
    %cond3A_400 = arith.constant 0 : i32
    %cond3A_401 = arith.cmpi ne, %convert_element_type3A_399, %cond3A_400 : i32
    scf.if %cond3A_401 {
      "tpu.region"() ({
        %run_scoped3A = tpu.sem_alloc : memref<!tpu.dma_semaphore, #tpu.memory_space<semaphore_mem>>
        %dma_start3A_405 = tpu.memref_slice %arg13[%mul3A_5] : memref<16384xf32, #tpu.memory_space<hbm>> -> memref<1024xf32, #tpu.memory_space<hbm>>
        %dma_start3A_406 = tpu.memref_slice %arg13[%mul3A_5] : memref<16384xf32, #tpu.memory_space<hbm>> -> memref<1024xf32, #tpu.memory_space<hbm>>
        tpu.enqueue_dma source(%arg18 : memref<1024xf32, #tpu.memory_space<vmem>>) target(%dma_start3A_406 : memref<1024xf32, #tpu.memory_space<hbm>>) target_semaphore(%run_scoped3A : memref<!tpu.dma_semaphore, #tpu.memory_space<semaphore_mem>>)
        %dma_wait3A_407 = tpu.memref_slice %arg13[%mul3A_5] : memref<16384xf32, #tpu.memory_space<hbm>> -> memref<1024xf32, #tpu.memory_space<hbm>>
        %dma_wait3A_408 = tpu.memref_slice %arg13[%mul3A_5] : memref<16384xf32, #tpu.memory_space<hbm>> -> memref<1024xf32, #tpu.memory_space<hbm>>
        tpu.wait_dma2 semaphore(%run_scoped3A : memref<!tpu.dma_semaphore, #tpu.memory_space<semaphore_mem>>) src(%arg18 : memref<1024xf32, #tpu.memory_space<vmem>>) dst(%dma_wait3A_408 : memref<1024xf32, #tpu.memory_space<hbm>>)
        tpu.yield
      }) : () -> ()
    } else {
    }
    %convert_element_type3A_402 = arith.extui %not3A_2 : i1 to i32
    %cond3A_403 = arith.constant 0 : i32
    %cond3A_404 = arith.cmpi ne, %convert_element_type3A_402, %cond3A_403 : i32
    scf.if %cond3A_404 {
      "tpu.region"() ({
        %run_scoped3A = tpu.sem_alloc : memref<!tpu.dma_semaphore, #tpu.memory_space<semaphore_mem>>
        %dma_start3A_405 = tpu.memref_slice %arg14[%mul3A_5] : memref<16384xf32, #tpu.memory_space<hbm>> -> memref<1024xf32, #tpu.memory_space<hbm>>
        %dma_start3A_406 = tpu.memref_slice %arg14[%mul3A_5] : memref<16384xf32, #tpu.memory_space<hbm>> -> memref<1024xf32, #tpu.memory_space<hbm>>
        tpu.enqueue_dma source(%arg18 : memref<1024xf32, #tpu.memory_space<vmem>>) target(%dma_start3A_406 : memref<1024xf32, #tpu.memory_space<hbm>>) target_semaphore(%run_scoped3A : memref<!tpu.dma_semaphore, #tpu.memory_space<semaphore_mem>>)
        %dma_wait3A_407 = tpu.memref_slice %arg14[%mul3A_5] : memref<16384xf32, #tpu.memory_space<hbm>> -> memref<1024xf32, #tpu.memory_space<hbm>>
        %dma_wait3A_408 = tpu.memref_slice %arg14[%mul3A_5] : memref<16384xf32, #tpu.memory_space<hbm>> -> memref<1024xf32, #tpu.memory_space<hbm>>
        tpu.wait_dma2 semaphore(%run_scoped3A : memref<!tpu.dma_semaphore, #tpu.memory_space<semaphore_mem>>) src(%arg18 : memref<1024xf32, #tpu.memory_space<vmem>>) dst(%dma_wait3A_408 : memref<1024xf32, #tpu.memory_space<hbm>>)
        tpu.yield
      }) : () -> ()
    } else {
    }
    return
  }
}

module attributes {stable_mosaic.version = 14 : i64} {
  func.func @_tc_body(%arg0: i32, %arg1: memref<200x2048xf32, #tpu.memory_space<vmem>>, %arg2: memref<200x2048xf32, #tpu.memory_space<vmem>>, %arg3: memref<200x2048xi32, #tpu.memory_space<vmem>>, %arg4: memref<2048xi32, #tpu.memory_space<vmem>>, %arg5: memref<1x8xf32, #tpu.memory_space<vmem>>, %arg6: memref<1x8xf32, #tpu.memory_space<vmem>>, %arg7: memref<2048xf32, #tpu.memory_space<vmem>>, %arg8: memref<2048xf32, #tpu.memory_space<vmem>>, %arg9: memref<2048xf32, #tpu.memory_space<vmem>>, %arg10: memref<2048xf32, #tpu.memory_space<vmem>>, %arg11: memref<2048xf32, #tpu.memory_space<vmem>>) attributes {dimension_semantics = [#tpu.dimension_semantics<arbitrary>], iteration_bounds = array<i64: 8>, scalar_prefetch = 0 : i64, scratch_operands = 0 : i64, tpu.core_type = #tpu.core_type<tc>, window_params = [{transform_indices = @transform_0, window_bounds = array<i64: 200, 2048>}, {transform_indices = @transform_1, window_bounds = array<i64: 200, 2048>}, {transform_indices = @transform_2, window_bounds = array<i64: 200, 2048>}, {transform_indices = @transform_3, window_bounds = array<i64: 2048>}, {pipeline_mode = #tpu.pipeline_mode<synchronous>, transform_indices = @transform_4, window_bounds = array<i64: 1, 8>}, {pipeline_mode = #tpu.pipeline_mode<synchronous>, transform_indices = @transform_5, window_bounds = array<i64: 1, 8>}, {transform_indices = @transform_6, window_bounds = array<i64: 2048>}, {transform_indices = @transform_7, window_bounds = array<i64: 2048>}, {transform_indices = @transform_8, window_bounds = array<i64: 2048>}, {transform_indices = @transform_9, window_bounds = array<i64: 2048>}, {transform_indices = @transform_10, window_bounds = array<i64: 2048>}]} {
    %get3A = arith.constant 0 : index
    %get3A_0 = arith.constant 0 : index
    %get3A_1 = vector.load %arg3[%get3A, %get3A_0] : memref<200x2048xi32, #tpu.memory_space<vmem>>, vector<200x2048xi32>
    %broadcast_in_dim3A = arith.constant 0.000000e+00 : f32
    %broadcast_in_dim3A_2 = vector.broadcast %broadcast_in_dim3A : f32 to vector<200x2048xf32>
    %get3A_3 = arith.constant 0 : index
    %get3A_4 = vector.load %arg4[%get3A_3] : memref<2048xi32, #tpu.memory_space<vmem>>, vector<2048xi32>
    %broadcast_in_dim3A_5 = arith.constant 0.000000e+00 : f32
    %broadcast_in_dim3A_6 = vector.broadcast %broadcast_in_dim3A_5 : f32 to vector<2048xf32>
    %eq3A = arith.constant 1 : i32
    %eq3A_7 = vector.broadcast %eq3A : i32 to vector<200x2048xi32>
    %eq3A_8 = arith.cmpi eq, %get3A_1, %eq3A_7 : vector<200x2048xi32>
    %get3A_9 = arith.constant 0 : index
    %get3A_10 = arith.constant 1 : index
    %get3A_11 = vector.load %arg6[%get3A_9, %get3A_10] : memref<1x8xf32, #tpu.memory_space<vmem>>, vector<1x1xf32>
    %get3A_12 = vector.extract %get3A_11[0, 0] : f32 from vector<1x1xf32>
    %jit3A = arith.constant 0.000000e+00 : f32
    %broadcast_in_dim3A_13 = vector.broadcast %get3A_12 : f32 to vector<200x2048xf32>
    %broadcast_in_dim3A_14 = vector.broadcast %jit3A : f32 to vector<200x2048xf32>
    %select_n3A = arith.select %eq3A_8, %broadcast_in_dim3A_13, %broadcast_in_dim3A_14 : vector<200x2048xi1>, vector<200x2048xf32>
    %add3A = arith.addf %broadcast_in_dim3A_2, %select_n3A : vector<200x2048xf32>
    %eq3A_15 = arith.constant 1 : i32
    %eq3A_16 = vector.broadcast %eq3A_15 : i32 to vector<2048xi32>
    %eq3A_17 = arith.cmpi eq, %get3A_4, %eq3A_16 : vector<2048xi32>
    %get3A_18 = arith.constant 0 : index
    %get3A_19 = arith.constant 1 : index
    %get3A_20 = vector.load %arg5[%get3A_18, %get3A_19] : memref<1x8xf32, #tpu.memory_space<vmem>>, vector<1x1xf32>
    %get3A_21 = vector.extract %get3A_20[0, 0] : f32 from vector<1x1xf32>
    %jit3A_22 = arith.constant 0.000000e+00 : f32
    %broadcast_in_dim3A_23 = vector.broadcast %get3A_21 : f32 to vector<2048xf32>
    %broadcast_in_dim3A_24 = vector.broadcast %jit3A_22 : f32 to vector<2048xf32>
    %select_n3A_25 = arith.select %eq3A_17, %broadcast_in_dim3A_23, %broadcast_in_dim3A_24 : vector<2048xi1>, vector<2048xf32>
    %add3A_26 = arith.addf %broadcast_in_dim3A_6, %select_n3A_25 : vector<2048xf32>
    %eq3A_27 = arith.constant 2 : i32
    %eq3A_28 = vector.broadcast %eq3A_27 : i32 to vector<200x2048xi32>
    %eq3A_29 = arith.cmpi eq, %get3A_1, %eq3A_28 : vector<200x2048xi32>
    %get3A_30 = arith.constant 0 : index
    %get3A_31 = arith.constant 2 : index
    %get3A_32 = vector.load %arg6[%get3A_30, %get3A_31] : memref<1x8xf32, #tpu.memory_space<vmem>>, vector<1x1xf32>
    %get3A_33 = vector.extract %get3A_32[0, 0] : f32 from vector<1x1xf32>
    %jit3A_34 = arith.constant 0.000000e+00 : f32
    %broadcast_in_dim3A_35 = vector.broadcast %get3A_33 : f32 to vector<200x2048xf32>
    %broadcast_in_dim3A_36 = vector.broadcast %jit3A_34 : f32 to vector<200x2048xf32>
    %select_n3A_37 = arith.select %eq3A_29, %broadcast_in_dim3A_35, %broadcast_in_dim3A_36 : vector<200x2048xi1>, vector<200x2048xf32>
    %add3A_38 = arith.addf %add3A, %select_n3A_37 : vector<200x2048xf32>
    %eq3A_39 = arith.constant 2 : i32
    %eq3A_40 = vector.broadcast %eq3A_39 : i32 to vector<2048xi32>
    %eq3A_41 = arith.cmpi eq, %get3A_4, %eq3A_40 : vector<2048xi32>
    %get3A_42 = arith.constant 0 : index
    %get3A_43 = arith.constant 2 : index
    %get3A_44 = vector.load %arg5[%get3A_42, %get3A_43] : memref<1x8xf32, #tpu.memory_space<vmem>>, vector<1x1xf32>
    %get3A_45 = vector.extract %get3A_44[0, 0] : f32 from vector<1x1xf32>
    %jit3A_46 = arith.constant 0.000000e+00 : f32
    %broadcast_in_dim3A_47 = vector.broadcast %get3A_45 : f32 to vector<2048xf32>
    %broadcast_in_dim3A_48 = vector.broadcast %jit3A_46 : f32 to vector<2048xf32>
    %select_n3A_49 = arith.select %eq3A_41, %broadcast_in_dim3A_47, %broadcast_in_dim3A_48 : vector<2048xi1>, vector<2048xf32>
    %add3A_50 = arith.addf %add3A_26, %select_n3A_49 : vector<2048xf32>
    %eq3A_51 = arith.constant 3 : i32
    %eq3A_52 = vector.broadcast %eq3A_51 : i32 to vector<200x2048xi32>
    %eq3A_53 = arith.cmpi eq, %get3A_1, %eq3A_52 : vector<200x2048xi32>
    %get3A_54 = arith.constant 0 : index
    %get3A_55 = arith.constant 3 : index
    %get3A_56 = vector.load %arg6[%get3A_54, %get3A_55] : memref<1x8xf32, #tpu.memory_space<vmem>>, vector<1x1xf32>
    %get3A_57 = vector.extract %get3A_56[0, 0] : f32 from vector<1x1xf32>
    %jit3A_58 = arith.constant 0.000000e+00 : f32
    %broadcast_in_dim3A_59 = vector.broadcast %get3A_57 : f32 to vector<200x2048xf32>
    %broadcast_in_dim3A_60 = vector.broadcast %jit3A_58 : f32 to vector<200x2048xf32>
    %select_n3A_61 = arith.select %eq3A_53, %broadcast_in_dim3A_59, %broadcast_in_dim3A_60 : vector<200x2048xi1>, vector<200x2048xf32>
    %add3A_62 = arith.addf %add3A_38, %select_n3A_61 : vector<200x2048xf32>
    %eq3A_63 = arith.constant 3 : i32
    %eq3A_64 = vector.broadcast %eq3A_63 : i32 to vector<2048xi32>
    %eq3A_65 = arith.cmpi eq, %get3A_4, %eq3A_64 : vector<2048xi32>
    %get3A_66 = arith.constant 0 : index
    %get3A_67 = arith.constant 3 : index
    %get3A_68 = vector.load %arg5[%get3A_66, %get3A_67] : memref<1x8xf32, #tpu.memory_space<vmem>>, vector<1x1xf32>
    %get3A_69 = vector.extract %get3A_68[0, 0] : f32 from vector<1x1xf32>
    %jit3A_70 = arith.constant 0.000000e+00 : f32
    %broadcast_in_dim3A_71 = vector.broadcast %get3A_69 : f32 to vector<2048xf32>
    %broadcast_in_dim3A_72 = vector.broadcast %jit3A_70 : f32 to vector<2048xf32>
    %select_n3A_73 = arith.select %eq3A_65, %broadcast_in_dim3A_71, %broadcast_in_dim3A_72 : vector<2048xi1>, vector<2048xf32>
    %add3A_74 = arith.addf %add3A_50, %select_n3A_73 : vector<2048xf32>
    %eq3A_75 = arith.constant 4 : i32
    %eq3A_76 = vector.broadcast %eq3A_75 : i32 to vector<200x2048xi32>
    %eq3A_77 = arith.cmpi eq, %get3A_1, %eq3A_76 : vector<200x2048xi32>
    %get3A_78 = arith.constant 0 : index
    %get3A_79 = arith.constant 4 : index
    %get3A_80 = vector.load %arg6[%get3A_78, %get3A_79] : memref<1x8xf32, #tpu.memory_space<vmem>>, vector<1x1xf32>
    %get3A_81 = vector.extract %get3A_80[0, 0] : f32 from vector<1x1xf32>
    %jit3A_82 = arith.constant 0.000000e+00 : f32
    %broadcast_in_dim3A_83 = vector.broadcast %get3A_81 : f32 to vector<200x2048xf32>
    %broadcast_in_dim3A_84 = vector.broadcast %jit3A_82 : f32 to vector<200x2048xf32>
    %select_n3A_85 = arith.select %eq3A_77, %broadcast_in_dim3A_83, %broadcast_in_dim3A_84 : vector<200x2048xi1>, vector<200x2048xf32>
    %add3A_86 = arith.addf %add3A_62, %select_n3A_85 : vector<200x2048xf32>
    %eq3A_87 = arith.constant 4 : i32
    %eq3A_88 = vector.broadcast %eq3A_87 : i32 to vector<2048xi32>
    %eq3A_89 = arith.cmpi eq, %get3A_4, %eq3A_88 : vector<2048xi32>
    %get3A_90 = arith.constant 0 : index
    %get3A_91 = arith.constant 4 : index
    %get3A_92 = vector.load %arg5[%get3A_90, %get3A_91] : memref<1x8xf32, #tpu.memory_space<vmem>>, vector<1x1xf32>
    %get3A_93 = vector.extract %get3A_92[0, 0] : f32 from vector<1x1xf32>
    %jit3A_94 = arith.constant 0.000000e+00 : f32
    %broadcast_in_dim3A_95 = vector.broadcast %get3A_93 : f32 to vector<2048xf32>
    %broadcast_in_dim3A_96 = vector.broadcast %jit3A_94 : f32 to vector<2048xf32>
    %select_n3A_97 = arith.select %eq3A_89, %broadcast_in_dim3A_95, %broadcast_in_dim3A_96 : vector<2048xi1>, vector<2048xf32>
    %add3A_98 = arith.addf %add3A_74, %select_n3A_97 : vector<2048xf32>
    %eq3A_99 = arith.constant 5 : i32
    %eq3A_100 = vector.broadcast %eq3A_99 : i32 to vector<200x2048xi32>
    %eq3A_101 = arith.cmpi eq, %get3A_1, %eq3A_100 : vector<200x2048xi32>
    %get3A_102 = arith.constant 0 : index
    %get3A_103 = arith.constant 5 : index
    %get3A_104 = vector.load %arg6[%get3A_102, %get3A_103] : memref<1x8xf32, #tpu.memory_space<vmem>>, vector<1x1xf32>
    %get3A_105 = vector.extract %get3A_104[0, 0] : f32 from vector<1x1xf32>
    %jit3A_106 = arith.constant 0.000000e+00 : f32
    %broadcast_in_dim3A_107 = vector.broadcast %get3A_105 : f32 to vector<200x2048xf32>
    %broadcast_in_dim3A_108 = vector.broadcast %jit3A_106 : f32 to vector<200x2048xf32>
    %select_n3A_109 = arith.select %eq3A_101, %broadcast_in_dim3A_107, %broadcast_in_dim3A_108 : vector<200x2048xi1>, vector<200x2048xf32>
    %add3A_110 = arith.addf %add3A_86, %select_n3A_109 : vector<200x2048xf32>
    %eq3A_111 = arith.constant 5 : i32
    %eq3A_112 = vector.broadcast %eq3A_111 : i32 to vector<2048xi32>
    %eq3A_113 = arith.cmpi eq, %get3A_4, %eq3A_112 : vector<2048xi32>
    %get3A_114 = arith.constant 0 : index
    %get3A_115 = arith.constant 5 : index
    %get3A_116 = vector.load %arg5[%get3A_114, %get3A_115] : memref<1x8xf32, #tpu.memory_space<vmem>>, vector<1x1xf32>
    %get3A_117 = vector.extract %get3A_116[0, 0] : f32 from vector<1x1xf32>
    %jit3A_118 = arith.constant 0.000000e+00 : f32
    %broadcast_in_dim3A_119 = vector.broadcast %get3A_117 : f32 to vector<2048xf32>
    %broadcast_in_dim3A_120 = vector.broadcast %jit3A_118 : f32 to vector<2048xf32>
    %select_n3A_121 = arith.select %eq3A_113, %broadcast_in_dim3A_119, %broadcast_in_dim3A_120 : vector<2048xi1>, vector<2048xf32>
    %add3A_122 = arith.addf %add3A_98, %select_n3A_121 : vector<2048xf32>
    %get3A_123 = arith.constant 0 : index
    %get3A_124 = arith.constant 0 : index
    %get3A_125 = vector.load %arg1[%get3A_123, %get3A_124] : memref<200x2048xf32, #tpu.memory_space<vmem>>, vector<200x2048xf32>
    %reduce_sum3A = arith.constant dense<0.000000e+00> : vector<2048xf32>
    %reduce_sum3A_126 = vector.multi_reduction <add>, %get3A_125, %reduce_sum3A [0] : vector<200x2048xf32> to vector<2048xf32>
    %get3A_127 = arith.constant 0 : index
    %get3A_128 = arith.constant 0 : index
    %get3A_129 = vector.load %arg2[%get3A_127, %get3A_128] : memref<200x2048xf32, #tpu.memory_space<vmem>>, vector<200x2048xf32>
    %reduce_sum3A_130 = arith.constant dense<0.000000e+00> : vector<2048xf32>
    %reduce_sum3A_131 = vector.multi_reduction <add>, %get3A_129, %reduce_sum3A_130 [0] : vector<200x2048xf32> to vector<2048xf32>
    %add3A_132 = arith.addf %reduce_sum3A_126, %reduce_sum3A_131 : vector<2048xf32>
    %reduce_sum3A_133 = arith.constant dense<0.000000e+00> : vector<2048xf32>
    %reduce_sum3A_134 = vector.multi_reduction <add>, %add3A_110, %reduce_sum3A_133 [0] : vector<200x2048xf32> to vector<2048xf32>
    %add3A_135 = arith.addf %add3A_132, %reduce_sum3A_134 : vector<2048xf32>
    %add3A_136 = arith.addf %add3A_135, %add3A_122 : vector<2048xf32>
    %get3A_137 = arith.constant 0 : index
    %get3A_138 = vector.load %arg7[%get3A_137] : memref<2048xf32, #tpu.memory_space<vmem>>, vector<2048xf32>
    %add3A_139 = arith.addf %add3A_136, %get3A_138 : vector<2048xf32>
    %get3A_140 = arith.constant 0 : index
    %get3A_141 = vector.load %arg8[%get3A_140] : memref<2048xf32, #tpu.memory_space<vmem>>, vector<2048xf32>
    %add3A_142 = arith.addf %add3A_139, %get3A_141 : vector<2048xf32>
    %get3A_143 = arith.constant 0 : index
    %get3A_144 = vector.load %arg9[%get3A_143] : memref<2048xf32, #tpu.memory_space<vmem>>, vector<2048xf32>
    %add3A_145 = arith.addf %add3A_142, %get3A_144 : vector<2048xf32>
    %get3A_146 = arith.constant 0 : index
    %get3A_147 = vector.load %arg10[%get3A_146] : memref<2048xf32, #tpu.memory_space<vmem>>, vector<2048xf32>
    %add3A_148 = arith.addf %add3A_145, %get3A_147 : vector<2048xf32>
    %swap3A = arith.constant 0 : index
    %swap3A_149 = vector.load %arg11[%swap3A] : memref<2048xf32, #tpu.memory_space<vmem>>, vector<2048xf32>
    tpu.vector_store %arg11[%swap3A], %add3A_148 {strides = array<i32>} : memref<2048xf32, #tpu.memory_space<vmem>>, vector<2048xf32>,
    return
  }
  func.func @transform_0(%arg0: i32) -> (i32, i32) {
    %c0_i32 = arith.constant 0 : i32
    %c0_i32_0 = arith.constant 0 : i32
    return %c0_i32, %arg0 : i32, i32
  }
  func.func @transform_1(%arg0: i32) -> (i32, i32) {
    %c0_i32 = arith.constant 0 : i32
    %c0_i32_0 = arith.constant 0 : i32
    return %c0_i32, %arg0 : i32, i32
  }
  func.func @transform_2(%arg0: i32) -> (i32, i32) {
    %c0_i32 = arith.constant 0 : i32
    %c0_i32_0 = arith.constant 0 : i32
    return %c0_i32, %arg0 : i32, i32
  }
  func.func @transform_3(%arg0: i32) -> i32 {
    %c0_i32 = arith.constant 0 : i32
    return %arg0 : i32
  }
  func.func @transform_4(%arg0: i32) -> (i32, i32) {
    %c0_i32 = arith.constant 0 : i32
    %c0_i32_0 = arith.constant 0 : i32
    %c0_i32_1 = arith.constant 0 : i32
    return %c0_i32, %c0_i32_0 : i32, i32
  }
  func.func @transform_5(%arg0: i32) -> (i32, i32) {
    %c0_i32 = arith.constant 0 : i32
    %c0_i32_0 = arith.constant 0 : i32
    %c0_i32_1 = arith.constant 0 : i32
    return %c0_i32, %c0_i32_0 : i32, i32
  }
  func.func @transform_6(%arg0: i32) -> i32 {
    %c0_i32 = arith.constant 0 : i32
    return %arg0 : i32
  }
  func.func @transform_7(%arg0: i32) -> i32 {
    %c0_i32 = arith.constant 0 : i32
    return %arg0 : i32
  }
  func.func @transform_8(%arg0: i32) -> i32 {
    %c0_i32 = arith.constant 0 : i32
    return %arg0 : i32
  }
  func.func @transform_9(%arg0: i32) -> i32 {
    %c0_i32 = arith.constant 0 : i32
    return %arg0 : i32
  }
  func.func @transform_10(%arg0: i32) -> i32 {
    %c0_i32 = arith.constant 0 : i32
    return %arg0 : i32
  }
}

module attributes {stable_mosaic.version = 14 : i64} {
  func.func @_add_body(%arg0: memref<16384xf32, #tpu.memory_space<vmem>>, %arg1: memref<16384xf32, #tpu.memory_space<vmem>>, %arg2: memref<16384xf32, #tpu.memory_space<vmem>>, %arg3: memref<16384xf32, #tpu.memory_space<vmem>>) attributes {dimension_semantics = [], scalar_prefetch = 0 : i64, scratch_operands = 0 : i64, tpu.core_type = #tpu.core_type<tc>} {
    %get3A = arith.constant 0 : index
    %get3A_0 = vector.load %arg0[%get3A] : memref<16384xf32, #tpu.memory_space<vmem>>, vector<16384xf32>
    %get3A_1 = arith.constant 0 : index
    %get3A_2 = vector.load %arg1[%get3A_1] : memref<16384xf32, #tpu.memory_space<vmem>>, vector<16384xf32>
    %add3A = arith.addf %get3A_0, %get3A_2 : vector<16384xf32>
    %get3A_3 = arith.constant 0 : index
    %get3A_4 = vector.load %arg2[%get3A_3] : memref<16384xf32, #tpu.memory_space<vmem>>, vector<16384xf32>
    %add3A_5 = arith.addf %add3A, %get3A_4 : vector<16384xf32>
    %swap3A = arith.constant 0 : index
    %swap3A_6 = vector.load %arg3[%swap3A] : memref<16384xf32, #tpu.memory_space<vmem>>, vector<16384xf32>
    tpu.vector_store %arg3[%swap3A], %add3A_5 {strides = array<i32>} : memref<16384xf32, #tpu.memory_space<vmem>>, vector<16384xf32>,
    return
  }
}

</mosaic_0001>

<sc_bundles>
// kernel: kernel.5.cloned.1.call-start
scs
__scs_entry_jumppad:
0x0: {  	(pc) =	sbr.rel $0x88, $3  }
0x1: {  	(tag) =	ssettag $0x0;
	lr =	simm.s32 $0x1  }
0x2: {  	[smem:$0x3F8B] =	sst lr;
	_ =	strace $0xD0000000  }
0x3: {  	_ = 	snop  }
0x4: {  	_ = 	snop  }
0x5: {  	_ = 	snop  }
0x6: {  	_ = 	snop  }
0x7: {  	_ = 	snop  }
__scs_overlays_trampoline_lowered:
0x8: {  	[smem:$0x3F9A] =	sst s0  }
0x9: {  	[smem:$0x3F9B] =	sst s1  }
0xa: {  	[smem:$0x3F9C] =	sst s2  }
0xb: {  	[smem:$0x3F9D] =	sst s3  }
0xc: {  	[smem:$0x3F9E] =	sst s4  }
0xd: {  	[smem:$0x3F9F] =	sst s5  }
0xe: {  	[smem:$0x3FA0] =	sst s6  }
0xf: {  	[smem:$0x3FA1] =	sst s7  }
0x10: {  	[smem:$0x3FA2] =	sst s8  }
0x11: {  	[smem:$0x3FA3] =	sst s9;
	s0 =	simm.s32 @!p0 $0x0  }
0x12: {  	s1 =	sld [smem:$0x3F89];
	s0 =	simm.s32 @p0 $0x1  }
0x13: {  	[smem:$0x3FA4] =	sst s0;
	s0 =	simm.s32 @!p1 $0x0  }
0x14: {  	s2 =	sld [smem:$0x3F88];
	s0 =	simm.s32 @p1 $0x1  }
0x15: {  	[smem:$0x3FA5] =	sst s0;
	s0 =	simm.s32 @!p2 $0x0  }
0x16: {  	s3 =	sld [smem:$0x3FDB];
	s0 =	simm.s32 @p2 $0x1  }
0x17: {  	s4 =	simm.s32 $0x1BF5;
	[smem:$0x3FA7] =	sst s0  }
0x18: {  	s0 =	sld [smem:$0x3F8A];
	_ =	swait.ge [sflag:s4], $0x0  }
0x19: {  	s7 =	sld [smem:$0x3F8B]  }
0x1a: {  	s8 =	sadd.s32 $0xFFFFE003, lr  }
0x1b: {  	s9 =	sadd.s32 $0xFFFFFEF7, lr;
	s5 =	simm.s32 $0xFFFFFFFF;
	p2 =	slt.u32 s8, $0xFFFFF086  }
0x1c: {  	p1 =	slt.u32 s9, $0xF7A;
	s5 =	simm.s32 @!p2 $0x0  }
0x1d: {  	s5 =	simm.s32 @p1 $0x1;
	p0 =	seq.s32 s7, s2  }
0x1e: {  	s7 =	smul.u32 @!p0 $0xF7A, s2;
	p2 =	seq.s32 @!p0 s5, $0x0  }
0x1f: {  	s9 =	smul.u32 $0xF7A, s1;
	s8 =	simm.s32 @!p0 $0x1BF5;
	p2 =	por !p2, p0  }
0x20: {  	[sflag:s8] =	ssyncset.s32 @!p0 $0xFFFFF086;
	s6 =	sadd.s32 @!p0 s3, s7;
	s7 =	simm.s32 @!p0 $0x108  }
0x21: {  	s3 =	sadd.s32 s3, s9;
	s6 =	sadd.s32 @!p0 $0x88, s6;
	s7 =	simm.s32 @p2 $0x1082  }
0x22: {  	[simem:s7], [sflag:s8] =	dma.local @!p0 [hbm:s6], $0xF7A  }
0x23: {  	s9 =	sor.u32 $0xD0000000, s2;
	s6 =	simm.s32 $0x108;
	_ =	swait.ge @!p0 [sflag:s8], $0x0  }
0x24: {  	s3 =	sadd.s32 $0x88, s3;
	s6 =	simm.s32 @!p1 $0x1082;
	[sflag:s4] =	ssyncset.s32 $0xFFFFF086  }
0x25: {  	[simem:s6], [sflag:s4] =	dma.local [hbm:s3], $0xF7A  }
0x26: {  	[smem:$0x3F8B] =	sst s1;
	(tag) =	ssettag s2;
	_ =	strace s9  }
0x27: {  	s1 =	sld [smem:$0x3F9B]  }
0x28: {  	s2 =	sld [smem:$0x3F9C]  }
0x29: {  	s4 =	sld [smem:$0x3F9E]  }
0x2a: {  	p0 =	seq.s32 s5, $0x0;
	s5 =	sld [smem:$0x3F9F]  }
0x2b: {  	s6 =	sld [smem:$0x3FA0]  }
0x2c: {  	s7 =	sld [smem:$0x3FA1]  }
0x2d: {  	s3 =	simm.s32 $0x108;
	s8 =	sld [smem:$0x3FA2]  }
0x2e: {  	s3 =	simm.s32 @!p0 $0x1082;
	s9 =	sld [smem:$0x3FA3]  }
0x2f: {  	lr =	sadd.s32 s0, s3;
	s0 =	sld [smem:$0x3F9A]  }
0x30: {  	s3 =	sld [smem:$0x3F9D]  }
0x31: {  	[smem:$0x3FA6] =	sst s10  }
0x32: {  	s10 =	sld [smem:$0x3FA4];
	_ =	sdelay $0x3  }
0x33: {  	p0 =	seq.s32 s10, $0x1;
	s10 =	sld [smem:$0x3FA6];
	_ =	sdelay $0x3  }
0x34: {  	[smem:$0x3FA6] =	sst s10  }
0x35: {  	s10 =	sld [smem:$0x3FA5];
	_ =	sdelay $0x3  }
0x36: {  	p1 =	seq.s32 s10, $0x1;
	s10 =	sld [smem:$0x3FA6];
	_ =	sdelay $0x3  }
0x37: {  	[smem:$0x3FA6] =	sst s10  }
0x38: {  	s10 =	sld [smem:$0x3FA7]  }
0x39: {  	_ = 	snop;
	(pc) =	sbr.ind lr, $3  }
0x3a: {  	_ = 	snop  }
0x3b: {  	_ = 	snop  }
0x3c: {  	p2 =	seq.s32 s10, $0x1;
	s10 =	sld [smem:$0x3FA6]  }
0x3d: {  	_ =	shalt  }
0x3e: {  	_ =	shalt  }
0x3f: {  	_ =	shalt  }
0x40: {  	_ =	shalt  }
0x41: {  	_ =	shalt  }
0x42: {  	_ =	shalt  }
0x43: {  	_ =	shalt  }
0x44: {  	_ =	shalt  }
0x45: {  	_ =	shalt  }
0x46: {  	_ =	shalt  }
0x47: {  	_ =	shalt  }
0x48: {  	_ =	shalt  }
0x49: {  	_ =	shalt  }
0x4a: {  	_ =	shalt  }
0x4b: {  	_ =	shalt  }
0x4c: {  	_ =	shalt  }
0x4d: {  	_ =	shalt  }
0x4e: {  	_ =	shalt  }
0x4f: {  	_ =	shalt  }
0x50: {  	_ =	shalt  }
0x51: {  	_ =	shalt  }
0x52: {  	_ =	shalt  }
0x53: {  	_ =	shalt  }
0x54: {  	_ =	shalt  }
0x55: {  	_ =	shalt  }
0x56: {  	_ =	shalt  }
0x57: {  	_ =	shalt  }
0x58: {  	_ =	shalt  }
0x59: {  	_ =	shalt  }
0x5a: {  	_ =	shalt  }
0x5b: {  	_ =	shalt  }
0x5c: {  	_ =	shalt  }
0x5d: {  	_ =	shalt  }
0x5e: {  	_ =	shalt  }
0x5f: {  	_ =	shalt  }
0x60: {  	_ =	shalt  }
0x61: {  	_ =	shalt  }
0x62: {  	_ =	shalt  }
0x63: {  	_ =	shalt  }
0x64: {  	_ =	shalt  }
0x65: {  	_ =	shalt  }
0x66: {  	_ =	shalt  }
0x67: {  	_ =	shalt  }
0x68: {  	_ =	shalt  }
0x69: {  	_ =	shalt  }
0x6a: {  	_ =	shalt  }
0x6b: {  	_ =	shalt  }
0x6c: {  	_ =	shalt  }
0x6d: {  	_ =	shalt  }
0x6e: {  	_ =	shalt  }
0x6f: {  	_ =	shalt  }
0x70: {  	_ =	shalt  }
0x71: {  	_ =	shalt  }
0x72: {  	_ =	shalt  }
0x73: {  	_ =	shalt  }
0x74: {  	_ =	shalt  }
0x75: {  	_ =	shalt  }
0x76: {  	_ =	shalt  }
0x77: {  	_ =	shalt  }
0x78: {  	_ =	shalt  }
0x79: {  	_ =	shalt  }
0x7a: {  	_ =	shalt  }
0x7b: {  	_ =	shalt  }
0x7c: {  	_ =	shalt  }
0x7d: {  	_ =	shalt  }
0x7e: {  	_ =	shalt  }
0x7f: {  	_ =	shalt  }
0x80: {  	_ =	shalt  }
0x81: {  	_ =	shalt  }
0x82: {  	_ =	shalt  }
0x83: {  	_ =	shalt  }
0x84: {  	_ =	shalt  }
0x85: {  	_ =	shalt  }
0x86: {  	_ =	shalt  }
0x87: {  	_ =	shalt  }
.Lfunc_end0:
.L_simem_size_0:
called_computation_lowered:
.L_overlay_start_0:
0x88: {  	s2 =	sld [smem:$0x3FD9]  }
0x89: {  	s3 =	sld [smem:$0x3FFE];
	_ =	sdelay $0x1  }
0x8a: {  	s1 =	srdreg.scid  }
0x8b: {  	s0 =	sand.u32 $0x1, s1  }
0x8c: {  	s17 =	sshll.u32 s0, $0xA;
	s2 =	sadd.s32 s3, s2  }
0x8d: {  	s2 =	sadd.s32 s2, s17  }
0x8e: {  	[smem:$0x3FB2] =	sst s2  }
0x8f: {  	_ = 	snop  }
0x90: {  	s2 =	sld [smem:$0x3FC9]  }
0x91: {  	s18 =	sld [smem:$0x3FC8]  }
0x92: {  	s4 =	sld [smem:$0x3FC7]  }
0x93: {  	s5 =	sld [smem:$0x3FC6]  }
0x94: {  	s6 =	sld [smem:$0x3FC4]  }
0x95: {  	s7 =	sld [smem:$0x3FC3]  }
0x96: {  	s8 =	sld [smem:$0x3FBB]  }
0x97: {  	s9 =	sld [smem:$0x3FBA]  }
0x98: {  	s10 =	sld [smem:$0x3FB9]  }
0x99: {  	s11 =	sld [smem:$0x3FB8]  }
0x9a: {  	s12 =	sld [smem:$0x3FD0];
	(tm) =	ssettm $0x1  }
0x9b: {  	s13 =	sld [smem:$0x3FFB];
	_ =	sdelay $0x3  }
0x9c: {  	_ =	strace s13  }
0x9d: {  	s13 =	sld [smem:$0x3FFC];
	_ =	sdelay $0x3  }
0x9e: {  	_ =	strace s13  }
0x9f: {  	s13 =	sld [smem:$0x3FFD];
	_ =	sdelay $0x3  }
0xa0: {  	_ =	strace s13  }
0xa1: {  	_ =	strace $0x8FFFFFFF  }
0xa2: {  	s19 =	sld [smem:$0x3FDB];
	_ =	sdelay $0x1  }
0xa3: {  	s14 =	simm.s32 $_scs_section_size  }
0xa4: {  	s15 =	simm.s32 $_size__tile_overlayer_lowered;
	s16 =	simm.s32 $_tile_overlayer_lowered  }
0xa5: {  	s22 =	simm.s32 $0x1BFF;
	s21 =	sshll.u32 s16, $0x1;
	s13 =	sadd.s32 s14, s19  }
0xa6: {  	s20 =	sshll.u32 s15, $0x1;
	s17 =	simm.s32 $0x0;
	s15 =	sadd.s32 s21, s13  }
0xa7: {  	[timem:s17], [sflag:s22] =	dma.local [hbm:s15], s20  }
0xa8: {  	_ =	swait.ge [sflag:s22], s20  }
0xa9: {  	s14 =	ssub.s32 $0x0, s20;
	[sflag:s22] =	ssyncset.done $0x0  }
0xaa: {  	[sflag:s22] =	ssyncadd.s32 s14;
	_ =	sdelay $0x1  }
0xab: {  	s23 =	simm.s32 $0x1B8B  }
0xac: {  	_ =	swait.ge [sflag:s23], $0x1  }
0xad: {  	[sflag:s23] =	ssyncset.done $0x0  }
0xae: {  	s25 =	simm.s32 $0x1B8E;
	s24 =	sld [smem:$0x3FFE];
	[sflag:s23] =	ssyncadd.s32 $0xFFFFFFFF  }
0xaf: {  	s26 =	simm.s32 $execute0_lowered;
	[smem:$0x3FD2] =	sst s25  }
0xb0: {  	s15 =	sshll.u32 s26, $0x1;
	_ =	strace $0x80000046;
	[dreg:$0x1] =	wrdreg $0xFFFFFFFF  }
0xb1: {  	s28 =	simm.s32 $_size_execute0_lowered;
	s13 =	sadd.s32 s13, s15;
	[dreg:$0x0] =	wrdreg $0x0  }
0xb2: {  	s15 =	sshll.u32 s28, $0x1;
	[dreg:$0x2] =	wrdreg s13  }
0xb3: {  	[dreg:$0x3] =	wrdreg s15  }
0xb4: {  	[dreg:$0x4] =	wrdreg $0xC0  }
0xb5: {  	_ =	task [dreg:s17], $0x5FFFF  }
0xb6: {  	[dreg:$0x1] =	wrdreg $0xFFFFFFFF  }
0xb7: {  	[dreg:$0x0] =	wrdreg $0x60  }
0xb8: {  	[dreg:$0x2] =	wrdreg s6  }
0xb9: {  	[dreg:$0x3] =	wrdreg s7  }
0xba: {  	[dreg:$0x4] =	wrdreg s2  }
0xbb: {  	[dreg:$0x5] =	wrdreg s18  }
0xbc: {  	[dreg:$0x6] =	wrdreg s4  }
0xbd: {  	[dreg:$0x7] =	wrdreg s5  }
0xbe: {  	[dreg:$0x8] =	wrdreg s24  }
0xbf: {  	[dreg:$0x9] =	wrdreg s8  }
0xc0: {  	[dreg:$0xa] =	wrdreg s9  }
0xc1: {  	[dreg:$0xb] =	wrdreg s10  }
0xc2: {  	[dreg:$0xc] =	wrdreg s11  }
0xc3: {  	[dreg:$0xd] =	wrdreg s12  }
0xc4: {  	[dreg:$0xe] =	wrdreg $0x9  }
0xc5: {  	_ =	task.clear_ibuf [dreg:s17], $0xFFFFF;
	_ =	strace $0x90000046  }
0xc6: {  	s29 =	simm.s32 $0x9;
	_ =	strace $0x80000048  }
0xc7: {  	_ =	swait.ge [sflag:s29], $0x1  }
0xc8: {  	[sflag:s29] =	ssyncadd.s32 $0xFFFFFFFF  }
0xc9: {  	_ =	strace $0x90000048  }
0xca: {  	_ =	sfence  }
0xcb: {  	s30 =	sld [smem:$0x0];
	_ =	sdelay $0x2  }
0xcc: {  	s31 =	sshll.u32 s1, $0xD;
	s1 =	sshrl.u32 s1, $0x2  }
0xcd: {  	s3 =	sand.u32 $0x4000, s31;
	s1 =	sadd.s32 s1, s30  }
0xce: {  	s0 =	sor.u32 s3, s0;
	s1 =	sshll.u32 s1, $0x11  }
0xcf: {  	s0 =	sor.u32 s1, s0  }
0xd0: {  	s0 =	sadd.s32 $0x8F2B, s0  }
0xd1: {  	[sflag:s0] =	ssyncadd.remote.s32 $0x1  }
0xd2: {  	_ =	sfence.sel $0xFFFF  }
0xd3: {  	[dreg:$0x0] =	wrdreg $0xFFFFFFFF;
	(pc) =	sbr.abs _section_cstart, $3  }
0xd4: {  	[dreg:$0x1] =	wrdreg $0xFFFFFFFF  }
0xd5: {  	_ =	task.clear_ibuf [dreg:s17], $0x2FFFF;
	_ =	strace $0x9FFFFFFF  }
0xd6: {  	(tm) =	ssettm $0x7FFFFFFF  }
0xd7: {  	_ =	shalt  }
tec
execute0_lowered:
.L_overlay_start_1:
0x0: {  	(tag) =	ssettag $0x1  }
0x1: {  	s2 =	rddreg [dreg:$0x0]  }
0x2: {  	s3 =	rddreg [dreg:$0x1]  }
0x3: {  	s8 =	rddreg [dreg:$0x2]  }
0x4: {  	s9 =	rddreg [dreg:$0x3]  }
0x5: {  	s10 =	rddreg [dreg:$0x4]  }
0x6: {  	s11 =	rddreg [dreg:$0x5]  }
0x7: {  	s12 =	rddreg [dreg:$0x6]  }
0x8: {  	s1 =	rddreg [dreg:$0x8]  }
0x9: {  	s4 =	rddreg [dreg:$0x9]  }
0xa: {  	s5 =	rddreg [dreg:$0xa];
	s6 =	srdreg.scid  }
0xb: {  	s14 =	rddreg [dreg:$0xb];
	s0 =	stileid.u32  }
0xc: {  	s19 =	simm.s32 $0x0;
	s28 =	simm.s32 $0x1D080;
	s30 =	simm.s32 $0x1D300  }
0xd: {  	s29 =	simm.s32 $0x4;
	s31 =	simm.s32 $0x3;
	s13 =	sand.u32 $0x1, s6  }
0xe: {  	s7 =	sshll.u32 s0, $0xB;
	s6 =	simm.s32 $0x0;
	s16 =	sshll.u32 s0, $0x1  }
0xf: {  	p0 =	slt.u32 s0, $0x8;
	s15 =	sshll.u32 s13, $0xA;
	[smem:$0x7FF] =	sst s6  }
0x10: {  	s26 =	sand.u32 $0x10, s16;
	s13 =	ssub.s32 $0x2, s13;
	s19 =	simm.s32 @!p0 $0x200  }
0x11: {  	s15 =	sor.u32 s15, s7;
	_ =	strace $0x80000047;
	s17 =	sadd.s32 s26, s12  }
0x12: {  	s7 =	sshrl.u32 s13, $0x1;
	s16 =	sadd.s32 $0xFFFFC000, s15;
	s25 =	sshrl.u32 s15, $0x3  }
0x13: {  	s18 =	sshrl.u32 s16, $0x3;
	s0 =	sadd.s32 s3, s16;
	s16 =	smov.u32 @p0 s15  }
0x14: {  	s12 =	sadd.s32 s18, s12;
	s16 =	sor.u32 s19, s16;
	s18 =	ssub.s32 s13, s7  }
0x15: {  	s7 =	sadd.s32 $0x2A00, s17;
	s13 =	sadd.s32 $0x1C700, s19;
	s19 =	simm.s32 $0x80  }
0x16: {  	[dreg:$0xe] =	wrdreg s7;
	s20 =	sshrl.u32 s16, $0x3;
	s16 =	sadd.s32 s2, s15  }
0x17: {  	s2 =	sadd.s32 $0x4000, s2;
	s7 =	sadd.s32 $0x8C00, s12;
	s26 =	smax.u32 s18, $0x1  }
0x18: {  	s12 =	simm.s32 $0x2;
	s21 =	sadd.s32 s8, s20;
	s22 =	sadd.s32 s9, s20  }
0x19: {  	s23 =	sadd.s32 s10, s20;
	s24 =	sadd.s32 s11, s20;
	s8 =	sadd.s32 s14, s25  }
0x1a: {  	[dreg:$0x14] =	wrdreg s26;
	s3 =	smov.u32 @p0 s2;
	s0 =	smov.u32 @p0 s16  }
0x1b: {  	s14 =	simm.s32 $0x1CF00;
	s16 =	simm.s32 $0x1CF80;
	[dreg:$0xf] =	wrdreg s21  }
0x1c: {  	s20 =	simm.s32 $0x1CE00;
	s25 =	simm.s32 $0x1D000;
	[dreg:$0x10] =	wrdreg s22  }
0x1d: {  	s26 =	simm.s32 $0x1CE80;
	s11 =	simm.s32 $0x5;
	[dreg:$0x11] =	wrdreg s23  }
0x1e: {  	[dreg:$0x12] =	wrdreg s24;
	s7 =	smov.u32 @p0 s8;
	s2 =	sadd.s32 s15, s3  }
0x1f: {  	s17 =	sadd.s32 $0x8000, s0;
	[dreg:$0xd] =	wrdreg s0;
	s18 =	sadd.s32 $0xC000, s0  }
0x20: {  	s21 =	simm.s32 $0x18700;
	s22 =	simm.s32 $0x1A700;
	s23 =	simm.s32 $0x1CD00  }
0x21: {  	s24 =	simm.s32 $0x6;
	s15 =	simm.s32 $0x1CD80;
	[dreg:$0x13] =	wrdreg s7  }
0x22: {  	v0 =	vimm.f32 $0.0e+00;
	s3 =	simm.s32 $0x1D100;
	[dreg:$0x15] =	wrdreg s2;
	s2 =	simm.s32 $0x0  }
.LBB2_1:
0x23: {  	s0 =	rddreg [dreg:$0xe];
	s7 =	simm.s32 $0x100  }
0x24: {  	[tilespmem:s6], [sflag:$0x1] =	stream.strided.gather [hbm4b:s0+s19], $0x18700, s7, s19, $0x38;
	[tilespmem:$0x1D500] =	vst v63  }
0x25: {  	s8 =	rddreg [dreg:$0xd]  }
0x26: {  	[tilespmem:s21], [sflag:$0x2] =	stream.linear.gather [hbm4b:s8+s6], $0x2000, $0x38;
	[tilespmem:$0x1D500] =	vst v63  }
0x27: {  	s9 =	rddreg [dreg:$0x15]  }
0x28: {  	[tilespmem:s22], [sflag:$0x3] =	stream.linear.gather [hbm4b:s9+s6], $0x2000, $0x38;
	[tilespmem:$0x1D500] =	vst v63  }
0x29: {  	s10 =	rddreg [dreg:$0xf]  }
0x2a: {  	[tilespmem:s23], [sflag:$0x6] =	stream.linear.gather [hbm4b:s10+s6], $0x200, $0x38;
	[tilespmem:$0x1D500] =	vst v63  }
0x2b: {  	_ =	swait.ge [sflag:s24], $0x200  }
0x2c: {  	[sflag:s24] =	ssyncset.done $0x0  }
0x2d: {  	[sflag:s24] =	ssyncadd.s32 $0xFFFFFE00  }
0x2e: {  	s7 =	rddreg [dreg:$0x7]  }
0x2f: {  	[tilespmem:s14], [sflag:$0x4] =	stream.indirect.gather [hbm4b:s7+s19], $0x1, s23, s19, $0xb8;
	[tilespmem:$0x1D500] =	vst v63  }
0x30: {  	_ = 	snop  }
0x31: {  	[tilespmem:s16], [sflag:$0x4] =	stream.indirect.gather [hbm4b:s7+s19], $0x1, s15, s19, $0xb8;
	[tilespmem:$0x1D500] =	vst v63  }
0x32: {  	_ = 	snop  }
0x33: {  	[tilespmem:s25], [sflag:$0x4] =	stream.indirect.gather [hbm4b:s7+s19], $0x1, s20, s19, $0xb8;
	[tilespmem:$0x1D500] =	vst v63  }
0x34: {  	_ = 	snop  }
0x35: {  	[tilespmem:s28], [sflag:$0x4] =	stream.indirect.gather [hbm4b:s7+s19], $0x1, s26, s19, $0xb8;
	[tilespmem:$0x1D500] =	vst v63  }
0x36: {  	s8 =	rddreg [dreg:$0x10]  }
0x37: {  	[tilespmem:s3], [sflag:$0x6] =	stream.linear.gather [hbm4b:s8+s6], $0x200, $0x38;
	[tilespmem:$0x1D500] =	vst v63  }
0x38: {  	_ =	swait.ge [sflag:s24], $0x200  }
0x39: {  	[sflag:s24] =	ssyncset.done $0x0  }
0x3a: {  	[sflag:s24] =	ssyncadd.s32 $0xFFFFFE00  }
0x3b: {  	[tilespmem:s30], [sflag:$0x5] =	stream.indirect.gather [hbm4b:s1+s19], $0x1, s3, s19, $0xb8;
	[tilespmem:$0x1D500] =	vst v63  }
0x3c: {  	s9 =	simm.s32 $0x1D180;
	s10 =	simm.s32 $0x1D380  }
0x3d: {  	[tilespmem:s10], [sflag:$0x5] =	stream.indirect.gather [hbm4b:s1+s19], $0x1, s9, s19, $0xb8;
	[tilespmem:$0x1D500] =	vst v63  }
0x3e: {  	s7 =	simm.s32 $0x1D200;
	s8 =	simm.s32 $0x1D400  }
0x3f: {  	[tilespmem:s8], [sflag:$0x5] =	stream.indirect.gather [hbm4b:s1+s19], $0x1, s7, s19, $0xb8;
	[tilespmem:$0x1D500] =	vst v63  }
0x40: {  	s9 =	simm.s32 $0x1D280;
	s10 =	simm.s32 $0x1D480  }
0x41: {  	[tilespmem:s10], [sflag:$0x5] =	stream.indirect.gather [hbm4b:s1+s19], $0x1, s9, s19, $0xb8;
	[tilespmem:$0x1D500] =	vst v63  }
0x42: {  	_ =	swait.ge [sflag:s29], $0x80  }
0x43: {  	[sflag:s29] =	ssyncset.done $0x0  }
0x44: {  	[sflag:s29] =	ssyncadd.s32 $0xFFFFFF80  }
0x45: {  	_ =	swait.ge [sflag:s29], $0x80  }
0x46: {  	[sflag:s29] =	ssyncset.done $0x0  }
0x47: {  	[sflag:s29] =	ssyncadd.s32 $0xFFFFFF80  }
0x48: {  	_ =	swait.ge [sflag:s29], $0x80  }
0x49: {  	[sflag:s29] =	ssyncset.done $0x0  }
0x4a: {  	[sflag:s29] =	ssyncadd.s32 $0xFFFFFF80  }
0x4b: {  	_ =	swait.ge [sflag:s29], $0x80  }
0x4c: {  	[sflag:s29] =	ssyncset.done $0x0  }
0x4d: {  	s8 =	simm.s32 $0x0;
	[sflag:s29] =	ssyncadd.s32 $0xFFFFFF80  }
0x4e: {  	v1 =	vld [tilespmem:s8+$0x1CD00]  }
0x4f: {  	s9 =	simm.s32 $0x40;
	v2 =	vld [tilespmem:s8+$0x1CF00]  }
.LBB2_2:
0x50: {  	p0 =	sne.s32 s9, $0x7C0  }
.Ltmp0:
0x51: {  	_ = 	snop;
	(pc) =	sbr.rel @p0 .LBB2_2-.Ltmp0, $4  }
0x52: {  	_ = 	snop  }
0x53: {  	s10 =	sshra.s32 s9, $0x2;
	s9 =	sadd.s32 $0x40, s9;
	vm0 =	veq.s32 v1, $0x0  }
0x54: {  	v1 =	vld [tilespmem:s10+$0x1CD00];
	v3 =	vsel vm0, $0x0, v2  }
0x55: {  	v2 =	vld [tilespmem:s10+$0x1CF00];
	[tilespmem:s8+$0x1CB00] =	vst v3;
	s8 =	smov.u32 s10  }
0x56: {  	_ =	sdelay $0x2  }
0x57: {  	vm0 =	veq.s32 v1, $0x0  }
0x58: {  	v1 =	vsel vm0, $0x0, v2  }
0x59: {  	s10 =	simm.s32 $0x0;
	s0 =	rddreg [dreg:$0x11];
	[tilespmem:s8+$0x1CB00] =	vst v1  }
0x5a: {  	[tilespmem:s23], [sflag:$0x6] =	stream.linear.gather [hbm4b:s0+s10], $0x200, $0x38;
	[tilespmem:$0x1D500] =	vst v63  }
0x5b: {  	_ =	swait.ge [sflag:s24], $0x200  }
0x5c: {  	[sflag:s24] =	ssyncset.done $0x0  }
0x5d: {  	[sflag:s24] =	ssyncadd.s32 $0xFFFFFE00  }
0x5e: {  	[tilespmem:s14], [sflag:$0x4] =	stream.indirect.gather [hbm4b:s4+s19], $0x1, s23, s19, $0xb8;
	[tilespmem:$0x1D500] =	vst v63  }
0x5f: {  	_ = 	snop  }
0x60: {  	[tilespmem:s16], [sflag:$0x4] =	stream.indirect.gather [hbm4b:s4+s19], $0x1, s15, s19, $0xb8;
	[tilespmem:$0x1D500] =	vst v63  }
0x61: {  	_ = 	snop  }
0x62: {  	[tilespmem:s25], [sflag:$0x4] =	stream.indirect.gather [hbm4b:s4+s19], $0x1, s20, s19, $0xb8;
	[tilespmem:$0x1D500] =	vst v63  }
0x63: {  	_ = 	snop  }
0x64: {  	[tilespmem:s28], [sflag:$0x4] =	stream.indirect.gather [hbm4b:s4+s19], $0x1, s26, s19, $0xb8;
	[tilespmem:$0x1D500] =	vst v63  }
0x65: {  	_ =	swait.ge [sflag:s11], $0x80  }
0x66: {  	[sflag:s11] =	ssyncset.done $0x0  }
0x67: {  	[sflag:s11] =	ssyncadd.s32 $0xFFFFFF80  }
0x68: {  	_ =	swait.ge [sflag:s11], $0x80  }
0x69: {  	[sflag:s11] =	ssyncset.done $0x0  }
0x6a: {  	[sflag:s11] =	ssyncadd.s32 $0xFFFFFF80  }
0x6b: {  	_ =	swait.ge [sflag:s11], $0x80  }
0x6c: {  	[sflag:s11] =	ssyncset.done $0x0  }
0x6d: {  	[sflag:s11] =	ssyncadd.s32 $0xFFFFFF80  }
0x6e: {  	_ =	swait.ge [sflag:s11], $0x80  }
0x6f: {  	[sflag:s11] =	ssyncset.done $0x0  }
0x70: {  	s8 =	simm.s32 $0x0;
	[sflag:s11] =	ssyncadd.s32 $0xFFFFFF80  }
0x71: {  	v1 =	vld [tilespmem:s8+$0x1D100]  }
0x72: {  	v2 =	vld [tilespmem:s8+$0x1D300]  }
0x73: {  	v3 =	vld [tilespmem:s8+$0x1CB00];
	_ =	sdelay $0x2  }
0x74: {  	vm15 =	veq.s32 v1, $0x0  }
0x75: {  	v1 =	vsel vm15, $0x0, v2  }
0x76: {  	s9 =	simm.s32 $0x80;
	s10 =	simm.s32 $0x10;
	v1 =	vadd.f32 v1, v3  }
.LBB2_4:
0x77: {  	p0 =	sne.s32 s9, $0x7C0;
	v2 =	vld [tilespmem:s10+$0x1D100]  }
0x78: {  	v3 =	vld [tilespmem:s10+$0x1D300];
	[tilespmem:s8+$0x1CB00] =	vst v1;
	s8 =	smov.u32 s10  }
0x79: {  	v1 =	vld [tilespmem:s8+$0x1CB00]  }
.Ltmp1:
0x7a: {  	(pc) =	sbr.rel @p0 .LBB2_4-.Ltmp1, $4  }
0x7b: {  	_ = 	snop  }
0x7c: {  	vm0 =	veq.s32 v2, $0x0  }
0x7d: {  	v2 =	vsel vm0, $0x0, v3  }
0x7e: {  	s10 =	sshra.s32 s9, $0x2;
	s9 =	sadd.s32 $0x40, s9;
	v1 =	vadd.f32 v2, v1  }
0x7f: {  	v2 =	vld [tilespmem:s10+$0x1D100]  }
0x80: {  	v3 =	vld [tilespmem:s10+$0x1D300];
	[tilespmem:s8+$0x1CB00] =	vst v1  }
0x81: {  	v1 =	vld [tilespmem:s10+$0x1CB00];
	_ =	sdelay $0x2  }
0x82: {  	vm0 =	veq.s32 v2, $0x0  }
0x83: {  	v2 =	vsel vm0, $0x0, v3  }
0x84: {  	v1 =	vadd.f32 v2, v1;
	_ =	sdelay $0x1  }
0x85: {  	s16 =	simm.s32 $0x0;
	s0 =	rddreg [dreg:$0x12];
	[tilespmem:s10+$0x1CB00] =	vst v1  }
0x86: {  	[tilespmem:s3], [sflag:$0x6] =	stream.linear.gather [hbm4b:s0+s16], $0x200, $0x38;
	[tilespmem:$0x1D500] =	vst v63  }
0x87: {  	_ =	swait.ge [sflag:s24], $0x200  }
0x88: {  	[sflag:s24] =	ssyncset.done $0x0  }
0x89: {  	[sflag:s24] =	ssyncadd.s32 $0xFFFFFE00  }
0x8a: {  	[tilespmem:s30], [sflag:$0x5] =	stream.indirect.gather [hbm4b:s5+s19], $0x1, s3, s19, $0xb8;
	[tilespmem:$0x1D500] =	vst v63  }
0x8b: {  	s20 =	simm.s32 $0x1D180;
	s7 =	simm.s32 $0x1D380  }
0x8c: {  	[tilespmem:s7], [sflag:$0x5] =	stream.indirect.gather [hbm4b:s5+s19], $0x1, s20, s19, $0xb8;
	[tilespmem:$0x1D500] =	vst v63  }
0x8d: {  	s25 =	simm.s32 $0x1D200;
	s26 =	simm.s32 $0x1D400  }
0x8e: {  	[tilespmem:s26], [sflag:$0x5] =	stream.indirect.gather [hbm4b:s5+s19], $0x1, s25, s19, $0xb8;
	[tilespmem:$0x1D500] =	vst v63  }
0x8f: {  	s28 =	simm.s32 $0x1D280;
	s30 =	simm.s32 $0x1D480  }
0x90: {  	[tilespmem:s30], [sflag:$0x5] =	stream.indirect.gather [hbm4b:s5+s19], $0x1, s28, s19, $0xb8;
	[tilespmem:$0x1D500] =	vst v63  }
0x91: {  	_ =	swait.ge [sflag:s29], $0x80  }
0x92: {  	[sflag:s29] =	ssyncset.done $0x0  }
0x93: {  	[sflag:s29] =	ssyncadd.s32 $0xFFFFFF80  }
0x94: {  	_ =	swait.ge [sflag:s29], $0x80  }
0x95: {  	[sflag:s29] =	ssyncset.done $0x0  }
0x96: {  	[sflag:s29] =	ssyncadd.s32 $0xFFFFFF80  }
0x97: {  	_ =	swait.ge [sflag:s29], $0x80  }
0x98: {  	[sflag:s29] =	ssyncset.done $0x0  }
0x99: {  	[sflag:s29] =	ssyncadd.s32 $0xFFFFFF80  }
0x9a: {  	_ =	swait.ge [sflag:s29], $0x80  }
0x9b: {  	[sflag:s29] =	ssyncset.done $0x0  }
0x9c: {  	s8 =	simm.s32 $0x0;
	[sflag:s29] =	ssyncadd.s32 $0xFFFFFF80  }
0x9d: {  	v1 =	vld [tilespmem:s8+$0x1CD00]  }
0x9e: {  	v2 =	vld [tilespmem:s8+$0x1CF00]  }
0x9f: {  	v3 =	vld [tilespmem:s8+$0x1CB00];
	_ =	sdelay $0x2  }
0xa0: {  	vm15 =	veq.s32 v1, $0x0  }
0xa1: {  	v1 =	vsel vm15, $0x0, v2  }
0xa2: {  	s9 =	simm.s32 $0x80;
	s10 =	simm.s32 $0x10;
	v1 =	vadd.f32 v1, v3  }
.LBB2_6:
0xa3: {  	p0 =	sne.s32 s9, $0x7C0;
	v2 =	vld [tilespmem:s10+$0x1CD00]  }
0xa4: {  	v3 =	vld [tilespmem:s10+$0x1CF00];
	[tilespmem:s8+$0x1CB00] =	vst v1;
	s8 =	smov.u32 s10  }
0xa5: {  	v1 =	vld [tilespmem:s8+$0x1CB00]  }
.Ltmp2:
0xa6: {  	(pc) =	sbr.rel @p0 .LBB2_6-.Ltmp2, $4  }
0xa7: {  	_ = 	snop  }
0xa8: {  	vm0 =	veq.s32 v2, $0x0  }
0xa9: {  	v2 =	vsel vm0, $0x0, v3  }
0xaa: {  	s10 =	sshra.s32 s9, $0x2;
	s9 =	sadd.s32 $0x40, s9;
	v1 =	vadd.f32 v2, v1  }
0xab: {  	v2 =	vld [tilespmem:s10+$0x1CD00]  }
0xac: {  	v3 =	vld [tilespmem:s10+$0x1CF00];
	[tilespmem:s8+$0x1CB00] =	vst v1  }
0xad: {  	v1 =	vld [tilespmem:s10+$0x1CB00];
	_ =	sdelay $0x2  }
0xae: {  	vm0 =	veq.s32 v2, $0x0  }
0xaf: {  	v2 =	vsel vm0, $0x0, v3  }
0xb0: {  	v1 =	vadd.f32 v2, v1;
	_ =	sdelay $0x1  }
0xb1: {  	[tilespmem:s10+$0x1CB00] =	vst v1  }
0xb2: {  	_ =	swait.ge [sflag:s11], $0x80  }
0xb3: {  	[sflag:s11] =	ssyncset.done $0x0  }
0xb4: {  	[sflag:s11] =	ssyncadd.s32 $0xFFFFFF80  }
0xb5: {  	_ =	swait.ge [sflag:s11], $0x80  }
0xb6: {  	[sflag:s11] =	ssyncset.done $0x0  }
0xb7: {  	[sflag:s11] =	ssyncadd.s32 $0xFFFFFF80  }
0xb8: {  	_ =	swait.ge [sflag:s11], $0x80  }
0xb9: {  	[sflag:s11] =	ssyncset.done $0x0  }
0xba: {  	[sflag:s11] =	ssyncadd.s32 $0xFFFFFF80  }
0xbb: {  	_ =	swait.ge [sflag:s11], $0x80  }
0xbc: {  	[sflag:s11] =	ssyncset.done $0x0  }
0xbd: {  	s9 =	simm.s32 $0x0;
	[sflag:s11] =	ssyncadd.s32 $0xFFFFFF80  }
0xbe: {  	v1 =	vld [tilespmem:s9+$0x1D100]  }
0xbf: {  	v2 =	vld [tilespmem:s9+$0x1D300]  }
0xc0: {  	v3 =	vld [tilespmem:s9+$0x1CB00];
	_ =	sdelay $0x2  }
0xc1: {  	vm15 =	veq.s32 v1, $0x0  }
0xc2: {  	v1 =	vsel vm15, $0x0, v2  }
0xc3: {  	s14 =	simm.s32 $0x10;
	s8 =	simm.s32 $0x40;
	s10 =	simm.s32 $0x80;
	v1 =	vadd.f32 v1, v3  }
.LBB2_8:
0xc4: {  	p0 =	sne.s32 s10, $0x7C0;
	v2 =	vld [tilespmem:s14+$0x1D100]  }
0xc5: {  	v3 =	vld [tilespmem:s14+$0x1D300];
	[tilespmem:s9+$0x1CB00] =	vst v1;
	s9 =	smov.u32 s14  }
0xc6: {  	v1 =	vld [tilespmem:s9+$0x1CB00]  }
.Ltmp3:
0xc7: {  	(pc) =	sbr.rel @p0 .LBB2_8-.Ltmp3, $4  }
0xc8: {  	_ = 	snop  }
0xc9: {  	vm0 =	veq.s32 v2, $0x0  }
0xca: {  	v2 =	vsel vm0, $0x0, v3  }
0xcb: {  	s14 =	sshra.s32 s10, $0x2;
	s10 =	sadd.s32 $0x40, s10;
	v1 =	vadd.f32 v2, v1  }
0xcc: {  	v2 =	vld [tilespmem:s14+$0x1D100]  }
0xcd: {  	v3 =	vld [tilespmem:s14+$0x1D300];
	[tilespmem:s9+$0x1CB00] =	vst v1  }
0xce: {  	v1 =	vld [tilespmem:s14+$0x1CB00];
	_ =	sdelay $0x2  }
0xcf: {  	vm0 =	veq.s32 v2, $0x0  }
0xd0: {  	v2 =	vsel vm0, $0x0, v3  }
0xd1: {  	v1 =	vadd.f32 v2, v1;
	_ =	sdelay $0x1  }
0xd2: {  	s9 =	simm.s32 $0x0;
	[tilespmem:s14+$0x1CB00] =	vst v1  }
.LBB2_10:
0xd3: {  	p0 =	sne.s32 s8, $0xFC0;
	[tilespmem:s9+$0x1C700] =	vst v0;
	s9 =	smov.u32 s8;
	s8 =	sadd.s32 $0x40, s8  }
.Ltmp4:
0xd4: {  	(pc) =	sbr.rel @p0 .LBB2_10-.Ltmp4, $2  }
0xd5: {  	_ =	sdelay $0x2  }
0xd6: {  	s9 =	sshra.s32 s9, $0x2  }
0xd7: {  	[tilespmem:s9+$0x1C700] =	vst v0;
	s0 =	simm.s32 $0x1  }
0xd8: {  	_ =	swait.ge [sflag:s0], $0x18700  }
0xd9: {  	[sflag:s0] =	ssyncset.done $0x0  }
0xda: {  	s20 =	simm.s32 $0x0;
	s8 =	simm.s32 $0x0;
	[sflag:s0] =	ssyncadd.s32 $0xFFFE7900  }
.LBB2_12:
0xdb: {  	_ =	swait.ge [sflag:s12], $0x2000;
	s14 =	sor.u32 s20, s20;
	s0 =	sand.u32 $0x60, s20  }
0xdc: {  	s16 =	sand.u32 $0x1C00, s20;
	[sflag:s12] =	ssyncset.done $0x0;
	s14 =	sor.u32 $0x380, s14  }
0xdd: {  	s7 =	sor.u32 $0x10, s0;
	s16 =	sadd.s32 $0x18700, s16;
	[sflag:s12] =	ssyncadd.s32 $0xFFFFE000  }
0xde: {  	s25 =	sor.u32 s7, s16;
	v2 =	vld [tilespmem:s14+$0x18700]  }
0xdf: {  	s26 =	sor.u32 s0, s16;
	v5 =	vld [tilespmem:s25+$0x280]  }
0xe0: {  	v6 =	vld [tilespmem:s26+$0x280]  }
0xe1: {  	s30 =	sand.u32 $0x380, s20;
	v7 =	vld [tilespmem:s25+$0x200]  }
0xe2: {  	s0 =	sor.u32 s7, s30;
	v8 =	vld [tilespmem:s26+$0x200]  }
0xe3: {  	v9 =	vld [tilespmem:s0+$0x1C700]  }
0xe4: {  	v10 =	vld [tilespmem:s25+$0x180]  }
0xe5: {  	v11 =	vld [tilespmem:s26+$0x0]  }
0xe6: {  	v12 =	vld [tilespmem:s25+$0x0]  }
0xe7: {  	v13 =	vld [tilespmem:s26+$0x80]  }
0xe8: {  	s9 =	sand.u32 $0x3, s20;
	v14 =	vld [tilespmem:s25+$0x80]  }
0xe9: {  	s9 =	sshll.u32 s9, $0x5;
	v15 =	vld [tilespmem:s26+$0x100]  }
0xea: {  	s9 =	sadd.s32 $0x0, s9;
	v16 =	vld [tilespmem:s25+$0x100]  }
0xeb: {  	s10 =	sadd.s32 $0x10, s9;
	s9 =	sor.u32 $0x300, s9;
	v17 =	vld [tilespmem:s26+$0x180]  }
0xec: {  	s15 =	sor.u32 $0x380, s10;
	v4 =	vld [tilespmem:s9+$0x18700]  }
0xed: {  	s10 =	sor.u32 $0x300, s10;
	v1 =	vld [tilespmem:s15+$0x18700]  }
0xee: {  	v3 =	vld [tilespmem:s10+$0x18700];
	s15 =	simm.s32 $0x1C700  }
0xef: {  	v18 =	vld [tilespmem:s15+$0x0]  }
0xf0: {  	v19 =	vld.idx.msk [tilespmem:v11+s6+$0x0], $0xffff  }
0xf1: {  	v20 =	vld.idx.msk [tilespmem:v12+s6+$0x0], $0xffff  }
0xf2: {  	v21 =	vld.idx.msk [tilespmem:v13+s6+$0x0], $0xffff  }
0xf3: {  	v22 =	vld.idx.msk [tilespmem:v14+s6+$0x0], $0xffff  }
0xf4: {  	vm0 =	veq.s32 v11, $0x0;
	v23 =	vld.idx.msk [tilespmem:v15+s6+$0x0], $0xffff  }
0xf5: {  	vm13 =	veq.s32 v12, $0x0;
	v11 =	vld.idx.msk [tilespmem:v16+s6+$0x0], $0xffff;
	v19 =	vsel vm0, $0x0, v19  }
0xf6: {  	vm14 =	veq.s32 v13, $0x0;
	v50 =	vld.idx.msk [tilespmem:v17+s6+$0x0], $0xffff;
	v51 =	vsel vm13, $0x0, v20;
	v18 =	vadd.f32 v19, v18  }
0xf7: {  	vm15 =	veq.s32 v14, $0x0;
	v52 =	vld.idx.msk [tilespmem:v10+s6+$0x0], $0xffff;
	v53 =	vsel vm14, $0x0, v21;
	v9 =	vadd.f32 v51, v9  }
0xf8: {  	vm4 =	veq.s32 v15, $0x0;
	v54 =	vld.idx.msk [tilespmem:v8+s6+$0x0], $0xffff;
	v55 =	vsel vm15, $0x0, v22;
	v18 =	vadd.f32 v53, v18  }
0xf9: {  	vm5 =	veq.s32 v16, $0x0;
	v56 =	vld.idx.msk [tilespmem:v7+s6+$0x0], $0xffff;
	v57 =	vsel vm4, $0x0, v23;
	v9 =	vadd.f32 v55, v9  }
0xfa: {  	vm6 =	veq.s32 v17, $0x0;
	v58 =	vld.idx.msk [tilespmem:v6+s6+$0x0], $0xffff;
	v11 =	vsel vm5, $0x0, v11;
	v18 =	vadd.f32 v57, v18  }
0xfb: {  	vm7 =	veq.s32 v10, $0x0;
	v59 =	vld.idx.msk [tilespmem:v5+s6+$0x0], $0xffff;
	v9 =	vadd.f32 v11, v9;
	v11 =	vsel vm6, $0x0, v50  }
0xfc: {  	vm8 =	veq.s32 v8, $0x0;
	v10 =	vld.idx.msk [tilespmem:v4+s6+$0x0], $0xffff;
	v60 =	vsel vm7, $0x0, v52;
	v11 =	vadd.f32 v11, v18  }
0xfd: {  	vm9 =	veq.s32 v7, $0x0;
	v8 =	vld.idx.msk [tilespmem:v3+s6+$0x0], $0xffff;
	v61 =	vsel vm8, $0x0, v54;
	v9 =	vadd.f32 v60, v9  }
0xfe: {  	vm10 =	veq.s32 v6, $0x0;
	v7 =	vld.idx.msk [tilespmem:v2+s6+$0x0], $0xffff;
	v62 =	vsel vm9, $0x0, v56;
	v11 =	vadd.f32 v61, v11  }
0xff: {  	vm11 =	veq.s32 v5, $0x0;
	v6 =	vld.idx.msk [tilespmem:v1+s6+$0x0], $0xffff;
	v63 =	vsel vm10, $0x0, v58;
	v9 =	vadd.f32 v62, v9  }
0x100: {  	vm12 =	veq.s32 v4, $0x0;
	v5 =	vadd.f32 v63, v11;
	v11 =	vsel vm11, $0x0, v59  }
0x101: {  	vm13 =	veq.s32 v3, $0x0;
	v4 =	vadd.f32 v11, v9;
	v9 =	vsel vm12, $0x0, v10  }
0x102: {  	s26 =	simm.s32 $0x1;
	vm14 =	veq.s32 v2, $0x0;
	v3 =	vadd.f32 v9, v5;
	v5 =	vsel vm13, $0x0, v8  }
0x103: {  	s25 =	sand.u32 $0x3, s26;
	vm15 =	veq.s32 v1, $0x0;
	v2 =	vadd.f32 v5, v4;
	v4 =	vsel vm14, $0x0, v7  }
0x104: {  	s9 =	sshll.u32 s25, $0x5;
	v1 =	vadd.f32 v4, v3;
	v3 =	vsel vm15, $0x0, v6  }
0x105: {  	s10 =	sadd.s32 $0x100, s9;
	v2 =	vadd.f32 v3, v2  }
0x106: {  	s14 =	simm.s32 $0x20;
	s9 =	simm.s32 $0x100;
	s25 =	sadd.s32 $0x10, s10;
	[tilespmem:s15+$0x0] =	vst v1  }
0x107: {  	s28 =	sor.u32 s9, s14;
	s7 =	sor.u32 $0x380, s25;
	[tilespmem:s0+$0x1C700] =	vst v2  }
0x108: {  	s30 =	sor.u32 $0x380, s28;
	v1 =	vld [tilespmem:s7+$0x18700]  }
0x109: {  	s28 =	sand.u32 $0x1C00, s9;
	s25 =	sor.u32 $0x300, s25;
	v2 =	vld [tilespmem:s30+$0x18700]  }
0x10a: {  	s10 =	sor.u32 $0x300, s10;
	s28 =	sadd.s32 $0x18700, s28;
	s0 =	sand.u32 $0x60, s14;
	v3 =	vld [tilespmem:s25+$0x18700]  }
0x10b: {  	v4 =	vld [tilespmem:s10+$0x18700];
	s10 =	sor.u32 s0, s28  }
0x10c: {  	s30 =	sor.u32 $0x10, s0;
	v6 =	vld [tilespmem:s10+$0x280]  }
0x10d: {  	s16 =	sor.u32 s30, s28;
	v8 =	vld [tilespmem:s10+$0x200]  }
0x10e: {  	s25 =	sand.u32 $0x380, s14;
	v5 =	vld [tilespmem:s16+$0x280]  }
0x10f: {  	s25 =	sor.u32 s30, s25;
	v7 =	vld [tilespmem:s16+$0x200]  }
0x110: {  	s28 =	simm.s32 $0x40;
	v9 =	vld [tilespmem:s25+$0x1C700]  }
.LBB2_13:
0x111: {  	p0 =	sne.s32 s28, $0x3E0;
	v10 =	vld [tilespmem:s16+$0x180]  }
0x112: {  	v11 =	vld [tilespmem:s10+$0x0]  }
0x113: {  	v12 =	vld [tilespmem:s16+$0x0]  }
0x114: {  	v13 =	vld [tilespmem:s10+$0x80]  }
0x115: {  	v14 =	vld [tilespmem:s16+$0x80]  }
0x116: {  	v15 =	vld [tilespmem:s10+$0x100]  }
0x117: {  	v16 =	vld [tilespmem:s16+$0x100]  }
0x118: {  	s15 =	sadd.s32 $0x20, s15;
	v17 =	vld [tilespmem:s10+$0x180]  }
0x119: {  	v18 =	vld [tilespmem:s15+$0x0]  }
0x11a: {  	v19 =	vld.idx.msk [tilespmem:v11+s6+$0x0], $0xffff  }
0x11b: {  	v20 =	vld.idx.msk [tilespmem:v12+s6+$0x0], $0xffff  }
0x11c: {  	v21 =	vld.idx.msk [tilespmem:v13+s6+$0x0], $0xffff  }
0x11d: {  	v22 =	vld.idx.msk [tilespmem:v14+s6+$0x0], $0xffff  }
0x11e: {  	v23 =	vld.idx.msk [tilespmem:v15+s6+$0x0], $0xffff  }
0x11f: {  	vm0 =	veq.s32 v11, $0x0;
	v11 =	vld.idx.msk [tilespmem:v16+s6+$0x0], $0xffff  }
0x120: {  	v19 =	vsel vm0, $0x0, v19;
	vm0 =	veq.s32 v12, $0x0;
	v12 =	vld.idx.msk [tilespmem:v17+s6+$0x0], $0xffff  }
0x121: {  	v18 =	vadd.f32 v19, v18;
	v19 =	vsel vm0, $0x0, v20;
	vm0 =	veq.s32 v13, $0x0;
	v13 =	vld.idx.msk [tilespmem:v10+s6+$0x0], $0xffff  }
0x122: {  	v9 =	vadd.f32 v19, v9;
	v19 =	vsel vm0, $0x0, v21;
	vm0 =	veq.s32 v14, $0x0;
	v14 =	vld.idx.msk [tilespmem:v8+s6+$0x0], $0xffff  }
0x123: {  	v18 =	vadd.f32 v19, v18;
	v19 =	vsel vm0, $0x0, v22;
	vm0 =	veq.s32 v15, $0x0;
	v15 =	vld.idx.msk [tilespmem:v7+s6+$0x0], $0xffff  }
0x124: {  	v9 =	vadd.f32 v19, v9;
	v19 =	vsel vm0, $0x0, v23;
	vm0 =	veq.s32 v16, $0x0;
	v16 =	vld.idx.msk [tilespmem:v6+s6+$0x0], $0xffff  }
0x125: {  	v18 =	vadd.f32 v19, v18;
	v11 =	vsel vm0, $0x0, v11;
	vm0 =	veq.s32 v17, $0x0;
	v17 =	vld.idx.msk [tilespmem:v5+s6+$0x0], $0xffff  }
0x126: {  	v9 =	vadd.f32 v11, v9;
	v11 =	vsel vm0, $0x0, v12;
	vm0 =	veq.s32 v10, $0x0;
	v10 =	vld.idx.msk [tilespmem:v4+s6+$0x0], $0xffff  }
0x127: {  	v11 =	vadd.f32 v11, v18;
	v12 =	vsel vm0, $0x0, v13;
	vm0 =	veq.s32 v8, $0x0;
	v8 =	vld.idx.msk [tilespmem:v3+s6+$0x0], $0xffff  }
0x128: {  	v9 =	vadd.f32 v12, v9;
	v12 =	vsel vm0, $0x0, v14;
	vm0 =	veq.s32 v7, $0x0;
	v7 =	vld.idx.msk [tilespmem:v2+s6+$0x0], $0xffff  }
0x129: {  	v11 =	vadd.f32 v12, v11;
	v12 =	vsel vm0, $0x0, v15;
	vm0 =	veq.s32 v6, $0x0;
	v6 =	vld.idx.msk [tilespmem:v1+s6+$0x0], $0xffff  }
0x12a: {  	v9 =	vadd.f32 v12, v9;
	v12 =	vsel vm0, $0x0, v16;
	vm0 =	veq.s32 v5, $0x0  }
0x12b: {  	v5 =	vadd.f32 v12, v11;
	v11 =	vsel vm0, $0x0, v17;
	vm0 =	veq.s32 v4, $0x0  }
0x12c: {  	v4 =	vadd.f32 v11, v9;
	v9 =	vsel vm0, $0x0, v10;
	vm0 =	veq.s32 v3, $0x0  }
0x12d: {  	s26 =	sadd.s32 $0x1, s26;
	v3 =	vadd.f32 v9, v5;
	v5 =	vsel vm0, $0x0, v8;
	vm0 =	veq.s32 v2, $0x0  }
0x12e: {  	s7 =	sand.u32 $0x3, s26;
	v2 =	vadd.f32 v5, v4;
	v4 =	vsel vm0, $0x0, v7;
	vm0 =	veq.s32 v1, $0x0  }
0x12f: {  	s9 =	sadd.s32 $0x100, s9;
	s7 =	sshll.u32 s7, $0x5;
	v1 =	vadd.f32 v4, v3;
	v3 =	vsel vm0, $0x0, v6  }
0x130: {  	s7 =	sadd.s32 s7, s9;
	v2 =	vadd.f32 v3, v2  }
0x131: {  	s10 =	sadd.s32 $0x10, s7;
	[tilespmem:s15+$0x0] =	vst v1  }
0x132: {  	s14 =	sor.u32 s9, s28;
	s16 =	sor.u32 $0x380, s10;
	[tilespmem:s25+$0x1C700] =	vst v2  }
0x133: {  	s14 =	sor.u32 $0x380, s14;
	v1 =	vld [tilespmem:s16+$0x18700]  }
0x134: {  	s10 =	sor.u32 $0x300, s10;
	s25 =	sand.u32 $0x60, s28;
	s16 =	sand.u32 $0x1C00, s9;
	v2 =	vld [tilespmem:s14+$0x18700]  }
0x135: {  	s7 =	sor.u32 $0x300, s7;
	s14 =	sor.u32 $0x10, s25;
	s30 =	sadd.s32 $0x18700, s16;
	v3 =	vld [tilespmem:s10+$0x18700]  }
0x136: {  	s16 =	sor.u32 s14, s30;
	v4 =	vld [tilespmem:s7+$0x18700]  }
.Ltmp5:
0x137: {  	s10 =	sor.u32 s25, s30;
	v5 =	vld [tilespmem:s16+$0x280];
	(pc) =	sbr.rel @p0 .LBB2_13-.Ltmp5, $4  }
0x138: {  	v6 =	vld [tilespmem:s10+$0x280]  }
0x139: {  	s7 =	sand.u32 $0x380, s28;
	v7 =	vld [tilespmem:s16+$0x200]  }
0x13a: {  	s25 =	sor.u32 s14, s7;
	v8 =	vld [tilespmem:s10+$0x200]  }
0x13b: {  	s28 =	sadd.s32 $0x20, s28;
	v9 =	vld [tilespmem:s25+$0x1C700]  }
0x13c: {  	v10 =	vld [tilespmem:s16+$0x180]  }
0x13d: {  	v11 =	vld [tilespmem:s10+$0x0]  }
0x13e: {  	v12 =	vld [tilespmem:s16+$0x0]  }
0x13f: {  	v13 =	vld [tilespmem:s10+$0x80]  }
0x140: {  	v14 =	vld [tilespmem:s16+$0x80]  }
0x141: {  	v15 =	vld [tilespmem:s10+$0x100]  }
0x142: {  	v16 =	vld [tilespmem:s16+$0x100]  }
0x143: {  	v17 =	vld [tilespmem:s10+$0x180];
	s9 =	sadd.s32 $0x20, s15  }
0x144: {  	v18 =	vld [tilespmem:s9+$0x0]  }
0x145: {  	v19 =	vld.idx.msk [tilespmem:v11+s6+$0x0], $0xffff  }
0x146: {  	v20 =	vld.idx.msk [tilespmem:v12+s6+$0x0], $0xffff  }
0x147: {  	v21 =	vld.idx.msk [tilespmem:v13+s6+$0x0], $0xffff  }
0x148: {  	v22 =	vld.idx.msk [tilespmem:v14+s6+$0x0], $0xffff  }
0x149: {  	vm0 =	veq.s32 v11, $0x0;
	v23 =	vld.idx.msk [tilespmem:v15+s6+$0x0], $0xffff  }
0x14a: {  	vm9 =	veq.s32 v12, $0x0;
	v11 =	vld.idx.msk [tilespmem:v16+s6+$0x0], $0xffff;
	v19 =	vsel vm0, $0x0, v19  }
0x14b: {  	vm10 =	veq.s32 v13, $0x0;
	v24 =	vld.idx.msk [tilespmem:v17+s6+$0x0], $0xffff;
	v25 =	vsel vm9, $0x0, v20;
	v18 =	vadd.f32 v19, v18  }
0x14c: {  	vm11 =	veq.s32 v14, $0x0;
	v26 =	vld.idx.msk [tilespmem:v10+s6+$0x0], $0xffff;
	v27 =	vsel vm10, $0x0, v21;
	v9 =	vadd.f32 v25, v9  }
0x14d: {  	v28 =	vld.idx.msk [tilespmem:v8+s6+$0x0], $0xffff;
	vm12 =	veq.s32 v15, $0x0;
	v29 =	vsel vm11, $0x0, v22;
	v18 =	vadd.f32 v27, v18  }
0x14e: {  	v30 =	vld.idx.msk [tilespmem:v7+s6+$0x0], $0xffff;
	vm13 =	veq.s32 v16, $0x0;
	v31 =	vsel vm12, $0x0, v23;
	v9 =	vadd.f32 v29, v9  }
0x14f: {  	v32 =	vld.idx.msk [tilespmem:v6+s6+$0x0], $0xffff;
	vm14 =	veq.s32 v17, $0x0;
	v11 =	vsel vm13, $0x0, v11;
	v18 =	vadd.f32 v31, v18  }
0x150: {  	v33 =	vld.idx.msk [tilespmem:v5+s6+$0x0], $0xffff;
	vm15 =	veq.s32 v10, $0x0;
	v9 =	vadd.f32 v11, v9;
	v11 =	vsel vm14, $0x0, v24  }
0x151: {  	vm4 =	veq.s32 v8, $0x0;
	v10 =	vld.idx.msk [tilespmem:v4+s6+$0x0], $0xffff;
	v34 =	vsel vm15, $0x0, v26;
	v11 =	vadd.f32 v11, v18  }
0x152: {  	vm5 =	veq.s32 v7, $0x0;
	v8 =	vld.idx.msk [tilespmem:v3+s6+$0x0], $0xffff;
	v35 =	vsel vm4, $0x0, v28;
	v9 =	vadd.f32 v34, v9  }
0x153: {  	vm6 =	veq.s32 v6, $0x0;
	v7 =	vld.idx.msk [tilespmem:v2+s6+$0x0], $0xffff;
	v36 =	vsel vm5, $0x0, v30;
	v11 =	vadd.f32 v35, v11  }
0x154: {  	vm7 =	veq.s32 v5, $0x0;
	v6 =	vld.idx.msk [tilespmem:v1+s6+$0x0], $0xffff;
	v37 =	vsel vm6, $0x0, v32;
	v9 =	vadd.f32 v36, v9  }
0x155: {  	vm8 =	veq.s32 v4, $0x0;
	v5 =	vadd.f32 v37, v11;
	v11 =	vsel vm7, $0x0, v33  }
0x156: {  	vm9 =	veq.s32 v3, $0x0;
	v4 =	vadd.f32 v11, v9;
	v9 =	vsel vm8, $0x0, v10  }
0x157: {  	vm10 =	veq.s32 v2, $0x0;
	v3 =	vadd.f32 v9, v5;
	v5 =	vsel vm9, $0x0, v8  }
0x158: {  	vm11 =	veq.s32 v1, $0x0;
	v2 =	vadd.f32 v5, v4;
	v4 =	vsel vm10, $0x0, v7  }
0x159: {  	v1 =	vadd.f32 v4, v3;
	v3 =	vsel vm11, $0x0, v6  }
0x15a: {  	v2 =	vadd.f32 v3, v2  }
0x15b: {  	s15 =	sshll.u32 s8, $0xF;
	[tilespmem:s9+$0x0] =	vst v1;
	s9 =	simm.s32 $0x0  }
0x15c: {  	s7 =	sadd.s32 s17, s15;
	[tilespmem:s25+$0x1C700] =	vst v2;
	s25 =	sand.u32 $0x3, s9  }
0x15d: {  	[tilespmem:s21], [sflag:$0x2] =	stream.linear.gather [hbm4b:s7+s9], $0x2000, $0x38;
	[tilespmem:$0x1D500] =	vst v63  }
0x15e: {  	s7 =	sshll.u32 s25, $0x5  }
0x15f: {  	_ =	swait.ge [sflag:s31], $0x2000;
	s7 =	sadd.s32 $0x0, s7  }
0x160: {  	[sflag:s31] =	ssyncset.done $0x0;
	s26 =	sadd.s32 $0x10, s7  }
0x161: {  	s14 =	sor.u32 s9, s9;
	[sflag:s31] =	ssyncadd.s32 $0xFFFFE000;
	s30 =	sor.u32 $0x380, s26  }
0x162: {  	s14 =	sor.u32 $0x380, s14;
	v1 =	vld [tilespmem:s30+$0x1A700]  }
0x163: {  	s0 =	sand.u32 $0x1C00, s9;
	s10 =	sor.u32 $0x300, s26;
	v2 =	vld [tilespmem:s14+$0x1A700]  }
0x164: {  	s16 =	sand.u32 $0x60, s9;
	s25 =	sadd.s32 $0x1A700, s0;
	s7 =	sor.u32 $0x300, s7;
	v3 =	vld [tilespmem:s10+$0x1A700]  }
0x165: {  	s0 =	sor.u32 s16, s25;
	v4 =	vld [tilespmem:s7+$0x1A700]  }
0x166: {  	v6 =	vld [tilespmem:s0+$0x280]  }
0x167: {  	v8 =	vld [tilespmem:s0+$0x200]  }
0x168: {  	v11 =	vld [tilespmem:s0+$0x0]  }
0x169: {  	v39 =	vld [tilespmem:s0+$0x80]  }
0x16a: {  	s26 =	sor.u32 $0x10, s16;
	v41 =	vld [tilespmem:s0+$0x100]  }
0x16b: {  	s30 =	sor.u32 s26, s25;
	v43 =	vld [tilespmem:s0+$0x180]  }
0x16c: {  	v5 =	vld [tilespmem:s30+$0x280]  }
0x16d: {  	v38 =	vld [tilespmem:s30+$0x0]  }
0x16e: {  	s9 =	sand.u32 $0x380, s9;
	v7 =	vld [tilespmem:s30+$0x200]  }
0x16f: {  	s14 =	sor.u32 s26, s9;
	v40 =	vld [tilespmem:s30+$0x80]  }
0x170: {  	v9 =	vld [tilespmem:s14+$0x1C700]  }
0x171: {  	v42 =	vld [tilespmem:s30+$0x100]  }
0x172: {  	s25 =	simm.s32 $0x1C700;
	v10 =	vld [tilespmem:s30+$0x180]  }
0x173: {  	v44 =	vld [tilespmem:s25+$0x0]  }
0x174: {  	v45 =	vld.idx.msk [tilespmem:v11+s6+$0x0], $0xffff  }
0x175: {  	v46 =	vld.idx.msk [tilespmem:v38+s6+$0x0], $0xffff  }
0x176: {  	v47 =	vld.idx.msk [tilespmem:v39+s6+$0x0], $0xffff  }
0x177: {  	v48 =	vld.idx.msk [tilespmem:v40+s6+$0x0], $0xffff  }
0x178: {  	vm12 =	veq.s32 v11, $0x0;
	v49 =	vld.idx.msk [tilespmem:v41+s6+$0x0], $0xffff  }
0x179: {  	vm13 =	veq.s32 v38, $0x0;
	v11 =	vld.idx.msk [tilespmem:v42+s6+$0x0], $0xffff;
	v19 =	vsel vm12, $0x0, v45  }
0x17a: {  	vm14 =	veq.s32 v39, $0x0;
	v50 =	vld.idx.msk [tilespmem:v43+s6+$0x0], $0xffff;
	v18 =	vadd.f32 v19, v44;
	v51 =	vsel vm13, $0x0, v46  }
0x17b: {  	vm15 =	veq.s32 v40, $0x0;
	v52 =	vld.idx.msk [tilespmem:v10+s6+$0x0], $0xffff;
	v53 =	vsel vm14, $0x0, v47;
	v9 =	vadd.f32 v51, v9  }
0x17c: {  	vm4 =	veq.s32 v41, $0x0;
	v54 =	vld.idx.msk [tilespmem:v8+s6+$0x0], $0xffff;
	v55 =	vsel vm15, $0x0, v48;
	v18 =	vadd.f32 v53, v18  }
0x17d: {  	vm5 =	veq.s32 v42, $0x0;
	v56 =	vld.idx.msk [tilespmem:v7+s6+$0x0], $0xffff;
	v57 =	vsel vm4, $0x0, v49;
	v9 =	vadd.f32 v55, v9  }
0x17e: {  	vm6 =	veq.s32 v43, $0x0;
	v58 =	vld.idx.msk [tilespmem:v6+s6+$0x0], $0xffff;
	v11 =	vsel vm5, $0x0, v11;
	v18 =	vadd.f32 v57, v18  }
0x17f: {  	vm7 =	veq.s32 v10, $0x0;
	v59 =	vld.idx.msk [tilespmem:v5+s6+$0x0], $0xffff;
	v9 =	vadd.f32 v11, v9;
	v11 =	vsel vm6, $0x0, v50  }
0x180: {  	vm8 =	veq.s32 v8, $0x0;
	v10 =	vld.idx.msk [tilespmem:v4+s6+$0x0], $0xffff;
	v60 =	vsel vm7, $0x0, v52;
	v11 =	vadd.f32 v11, v18  }
0x181: {  	vm9 =	veq.s32 v7, $0x0;
	v8 =	vld.idx.msk [tilespmem:v3+s6+$0x0], $0xffff;
	v61 =	vsel vm8, $0x0, v54;
	v9 =	vadd.f32 v60, v9  }
0x182: {  	vm10 =	veq.s32 v6, $0x0;
	v7 =	vld.idx.msk [tilespmem:v2+s6+$0x0], $0xffff;
	v62 =	vsel vm9, $0x0, v56;
	v11 =	vadd.f32 v61, v11  }
0x183: {  	vm11 =	veq.s32 v5, $0x0;
	v6 =	vld.idx.msk [tilespmem:v1+s6+$0x0], $0xffff;
	v63 =	vsel vm10, $0x0, v58;
	v9 =	vadd.f32 v62, v9  }
0x184: {  	vm12 =	veq.s32 v4, $0x0;
	v5 =	vadd.f32 v63, v11;
	v11 =	vsel vm11, $0x0, v59  }
0x185: {  	vm13 =	veq.s32 v3, $0x0;
	v4 =	vadd.f32 v11, v9;
	v9 =	vsel vm12, $0x0, v10  }
0x186: {  	s9 =	simm.s32 $0x1;
	vm14 =	veq.s32 v2, $0x0;
	v3 =	vadd.f32 v9, v5;
	v5 =	vsel vm13, $0x0, v8  }
0x187: {  	s30 =	sand.u32 $0x3, s9;
	vm15 =	veq.s32 v1, $0x0;
	v2 =	vadd.f32 v5, v4;
	v4 =	vsel vm14, $0x0, v7  }
0x188: {  	s7 =	sshll.u32 s30, $0x5;
	v1 =	vadd.f32 v4, v3;
	v3 =	vsel vm15, $0x0, v6  }
0x189: {  	s7 =	sadd.s32 $0x100, s7;
	v2 =	vadd.f32 v3, v2  }
0x18a: {  	s28 =	simm.s32 $0x100;
	s26 =	simm.s32 $0x20;
	s10 =	sadd.s32 $0x10, s7;
	[tilespmem:s25+$0x0] =	vst v1  }
0x18b: {  	s0 =	sor.u32 s28, s26;
	s30 =	sor.u32 $0x380, s10;
	[tilespmem:s14+$0x1C700] =	vst v2  }
0x18c: {  	s14 =	sor.u32 $0x380, s0;
	v1 =	vld [tilespmem:s30+$0x1A700]  }
0x18d: {  	s16 =	sand.u32 $0x60, s26;
	s10 =	sor.u32 $0x300, s10;
	s30 =	sand.u32 $0x1C00, s28;
	v2 =	vld [tilespmem:s14+$0x1A700]  }
0x18e: {  	s7 =	sor.u32 $0x300, s7;
	s0 =	sor.u32 $0x10, s16;
	v3 =	vld [tilespmem:s10+$0x1A700];
	s30 =	sadd.s32 $0x1A700, s30  }
0x18f: {  	v4 =	vld [tilespmem:s7+$0x1A700];
	s10 =	sor.u32 s0, s30  }
0x190: {  	s14 =	sor.u32 s16, s30;
	v5 =	vld [tilespmem:s10+$0x280]  }
0x191: {  	v6 =	vld [tilespmem:s14+$0x280]  }
0x192: {  	s30 =	sand.u32 $0x380, s26;
	v7 =	vld [tilespmem:s10+$0x200]  }
0x193: {  	s26 =	sor.u32 s0, s30;
	v8 =	vld [tilespmem:s14+$0x200]  }
0x194: {  	s16 =	simm.s32 $0x40;
	v9 =	vld [tilespmem:s26+$0x1C700]  }
.LBB2_15:
0x195: {  	p0 =	sne.s32 s16, $0x3E0;
	v10 =	vld [tilespmem:s10+$0x180]  }
0x196: {  	v11 =	vld [tilespmem:s14+$0x0]  }
0x197: {  	v12 =	vld [tilespmem:s10+$0x0]  }
0x198: {  	v13 =	vld [tilespmem:s14+$0x80]  }
0x199: {  	v14 =	vld [tilespmem:s10+$0x80]  }
0x19a: {  	v15 =	vld [tilespmem:s14+$0x100]  }
0x19b: {  	v16 =	vld [tilespmem:s10+$0x100]  }
0x19c: {  	s25 =	sadd.s32 $0x20, s25;
	v17 =	vld [tilespmem:s14+$0x180]  }
0x19d: {  	v18 =	vld [tilespmem:s25+$0x0]  }
0x19e: {  	v19 =	vld.idx.msk [tilespmem:v11+s6+$0x0], $0xffff  }
0x19f: {  	v20 =	vld.idx.msk [tilespmem:v12+s6+$0x0], $0xffff  }
0x1a0: {  	v21 =	vld.idx.msk [tilespmem:v13+s6+$0x0], $0xffff  }
0x1a1: {  	v22 =	vld.idx.msk [tilespmem:v14+s6+$0x0], $0xffff  }
0x1a2: {  	v23 =	vld.idx.msk [tilespmem:v15+s6+$0x0], $0xffff  }
0x1a3: {  	vm0 =	veq.s32 v11, $0x0;
	v11 =	vld.idx.msk [tilespmem:v16+s6+$0x0], $0xffff  }
0x1a4: {  	v19 =	vsel vm0, $0x0, v19;
	vm0 =	veq.s32 v12, $0x0;
	v12 =	vld.idx.msk [tilespmem:v17+s6+$0x0], $0xffff  }
0x1a5: {  	v18 =	vadd.f32 v19, v18;
	v19 =	vsel vm0, $0x0, v20;
	vm0 =	veq.s32 v13, $0x0;
	v13 =	vld.idx.msk [tilespmem:v10+s6+$0x0], $0xffff  }
0x1a6: {  	v9 =	vadd.f32 v19, v9;
	v19 =	vsel vm0, $0x0, v21;
	vm0 =	veq.s32 v14, $0x0;
	v14 =	vld.idx.msk [tilespmem:v8+s6+$0x0], $0xffff  }
0x1a7: {  	v18 =	vadd.f32 v19, v18;
	v19 =	vsel vm0, $0x0, v22;
	vm0 =	veq.s32 v15, $0x0;
	v15 =	vld.idx.msk [tilespmem:v7+s6+$0x0], $0xffff  }
0x1a8: {  	v9 =	vadd.f32 v19, v9;
	v19 =	vsel vm0, $0x0, v23;
	vm0 =	veq.s32 v16, $0x0;
	v16 =	vld.idx.msk [tilespmem:v6+s6+$0x0], $0xffff  }
0x1a9: {  	v18 =	vadd.f32 v19, v18;
	v11 =	vsel vm0, $0x0, v11;
	vm0 =	veq.s32 v17, $0x0;
	v17 =	vld.idx.msk [tilespmem:v5+s6+$0x0], $0xffff  }
0x1aa: {  	v9 =	vadd.f32 v11, v9;
	v11 =	vsel vm0, $0x0, v12;
	vm0 =	veq.s32 v10, $0x0;
	v10 =	vld.idx.msk [tilespmem:v4+s6+$0x0], $0xffff  }
0x1ab: {  	v11 =	vadd.f32 v11, v18;
	v12 =	vsel vm0, $0x0, v13;
	vm0 =	veq.s32 v8, $0x0;
	v8 =	vld.idx.msk [tilespmem:v3+s6+$0x0], $0xffff  }
0x1ac: {  	v9 =	vadd.f32 v12, v9;
	v12 =	vsel vm0, $0x0, v14;
	vm0 =	veq.s32 v7, $0x0;
	v7 =	vld.idx.msk [tilespmem:v2+s6+$0x0], $0xffff  }
0x1ad: {  	v11 =	vadd.f32 v12, v11;
	v12 =	vsel vm0, $0x0, v15;
	vm0 =	veq.s32 v6, $0x0;
	v6 =	vld.idx.msk [tilespmem:v1+s6+$0x0], $0xffff  }
0x1ae: {  	v9 =	vadd.f32 v12, v9;
	v12 =	vsel vm0, $0x0, v16;
	vm0 =	veq.s32 v5, $0x0  }
0x1af: {  	v5 =	vadd.f32 v12, v11;
	v11 =	vsel vm0, $0x0, v17;
	vm0 =	veq.s32 v4, $0x0  }
0x1b0: {  	v4 =	vadd.f32 v11, v9;
	v9 =	vsel vm0, $0x0, v10;
	vm0 =	veq.s32 v3, $0x0  }
0x1b1: {  	s9 =	sadd.s32 $0x1, s9;
	v3 =	vadd.f32 v9, v5;
	v5 =	vsel vm0, $0x0, v8;
	vm0 =	veq.s32 v2, $0x0  }
0x1b2: {  	s0 =	sand.u32 $0x3, s9;
	v2 =	vadd.f32 v5, v4;
	v4 =	vsel vm0, $0x0, v7;
	vm0 =	veq.s32 v1, $0x0  }
0x1b3: {  	s28 =	sadd.s32 $0x100, s28;
	s0 =	sshll.u32 s0, $0x5;
	v1 =	vadd.f32 v4, v3;
	v3 =	vsel vm0, $0x0, v6  }
0x1b4: {  	s0 =	sadd.s32 s0, s28;
	v2 =	vadd.f32 v3, v2  }
0x1b5: {  	s7 =	sadd.s32 $0x10, s0;
	[tilespmem:s25+$0x0] =	vst v1  }
0x1b6: {  	s10 =	sor.u32 s28, s16;
	s14 =	sor.u32 $0x380, s7;
	[tilespmem:s26+$0x1C700] =	vst v2  }
0x1b7: {  	s10 =	sor.u32 $0x380, s10;
	v1 =	vld [tilespmem:s14+$0x1A700]  }
0x1b8: {  	s7 =	sor.u32 $0x300, s7;
	s26 =	sand.u32 $0x1C00, s28;
	s14 =	sand.u32 $0x60, s16;
	v2 =	vld [tilespmem:s10+$0x1A700]  }
0x1b9: {  	s0 =	sor.u32 $0x300, s0;
	s26 =	sadd.s32 $0x1A700, s26;
	s30 =	sor.u32 $0x10, s14;
	v3 =	vld [tilespmem:s7+$0x1A700]  }
0x1ba: {  	s10 =	sor.u32 s30, s26;
	v4 =	vld [tilespmem:s0+$0x1A700]  }
.Ltmp6:
0x1bb: {  	s14 =	sor.u32 s14, s26;
	v5 =	vld [tilespmem:s10+$0x280];
	(pc) =	sbr.rel @p0 .LBB2_15-.Ltmp6, $4  }
0x1bc: {  	v6 =	vld [tilespmem:s14+$0x280]  }
0x1bd: {  	s0 =	sand.u32 $0x380, s16;
	v7 =	vld [tilespmem:s10+$0x200]  }
0x1be: {  	s26 =	sor.u32 s30, s0;
	v8 =	vld [tilespmem:s14+$0x200]  }
0x1bf: {  	s16 =	sadd.s32 $0x20, s16;
	v9 =	vld [tilespmem:s26+$0x1C700]  }
0x1c0: {  	v10 =	vld [tilespmem:s10+$0x180]  }
0x1c1: {  	v11 =	vld [tilespmem:s14+$0x0]  }
0x1c2: {  	v12 =	vld [tilespmem:s10+$0x0]  }
0x1c3: {  	v13 =	vld [tilespmem:s14+$0x80]  }
0x1c4: {  	v14 =	vld [tilespmem:s10+$0x80]  }
0x1c5: {  	v15 =	vld [tilespmem:s14+$0x100]  }
0x1c6: {  	v16 =	vld [tilespmem:s10+$0x100]  }
0x1c7: {  	v17 =	vld [tilespmem:s14+$0x180];
	s9 =	sadd.s32 $0x20, s25  }
0x1c8: {  	v18 =	vld [tilespmem:s9+$0x0]  }
0x1c9: {  	v19 =	vld.idx.msk [tilespmem:v11+s6+$0x0], $0xffff  }
0x1ca: {  	v20 =	vld.idx.msk [tilespmem:v12+s6+$0x0], $0xffff  }
0x1cb: {  	v21 =	vld.idx.msk [tilespmem:v13+s6+$0x0], $0xffff  }
0x1cc: {  	v22 =	vld.idx.msk [tilespmem:v14+s6+$0x0], $0xffff  }
0x1cd: {  	vm0 =	veq.s32 v11, $0x0;
	v23 =	vld.idx.msk [tilespmem:v15+s6+$0x0], $0xffff  }
0x1ce: {  	vm13 =	veq.s32 v12, $0x0;
	v38 =	vld.idx.msk [tilespmem:v16+s6+$0x0], $0xffff;
	v19 =	vsel vm0, $0x0, v19  }
0x1cf: {  	vm14 =	veq.s32 v13, $0x0;
	v39 =	vld.idx.msk [tilespmem:v17+s6+$0x0], $0xffff;
	v40 =	vsel vm13, $0x0, v20;
	v18 =	vadd.f32 v19, v18  }
0x1d0: {  	vm15 =	veq.s32 v14, $0x0;
	v41 =	vld.idx.msk [tilespmem:v10+s6+$0x0], $0xffff;
	v42 =	vsel vm14, $0x0, v21;
	v9 =	vadd.f32 v40, v9  }
0x1d1: {  	v43 =	vld.idx.msk [tilespmem:v8+s6+$0x0], $0xffff;
	vm4 =	veq.s32 v15, $0x0;
	v44 =	vsel vm15, $0x0, v22;
	v18 =	vadd.f32 v42, v18  }
0x1d2: {  	v45 =	vld.idx.msk [tilespmem:v7+s6+$0x0], $0xffff;
	vm5 =	veq.s32 v16, $0x0;
	v46 =	vsel vm4, $0x0, v23;
	v9 =	vadd.f32 v44, v9  }
0x1d3: {  	v47 =	vld.idx.msk [tilespmem:v6+s6+$0x0], $0xffff;
	vm6 =	veq.s32 v17, $0x0;
	v11 =	vsel vm5, $0x0, v38;
	v18 =	vadd.f32 v46, v18  }
0x1d4: {  	v48 =	vld.idx.msk [tilespmem:v5+s6+$0x0], $0xffff;
	vm7 =	veq.s32 v10, $0x0;
	v49 =	vsel vm6, $0x0, v39;
	v9 =	vadd.f32 v11, v9  }
0x1d5: {  	v50 =	vld.idx.msk [tilespmem:v4+s6+$0x0], $0xffff;
	vm8 =	veq.s32 v8, $0x0;
	v51 =	vsel vm7, $0x0, v41;
	v11 =	vadd.f32 v49, v18  }
0x1d6: {  	v52 =	vld.idx.msk [tilespmem:v3+s6+$0x0], $0xffff;
	vm9 =	veq.s32 v7, $0x0;
	v53 =	vsel vm8, $0x0, v43;
	v9 =	vadd.f32 v51, v9  }
0x1d7: {  	v54 =	vld.idx.msk [tilespmem:v2+s6+$0x0], $0xffff;
	vm10 =	veq.s32 v6, $0x0;
	v55 =	vsel vm9, $0x0, v45;
	v11 =	vadd.f32 v53, v11  }
0x1d8: {  	v56 =	vld.idx.msk [tilespmem:v1+s6+$0x0], $0xffff;
	vm11 =	veq.s32 v5, $0x0;
	v57 =	vsel vm10, $0x0, v47;
	v9 =	vadd.f32 v55, v9  }
0x1d9: {  	vm12 =	veq.s32 v4, $0x0;
	v59 =	vsel vm11, $0x0, v48;
	v58 =	vadd.f32 v57, v11  }
0x1da: {  	v61 =	vsel vm12, $0x0, v50;
	vm13 =	veq.s32 v3, $0x0;
	v60 =	vadd.f32 v59, v9  }
0x1db: {  	p0 =	seq.s32 s8, $0xB;
	vm14 =	veq.s32 v2, $0x0;
	v62 =	vsel vm13, $0x0, v52;
	v3 =	vadd.f32 v61, v58  }
.Ltmp7:
0x1dc: {  	vm15 =	veq.s32 v1, $0x0;
	v63 =	vsel vm14, $0x0, v54;
	v2 =	vadd.f32 v62, v60;
	(pc) =	sbr.rel @p0 .LBB2_18-.Ltmp7, $4  }
0x1dd: {  	v1 =	vadd.f32 v63, v3;
	v3 =	vsel vm15, $0x0, v56  }
0x1de: {  	v2 =	vadd.f32 v3, v2  }
0x1df: {  	[tilespmem:s9+$0x0] =	vst v1  }
0x1e0: {  	[tilespmem:s26+$0x1C700] =	vst v2  }
.Ltmp8:
0x1e1: {  	(pc) =	sbr.rel .LBB2_12-.Ltmp8, $3  }
0x1e2: {  	_ =	sdelay $0x1  }
0x1e3: {  	s0 =	sadd.s32 s18, s15;
	s8 =	sadd.s32 $0x1, s8  }
0x1e4: {  	[tilespmem:s22], [sflag:$0x3] =	stream.linear.gather [hbm4b:s0+s6], $0x2000, $0x38;
	[tilespmem:$0x1D500] =	vst v63  }
.LBB2_18:
0x1e5: {  	s8 =	simm.s32 $0x0;
	_ =	swait.ge [sflag:s12], $0x2000  }
0x1e6: {  	[sflag:s12] =	ssyncset.done $0x0;
	s9 =	sor.u32 s8, s8;
	s26 =	sand.u32 $0x60, s8  }
0x1e7: {  	s14 =	sand.u32 $0x1C00, s8;
	[sflag:s12] =	ssyncadd.s32 $0xFFFFE000;
	s9 =	sor.u32 $0x380, s9  }
0x1e8: {  	s15 =	simm.s32 $0x1C700;
	s28 =	sor.u32 $0x10, s26;
	s14 =	sadd.s32 $0x18700, s14;
	v2 =	vld [tilespmem:s9+$0x18700]  }
0x1e9: {  	s30 =	sor.u32 s28, s14;
	v18 =	vld [tilespmem:s15+$0x0]  }
0x1ea: {  	s14 =	sor.u32 s26, s14;
	v5 =	vld [tilespmem:s30+$0x280]  }
0x1eb: {  	v6 =	vld [tilespmem:s14+$0x280]  }
0x1ec: {  	s20 =	sand.u32 $0x380, s8;
	v7 =	vld [tilespmem:s30+$0x200]  }
0x1ed: {  	s16 =	sor.u32 s28, s20;
	v8 =	vld [tilespmem:s14+$0x200]  }
0x1ee: {  	v9 =	vld [tilespmem:s16+$0x1C700]  }
0x1ef: {  	v10 =	vld [tilespmem:s30+$0x180]  }
0x1f0: {  	v11 =	vld [tilespmem:s14+$0x0]  }
0x1f1: {  	v12 =	vld [tilespmem:s30+$0x0]  }
0x1f2: {  	v13 =	vld [tilespmem:s14+$0x80]  }
0x1f3: {  	s0 =	sand.u32 $0x3, s8;
	v14 =	vld [tilespmem:s30+$0x80]  }
0x1f4: {  	s0 =	sshll.u32 s0, $0x5;
	v15 =	vld [tilespmem:s14+$0x100]  }
0x1f5: {  	s0 =	sadd.s32 $0x0, s0;
	v16 =	vld [tilespmem:s30+$0x100]  }
0x1f6: {  	s7 =	sadd.s32 $0x10, s0;
	s0 =	sor.u32 $0x300, s0;
	v17 =	vld [tilespmem:s14+$0x180]  }
0x1f7: {  	s10 =	sor.u32 $0x380, s7;
	v4 =	vld [tilespmem:s0+$0x18700]  }
0x1f8: {  	s7 =	sor.u32 $0x300, s7;
	v1 =	vld [tilespmem:s10+$0x18700]  }
0x1f9: {  	v3 =	vld [tilespmem:s7+$0x18700]  }
0x1fa: {  	v19 =	vld.idx.msk [tilespmem:v11+s8+$0x0], $0xffff  }
0x1fb: {  	v20 =	vld.idx.msk [tilespmem:v12+s8+$0x0], $0xffff  }
0x1fc: {  	v21 =	vld.idx.msk [tilespmem:v13+s8+$0x0], $0xffff  }
0x1fd: {  	v22 =	vld.idx.msk [tilespmem:v14+s8+$0x0], $0xffff  }
0x1fe: {  	vm0 =	veq.s32 v11, $0x0;
	v23 =	vld.idx.msk [tilespmem:v15+s8+$0x0], $0xffff  }
0x1ff: {  	vm13 =	veq.s32 v12, $0x0;
	v11 =	vld.idx.msk [tilespmem:v16+s8+$0x0], $0xffff;
	v19 =	vsel vm0, $0x0, v19  }
0x200: {  	vm14 =	veq.s32 v13, $0x0;
	v50 =	vld.idx.msk [tilespmem:v17+s8+$0x0], $0xffff;
	v51 =	vsel vm13, $0x0, v20;
	v18 =	vadd.f32 v19, v18  }
0x201: {  	vm15 =	veq.s32 v14, $0x0;
	v52 =	vld.idx.msk [tilespmem:v10+s8+$0x0], $0xffff;
	v53 =	vsel vm14, $0x0, v21;
	v9 =	vadd.f32 v51, v9  }
0x202: {  	vm4 =	veq.s32 v15, $0x0;
	v54 =	vld.idx.msk [tilespmem:v8+s8+$0x0], $0xffff;
	v55 =	vsel vm15, $0x0, v22;
	v18 =	vadd.f32 v53, v18  }
0x203: {  	vm5 =	veq.s32 v16, $0x0;
	v56 =	vld.idx.msk [tilespmem:v7+s8+$0x0], $0xffff;
	v57 =	vsel vm4, $0x0, v23;
	v9 =	vadd.f32 v55, v9  }
0x204: {  	vm6 =	veq.s32 v17, $0x0;
	v58 =	vld.idx.msk [tilespmem:v6+s8+$0x0], $0xffff;
	v11 =	vsel vm5, $0x0, v11;
	v18 =	vadd.f32 v57, v18  }
0x205: {  	vm7 =	veq.s32 v10, $0x0;
	v59 =	vld.idx.msk [tilespmem:v5+s8+$0x0], $0xffff;
	v9 =	vadd.f32 v11, v9;
	v11 =	vsel vm6, $0x0, v50  }
0x206: {  	vm8 =	veq.s32 v8, $0x0;
	v10 =	vld.idx.msk [tilespmem:v4+s8+$0x0], $0xffff;
	v60 =	vsel vm7, $0x0, v52;
	v11 =	vadd.f32 v11, v18  }
0x207: {  	vm9 =	veq.s32 v7, $0x0;
	v8 =	vld.idx.msk [tilespmem:v3+s8+$0x0], $0xffff;
	v61 =	vsel vm8, $0x0, v54;
	v9 =	vadd.f32 v60, v9  }
0x208: {  	vm10 =	veq.s32 v6, $0x0;
	v7 =	vld.idx.msk [tilespmem:v2+s8+$0x0], $0xffff;
	v62 =	vsel vm9, $0x0, v56;
	v11 =	vadd.f32 v61, v11  }
0x209: {  	vm11 =	veq.s32 v5, $0x0;
	v6 =	vld.idx.msk [tilespmem:v1+s8+$0x0], $0xffff;
	v63 =	vsel vm10, $0x0, v58;
	v9 =	vadd.f32 v62, v9  }
0x20a: {  	vm12 =	veq.s32 v4, $0x0;
	v5 =	vadd.f32 v63, v11;
	v11 =	vsel vm11, $0x0, v59  }
0x20b: {  	vm13 =	veq.s32 v3, $0x0;
	v4 =	vadd.f32 v11, v9;
	v9 =	vsel vm12, $0x0, v10  }
0x20c: {  	s9 =	simm.s32 $0x1;
	vm14 =	veq.s32 v2, $0x0;
	v3 =	vadd.f32 v9, v5;
	v5 =	vsel vm13, $0x0, v8  }
0x20d: {  	s25 =	sand.u32 $0x3, s9;
	vm15 =	veq.s32 v1, $0x0;
	v2 =	vadd.f32 v5, v4;
	v4 =	vsel vm14, $0x0, v7  }
0x20e: {  	s0 =	sshll.u32 s25, $0x5;
	v1 =	vadd.f32 v4, v3;
	v3 =	vsel vm15, $0x0, v6  }
0x20f: {  	s0 =	sadd.s32 $0x100, s0;
	v2 =	vadd.f32 v3, v2  }
0x210: {  	s25 =	simm.s32 $0x100;
	s7 =	simm.s32 $0x20;
	s26 =	sadd.s32 $0x10, s0;
	[tilespmem:s15+$0x0] =	vst v1  }
0x211: {  	s28 =	sor.u32 s25, s7;
	s20 =	sor.u32 $0x380, s26;
	[tilespmem:s16+$0x1C700] =	vst v2  }
0x212: {  	s14 =	sor.u32 $0x380, s28;
	v1 =	vld [tilespmem:s20+$0x18700]  }
0x213: {  	s30 =	sand.u32 $0x1C00, s25;
	s10 =	sor.u32 $0x300, s26;
	v2 =	vld [tilespmem:s14+$0x18700]  }
0x214: {  	s0 =	sor.u32 $0x300, s0;
	s28 =	sadd.s32 $0x18700, s30;
	s16 =	sand.u32 $0x60, s7;
	v3 =	vld [tilespmem:s10+$0x18700]  }
0x215: {  	v4 =	vld [tilespmem:s0+$0x18700];
	s14 =	sor.u32 s16, s28  }
0x216: {  	s26 =	sor.u32 $0x10, s16;
	v6 =	vld [tilespmem:s14+$0x280]  }
0x217: {  	s10 =	sor.u32 s26, s28;
	v8 =	vld [tilespmem:s14+$0x200]  }
0x218: {  	s30 =	sand.u32 $0x380, s7;
	v5 =	vld [tilespmem:s10+$0x280]  }
0x219: {  	s20 =	sor.u32 s26, s30;
	v7 =	vld [tilespmem:s10+$0x200]  }
0x21a: {  	s16 =	simm.s32 $0x40;
	v9 =	vld [tilespmem:s20+$0x1C700]  }
.LBB2_19:
0x21b: {  	p0 =	sne.s32 s16, $0x3E0;
	v10 =	vld [tilespmem:s10+$0x180]  }
0x21c: {  	v11 =	vld [tilespmem:s14+$0x0]  }
0x21d: {  	v12 =	vld [tilespmem:s10+$0x0]  }
0x21e: {  	v13 =	vld [tilespmem:s14+$0x80]  }
0x21f: {  	v14 =	vld [tilespmem:s10+$0x80]  }
0x220: {  	v15 =	vld [tilespmem:s14+$0x100]  }
0x221: {  	v16 =	vld [tilespmem:s10+$0x100]  }
0x222: {  	s15 =	sadd.s32 $0x20, s15;
	v17 =	vld [tilespmem:s14+$0x180]  }
0x223: {  	v18 =	vld [tilespmem:s15+$0x0]  }
0x224: {  	v19 =	vld.idx.msk [tilespmem:v11+s8+$0x0], $0xffff  }
0x225: {  	v20 =	vld.idx.msk [tilespmem:v12+s8+$0x0], $0xffff  }
0x226: {  	v21 =	vld.idx.msk [tilespmem:v13+s8+$0x0], $0xffff  }
0x227: {  	v22 =	vld.idx.msk [tilespmem:v14+s8+$0x0], $0xffff  }
0x228: {  	v23 =	vld.idx.msk [tilespmem:v15+s8+$0x0], $0xffff  }
0x229: {  	vm0 =	veq.s32 v11, $0x0;
	v11 =	vld.idx.msk [tilespmem:v16+s8+$0x0], $0xffff  }
0x22a: {  	v19 =	vsel vm0, $0x0, v19;
	vm0 =	veq.s32 v12, $0x0;
	v12 =	vld.idx.msk [tilespmem:v17+s8+$0x0], $0xffff  }
0x22b: {  	v18 =	vadd.f32 v19, v18;
	v19 =	vsel vm0, $0x0, v20;
	vm0 =	veq.s32 v13, $0x0;
	v13 =	vld.idx.msk [tilespmem:v10+s8+$0x0], $0xffff  }
0x22c: {  	v9 =	vadd.f32 v19, v9;
	v19 =	vsel vm0, $0x0, v21;
	vm0 =	veq.s32 v14, $0x0;
	v14 =	vld.idx.msk [tilespmem:v8+s8+$0x0], $0xffff  }
0x22d: {  	v18 =	vadd.f32 v19, v18;
	v19 =	vsel vm0, $0x0, v22;
	vm0 =	veq.s32 v15, $0x0;
	v15 =	vld.idx.msk [tilespmem:v7+s8+$0x0], $0xffff  }
0x22e: {  	v9 =	vadd.f32 v19, v9;
	v19 =	vsel vm0, $0x0, v23;
	vm0 =	veq.s32 v16, $0x0;
	v16 =	vld.idx.msk [tilespmem:v6+s8+$0x0], $0xffff  }
0x22f: {  	v18 =	vadd.f32 v19, v18;
	v11 =	vsel vm0, $0x0, v11;
	vm0 =	veq.s32 v17, $0x0;
	v17 =	vld.idx.msk [tilespmem:v5+s8+$0x0], $0xffff  }
0x230: {  	v9 =	vadd.f32 v11, v9;
	v11 =	vsel vm0, $0x0, v12;
	vm0 =	veq.s32 v10, $0x0;
	v10 =	vld.idx.msk [tilespmem:v4+s8+$0x0], $0xffff  }
0x231: {  	v11 =	vadd.f32 v11, v18;
	v12 =	vsel vm0, $0x0, v13;
	vm0 =	veq.s32 v8, $0x0;
	v8 =	vld.idx.msk [tilespmem:v3+s8+$0x0], $0xffff  }
0x232: {  	v9 =	vadd.f32 v12, v9;
	v12 =	vsel vm0, $0x0, v14;
	vm0 =	veq.s32 v7, $0x0;
	v7 =	vld.idx.msk [tilespmem:v2+s8+$0x0], $0xffff  }
0x233: {  	v11 =	vadd.f32 v12, v11;
	v12 =	vsel vm0, $0x0, v15;
	vm0 =	veq.s32 v6, $0x0;
	v6 =	vld.idx.msk [tilespmem:v1+s8+$0x0], $0xffff  }
0x234: {  	v9 =	vadd.f32 v12, v9;
	v12 =	vsel vm0, $0x0, v16;
	vm0 =	veq.s32 v5, $0x0  }
0x235: {  	v5 =	vadd.f32 v12, v11;
	v11 =	vsel vm0, $0x0, v17;
	vm0 =	veq.s32 v4, $0x0  }
0x236: {  	v4 =	vadd.f32 v11, v9;
	v9 =	vsel vm0, $0x0, v10;
	vm0 =	veq.s32 v3, $0x0  }
0x237: {  	s9 =	sadd.s32 $0x1, s9;
	v3 =	vadd.f32 v9, v5;
	v5 =	vsel vm0, $0x0, v8;
	vm0 =	veq.s32 v2, $0x0  }
0x238: {  	s0 =	sand.u32 $0x3, s9;
	v2 =	vadd.f32 v5, v4;
	v4 =	vsel vm0, $0x0, v7;
	vm0 =	veq.s32 v1, $0x0  }
0x239: {  	s25 =	sadd.s32 $0x100, s25;
	s0 =	sshll.u32 s0, $0x5;
	v1 =	vadd.f32 v4, v3;
	v3 =	vsel vm0, $0x0, v6  }
0x23a: {  	s0 =	sadd.s32 s0, s25;
	v2 =	vadd.f32 v3, v2  }
0x23b: {  	s7 =	sadd.s32 $0x10, s0;
	[tilespmem:s15+$0x0] =	vst v1  }
0x23c: {  	s10 =	sor.u32 s25, s16;
	s14 =	sor.u32 $0x380, s7;
	[tilespmem:s20+$0x1C700] =	vst v2  }
0x23d: {  	s10 =	sor.u32 $0x380, s10;
	v1 =	vld [tilespmem:s14+$0x18700]  }
0x23e: {  	s7 =	sor.u32 $0x300, s7;
	s20 =	sand.u32 $0x1C00, s25;
	s14 =	sand.u32 $0x60, s16;
	v2 =	vld [tilespmem:s10+$0x18700]  }
0x23f: {  	s0 =	sor.u32 $0x300, s0;
	s20 =	sadd.s32 $0x18700, s20;
	s26 =	sor.u32 $0x10, s14;
	v3 =	vld [tilespmem:s7+$0x18700]  }
0x240: {  	s10 =	sor.u32 s26, s20;
	v4 =	vld [tilespmem:s0+$0x18700]  }
.Ltmp9:
0x241: {  	s14 =	sor.u32 s14, s20;
	v5 =	vld [tilespmem:s10+$0x280];
	(pc) =	sbr.rel @p0 .LBB2_19-.Ltmp9, $4  }
0x242: {  	v6 =	vld [tilespmem:s14+$0x280]  }
0x243: {  	s0 =	sand.u32 $0x380, s16;
	v7 =	vld [tilespmem:s10+$0x200]  }
0x244: {  	s20 =	sor.u32 s26, s0;
	v8 =	vld [tilespmem:s14+$0x200]  }
0x245: {  	s16 =	sadd.s32 $0x20, s16;
	v9 =	vld [tilespmem:s20+$0x1C700]  }
0x246: {  	v10 =	vld [tilespmem:s10+$0x180]  }
0x247: {  	v11 =	vld [tilespmem:s14+$0x0]  }
0x248: {  	v12 =	vld [tilespmem:s10+$0x0]  }
0x249: {  	v13 =	vld [tilespmem:s14+$0x80]  }
0x24a: {  	v14 =	vld [tilespmem:s10+$0x80]  }
0x24b: {  	v15 =	vld [tilespmem:s14+$0x100]  }
0x24c: {  	v16 =	vld [tilespmem:s10+$0x100]  }
0x24d: {  	v17 =	vld [tilespmem:s14+$0x180];
	s9 =	sadd.s32 $0x20, s15  }
0x24e: {  	v18 =	vld [tilespmem:s9+$0x0]  }
0x24f: {  	v19 =	vld.idx.msk [tilespmem:v11+s8+$0x0], $0xffff  }
0x250: {  	v20 =	vld.idx.msk [tilespmem:v12+s8+$0x0], $0xffff  }
0x251: {  	v21 =	vld.idx.msk [tilespmem:v13+s8+$0x0], $0xffff  }
0x252: {  	v22 =	vld.idx.msk [tilespmem:v14+s8+$0x0], $0xffff  }
0x253: {  	vm0 =	veq.s32 v11, $0x0;
	v23 =	vld.idx.msk [tilespmem:v15+s8+$0x0], $0xffff  }
0x254: {  	vm13 =	veq.s32 v12, $0x0;
	v38 =	vld.idx.msk [tilespmem:v16+s8+$0x0], $0xffff;
	v19 =	vsel vm0, $0x0, v19  }
0x255: {  	vm14 =	veq.s32 v13, $0x0;
	v39 =	vld.idx.msk [tilespmem:v17+s8+$0x0], $0xffff;
	v40 =	vsel vm13, $0x0, v20;
	v18 =	vadd.f32 v19, v18  }
0x256: {  	vm15 =	veq.s32 v14, $0x0;
	v41 =	vld.idx.msk [tilespmem:v10+s8+$0x0], $0xffff;
	v42 =	vsel vm14, $0x0, v21;
	v9 =	vadd.f32 v40, v9  }
0x257: {  	v43 =	vld.idx.msk [tilespmem:v8+s8+$0x0], $0xffff;
	vm4 =	veq.s32 v15, $0x0;
	v44 =	vsel vm15, $0x0, v22;
	v18 =	vadd.f32 v42, v18  }
0x258: {  	v45 =	vld.idx.msk [tilespmem:v7+s8+$0x0], $0xffff;
	vm5 =	veq.s32 v16, $0x0;
	v46 =	vsel vm4, $0x0, v23;
	v9 =	vadd.f32 v44, v9  }
0x259: {  	v47 =	vld.idx.msk [tilespmem:v6+s8+$0x0], $0xffff;
	vm6 =	veq.s32 v17, $0x0;
	v11 =	vsel vm5, $0x0, v38;
	v18 =	vadd.f32 v46, v18  }
0x25a: {  	v48 =	vld.idx.msk [tilespmem:v5+s8+$0x0], $0xffff;
	vm7 =	veq.s32 v10, $0x0;
	v49 =	vsel vm6, $0x0, v39;
	v9 =	vadd.f32 v11, v9  }
0x25b: {  	v50 =	vld.idx.msk [tilespmem:v4+s8+$0x0], $0xffff;
	vm8 =	veq.s32 v8, $0x0;
	v51 =	vsel vm7, $0x0, v41;
	v11 =	vadd.f32 v49, v18  }
0x25c: {  	v52 =	vld.idx.msk [tilespmem:v3+s8+$0x0], $0xffff;
	vm9 =	veq.s32 v7, $0x0;
	v53 =	vsel vm8, $0x0, v43;
	v9 =	vadd.f32 v51, v9  }
0x25d: {  	v54 =	vld.idx.msk [tilespmem:v2+s8+$0x0], $0xffff;
	vm10 =	veq.s32 v6, $0x0;
	v55 =	vsel vm9, $0x0, v45;
	v11 =	vadd.f32 v53, v11  }
0x25e: {  	v56 =	vld.idx.msk [tilespmem:v1+s8+$0x0], $0xffff;
	vm11 =	veq.s32 v5, $0x0;
	v57 =	vsel vm10, $0x0, v47;
	v9 =	vadd.f32 v55, v9  }
0x25f: {  	vm12 =	veq.s32 v4, $0x0;
	v59 =	vsel vm11, $0x0, v48;
	v58 =	vadd.f32 v57, v11  }
0x260: {  	v61 =	vsel vm12, $0x0, v50;
	vm13 =	veq.s32 v3, $0x0;
	v60 =	vadd.f32 v59, v9  }
0x261: {  	vm14 =	veq.s32 v2, $0x0;
	v62 =	vsel vm13, $0x0, v52;
	v3 =	vadd.f32 v61, v58  }
0x262: {  	vm15 =	veq.s32 v1, $0x0;
	v63 =	vsel vm14, $0x0, v54;
	v2 =	vadd.f32 v62, v60  }
0x263: {  	v1 =	vadd.f32 v63, v3;
	v3 =	vsel vm15, $0x0, v56  }
0x264: {  	v2 =	vadd.f32 v3, v2  }
0x265: {  	s0 =	sand.u32 $0x180, s8;
	[tilespmem:s9+$0x0] =	vst v1  }
0x266: {  	s7 =	simm.s32 $0x1CB00;
	s26 =	sand.u32 $0x70, s8;
	s0 =	sadd.s32 s0, s13;
	[tilespmem:s20+$0x1C700] =	vst v2  }
0x267: {  	s8 =	sadd.s32 s26, s0;
	v1 =	vld [tilespmem:s7+$0x0]  }
0x268: {  	v2 =	vld [tilespmem:s8+$0x0];
	_ =	sdelay $0x4  }
0x269: {  	s14 =	simm.s32 $0x10;
	s10 =	simm.s32 $0x20;
	s28 =	simm.s32 $0x1D080;
	v1 =	vadd.f32 v1, v2  }
0x26a: {  	s30 =	simm.s32 $0x1D300;
	s15 =	sand.u32 $0x180, s14;
	s9 =	simm.s32 $0x1CB10  }
.LBB2_21:
0x26b: {  	p0 =	sne.s32 s10, $0x1F0;
	s0 =	sand.u32 $0x70, s14;
	s7 =	sadd.s32 s15, s13;
	[tilespmem:s8+$0x0] =	vst v1  }
0x26c: {  	s14 =	smov.u32 s10;
	s8 =	sadd.s32 s0, s7;
	v1 =	vld [tilespmem:s9+$0x0]  }
0x26d: {  	v2 =	vld [tilespmem:s8+$0x0];
	_ =	sdelay $0x1  }
.Ltmp10:
0x26e: {  	(pc) =	sbr.rel @p0 .LBB2_21-.Ltmp10, $3  }
0x26f: {  	_ =	sdelay $0x1  }
0x270: {  	v1 =	vadd.f32 v1, v2  }
0x271: {  	s10 =	sadd.s32 $0x10, s10;
	s15 =	sand.u32 $0x180, s14;
	s9 =	sadd.s32 $0x10, s9  }
0x272: {  	s0 =	sand.u32 $0x70, s14;
	s7 =	sadd.s32 s15, s13;
	[tilespmem:s8+$0x0] =	vst v1  }
0x273: {  	s0 =	sadd.s32 s0, s7;
	v1 =	vld [tilespmem:s9+$0x0]  }
0x274: {  	v2 =	vld [tilespmem:s0+$0x0];
	_ =	sdelay $0x4  }
0x275: {  	v1 =	vadd.f32 v1, v2;
	_ =	sdelay $0x1  }
0x276: {  	s20 =	rddreg [dreg:$0x13];
	s25 =	simm.s32 $0x1C700;
	[tilespmem:s0+$0x0] =	vst v1  }
0x277: {  	[hbm4b:s20+s6] =	stream.linear.scatter [tilespmem:s25], [sflag:$0x6], $0x400, $0x38;
	[tilespmem:$0x1D500] =	vst v63  }
0x278: {  	_ =	swait.ge [sflag:s24], $0x400  }
0x279: {  	s2 =	sadd.s32 $0x1, s2;
	s26 =	rddreg [dreg:$0x14]  }
0x27a: {  	p0 =	sne.s32 s2, s26  }
.Ltmp11:
0x27b: {  	_ = 	snop;
	(pc) =	sbr.rel @p0 .LBB2_1-.Ltmp11, $4  }
0x27c: {  	_ = 	snop  }
0x27d: {  	s14 =	simm.s32 $0x1CF00;
	s15 =	simm.s32 $0x1CD80  }
0x27e: {  	s16 =	simm.s32 $0x1CF80;
	s20 =	simm.s32 $0x1CE00;
	[sflag:s24] =	ssyncset.done $0x0  }
0x27f: {  	s25 =	simm.s32 $0x1D000;
	[sflag:s24] =	ssyncadd.s32 $0xFFFFFC00;
	s26 =	simm.s32 $0x1CE80  }
0x280: {  	_ =	sfence.sel $0x180000  }
0x281: {  	[bflag:$0x0] =	sbarrier.arrive $0xFFFF  }
0x282: {  	_ =	strace $0x90000047  }
0x283: {  	s0 =	stileid.u32;
	[bflag:$0x2] =	sbarrier.arrive $0xFFFF  }
0x284: {  	p0 =	sne.s32 s0, $0x0;
	s0 =	rddreg [dreg:$0xc]  }
0x285: {  	s0 =	sadd.s32 @!p0 $0x100000, s0  }
0x286: {  	[sflag:s0] =	ssyncadd.tile.s32 @!p0 $0x1;
	_ =	shalt  }
.Lfunc_end2:
_tile_overlayer_lowered:
.L_overlay_start_2:
0x287: {  	(tag) =	ssettag $0x2  }
0x288: {  	s0 =	rddreg [dreg:$0x0];
	s2 =	stileid.u32  }
0x289: {  	s1 =	rddreg [dreg:$0x1];
	p0 =	sne.s32 s2, $0x0  }
0x28a: {  	s3 =	rddreg [dreg:$0x2];
	[bflag:$0x3] =	sbarrier.arrive $0xFFFF;
	s2 =	simm.s32 @!p0 $0x1C06  }
0x28b: {  	[timem:s3], [sflag:s2] =	dma.local @!p0 [hbm:s0], s1  }
0x28c: {  	s0 =	simm.s32 @!p0 $0x6  }
0x28d: {  	_ =	swait.ge @!p0 [sflag:s0], s1  }
0x28e: {  	s1 =	ssub.s32 @!p0 $0x0, s1;
	[sflag:s0] =	ssyncset.done @!p0 $0x0  }
0x28f: {  	[sflag:s0] =	ssyncadd.s32 @!p0 s1  }
0x290: {  	[bflag:$0x3] =	sbarrier.arrive $0xFFFF  }
0x291: {  	_ =	shalt  }

</sc_bundles>
